<compile_context>
chip_gen: v7x
topology: tpu7x:2x2x1
jax: 0.10.2.dev20260603
libtpu: 0.0.44.dev20260713+nightly
codegen_flags: <defaults>
</compile_context>

<pallas_src>
import functools

import jax
import jax.numpy as jnp
from jax import lax
from jax.experimental import pallas as pl
from jax.experimental.pallas import tpu as pltpu
from jax.experimental.pallas import tpu_sc as plsc

ROWS = 128
COLS = 65536
HALF = COLS // 2
LANES = 16
SUB = 8
R_SC = 32
R_TC = ROWS - R_SC
NQ = 4
QCOLS = HALF // NQ
CHUNK_C = 1024
NBUF = 4
NCHUNKS = QCOLS // CHUNK_C
NEG_INF = float("-inf")
BIG_I32 = 2**31 - 1

TC_RB = 32
TC_NR = R_TC // TC_RB
TC_NACC = 4
TC_UNROLL = 8


def _shuffle(x, idx):
  dnums = lax.GatherDimensionNumbers(
      offset_dims=(), collapsed_slice_dims=(0,), start_index_map=(0,))
  return lax.gather(
      x, idx[:, None], dimension_numbers=dnums, slice_sizes=(1,),
      mode=lax.GatherScatterMode.PROMISE_IN_BOUNDS)


def _take(mx, bi, omx, obi):
  take = (omx > mx) | ((omx == mx) & (obi < bi))
  return lax.select(take, omx, mx), lax.select(take, obi, bi)


def _lane_argmax(mx, bi, iota):
  for sh in (8, 4, 2, 1):
    idx = iota ^ sh
    mx, bi = _take(mx, bi, _shuffle(mx, idx), _shuffle(bi, idx))
  return bi


def _sc_body(x_hbm, start_hbm, end_hbm,
             b0, b1, b2, b3, mx_buf, bi_buf, res_buf,
             sh_mx, sh_bi, s0, s1, s2, s3):
  cid = lax.axis_index("c")
  sid = lax.axis_index("s")
  rblock = sid // NQ
  q = sid % NQ
  row0 = rblock * SUB
  col0 = cid * HALF + q * QCOLS
  qcol0 = q * QCOLS

  iota = lax.iota(jnp.int32, LANES)
  bufs = (b0, b1, b2, b3)
  sems = (s0, s1, s2, s3)

  def issue(c, b):
    pltpu.async_copy(
        x_hbm.at[pl.ds(row0, SUB), pl.ds(col0 + c * CHUNK_C, CHUNK_C)],
        bufs[b], sems[b])

  def drain(b):
    pltpu.make_async_copy(
        x_hbm.at[pl.ds(row0, SUB), pl.ds(col0, CHUNK_C)],
        bufs[b], sems[b]).wait()

  for b in range(NBUF):
    issue(b, b)

  neg = jnp.full((LANES,), NEG_INF, jnp.float32)
  zero = jnp.zeros((LANES,), jnp.int32)

  def chunk_fold(buf, chunk_col, mxs, bis):
    def step(g, carry):
      mxs_c, bis_c = carry
      new_mx = list(mxs_c)
      new_bi = list(bis_c)
      col = g * LANES
      cur = iota + (chunk_col + col)
      for s in range(SUB):
        v = buf[s, pl.ds(col, LANES)]
        m = v > new_mx[s]
        new_mx[s] = lax.select(m, v, new_mx[s])
        new_bi[s] = lax.select(m, cur, new_bi[s])
      return tuple(new_mx), tuple(new_bi)

    return lax.fori_loop(0, CHUNK_C // LANES, step, (mxs, bis))

  n_rounds = NCHUNKS // NBUF - 1

  def round_body(r, carry):
    mxs, bis = carry
    for b in range(NBUF):
      c = r * NBUF + b
      drain(b)
      mxs, bis = chunk_fold(bufs[b], qcol0 + c * CHUNK_C, mxs, bis)
      issue(c + NBUF, b)
    return mxs, bis

  mxs, bis = lax.fori_loop(
      0, n_rounds, round_body,
      (tuple([neg] * SUB), tuple([zero] * SUB)))

  for b in range(NBUF):
    c = (NCHUNKS - NBUF) + b
    drain(b)
    mxs, bis = chunk_fold(bufs[b], qcol0 + c * CHUNK_C, mxs, bis)
  mxs, bis = list(mxs), list(bis)

  for s in range(SUB):
    mx_buf[pl.ds(s * LANES, LANES)] = mxs[s]
    bi_buf[pl.ds(s * LANES, LANES)] = bis[s]
  slot = SUB * LANES
  pltpu.sync_copy(mx_buf, sh_mx.at[pl.ds(sid * slot, slot)])
  pltpu.sync_copy(bi_buf, sh_bi.at[pl.ds(sid * slot, slot)])
  plsc.subcore_barrier()

  @pl.when(q == 0)
  def _():
    mx_l = list(mxs)
    bi_l = list(bis)
    for dq in range(1, NQ):
      pltpu.sync_copy(sh_mx.at[pl.ds((sid + dq) * slot, slot)], mx_buf)
      pltpu.sync_copy(sh_bi.at[pl.ds((sid + dq) * slot, slot)], bi_buf)
      for s in range(SUB):
        mx_l[s], bi_l[s] = _take(
            mx_l[s], bi_l[s],
            mx_buf[pl.ds(s * LANES, LANES)],
            bi_buf[pl.ds(s * LANES, LANES)])
    res_v = jnp.zeros((LANES,), jnp.int32)
    for s in range(SUB):
      idx_v = _lane_argmax(mx_l[s], bi_l[s], iota)
      res_v = lax.select(iota == s, idx_v, res_v)
    res_buf[...] = res_v

    @pl.when(cid == 0)
    def _():
      pltpu.sync_copy(res_buf.at[pl.ds(0, SUB)],
                      start_hbm.at[pl.ds(row0, SUB)])

    @pl.when(cid == 1)
    def _():
      pltpu.sync_copy(res_buf.at[pl.ds(0, SUB)],
                      end_hbm.at[pl.ds(row0, SUB)])


def _sc_argmax(x):
  mesh = plsc.VectorSubcoreMesh(core_axis_name="c", subcore_axis_name="s")
  run = functools.partial(
      pl.kernel,
      out_type=(jax.ShapeDtypeStruct((R_SC,), jnp.int32),
                jax.ShapeDtypeStruct((R_SC,), jnp.int32)),
      mesh=mesh,
      scratch_types=(
          [pltpu.VMEM((SUB, CHUNK_C), jnp.float32)] * NBUF
          + [pltpu.VMEM((SUB * LANES,), jnp.float32),
             pltpu.VMEM((SUB * LANES,), jnp.int32),
             pltpu.VMEM((LANES,), jnp.int32),
             pltpu.VMEM_SHARED((16 * SUB * LANES,), jnp.float32),
             pltpu.VMEM_SHARED((16 * SUB * LANES,), jnp.int32)]
          + [pltpu.SemaphoreType.DMA] * NBUF
      ),
      compiler_params=pltpu.CompilerParams(use_tc_tiling_on_sc=True),
  )(_sc_body)
  return run(x)


def _tc_kernel(x_ref, out_ref):
  lane = lax.broadcasted_iota(jnp.int32, (TC_RB, 128), 1)
  neg = jnp.full((TC_RB, 128), NEG_INF, jnp.float32)
  zero = jnp.zeros((TC_RB, 128), jnp.int32)

  def step(i, carry):
    mxs, bis = carry
    new_mx = list(mxs)
    new_bi = list(bis)
    for u in range(TC_UNROLL):
      a = u % TC_NACC
      v = i * TC_UNROLL + u
      val = x_ref[:, pl.ds(v * 128, 128)]
      cur = lane + v * 128
      m = val > new_mx[a]
      new_mx[a] = jnp.where(m, val, new_mx[a])
      new_bi[a] = jnp.where(m, cur, new_bi[a])
    return tuple(new_mx), tuple(new_bi)

  n_iters = HALF // 128 // TC_UNROLL
  mxs, bis = lax.fori_loop(
      0, n_iters, step, (tuple([neg] * TC_NACC), tuple([zero] * TC_NACC)))

  mx, bi = mxs[0], bis[0]
  for a in range(1, TC_NACC):
    take = (mxs[a] > mx) | ((mxs[a] == mx) & (bis[a] < bi))
    mx = jnp.where(take, mxs[a], mx)
    bi = jnp.where(take, bis[a], bi)
  mbest = jnp.max(mx, axis=1, keepdims=True)
  cand = jnp.where(mx == mbest, bi, BIG_I32)
  idx = jnp.min(cand, axis=1).astype(jnp.int32)
  out_ref[...] = idx.reshape(1, 1, 1, TC_RB)


def _tc_argmax(x):
  return pl.pallas_call(
      _tc_kernel,
      grid=(2, TC_NR),
      in_specs=[pl.BlockSpec(
          (TC_RB, HALF),
          lambda h, r: (r + R_SC // TC_RB, h))],
      out_specs=pl.BlockSpec((1, 1, 1, TC_RB), lambda h, r: (h, r, 0, 0)),
      out_shape=jax.ShapeDtypeStruct((2, TC_NR, 1, TC_RB), jnp.int32),
  )(x)


@jax.jit
def _argmax_halves(x):
  sc_start, sc_end = _sc_argmax(x)
  tc_out = _tc_argmax(x)
  start = jnp.concatenate([sc_start, tc_out[0].reshape(R_TC)])
  end = jnp.concatenate([sc_end, tc_out[1].reshape(R_TC)])
  return start, end


def kernel(inputs):
  start, end = _argmax_halves(inputs)
  return (start, end)

# --- scband reference (transcript-rebuilt; emitter-appended) ---
"""Pipeline reference for scband-argmax-29102698398337 (READ-ONLY COPY).

The authoritative reference and input builder live on the scoring server;
editing this copy changes nothing except your own understanding.
"""

import jax, jax.numpy as jnp
import numpy as np


def setup_inputs(seed: int = 0) -> dict:
    key = jax.random.key(seed)
    inputs = jax.random.normal(key, (128, 65536), dtype=jnp.float32)
    return {"inputs": inputs}


def reference(inputs):
    # Faithful translation of the Keras Argmax layer's call():
    #   P = last_dim // 2
    #   start = argmax over first half, end = argmax over second half
    P = inputs.shape[-1] // 2
    start = jnp.argmax(inputs[:, :P], axis=-1)
    end = jnp.argmax(inputs[:, P:], axis=-1)
    return (start, end)

if __name__ == "__main__":
    import jax
    _d = setup_inputs()
    print(jax.jit(kernel)(*tuple(_d.values())))

</pallas_src>

<mosaic_0001>
#map = affine_map<(d0, d1) -> (0, 0)>
#map1 = affine_map<(d0, d1) -> (0)>
module attributes {stable_mosaic.version = 14 : i64} {
  func.func @_sc_body(%arg0: i32, %arg1: i32, %arg2: memref<128x65536xf32, #tpu.memory_space<hbm>>, %arg3: memref<32xi32, #tpu.memory_space<hbm>>, %arg4: memref<32xi32, #tpu.memory_space<hbm>>, %arg5: memref<8x1024xf32, #tpu.memory_space<vmem>>, %arg6: memref<8x1024xf32, #tpu.memory_space<vmem>>, %arg7: memref<8x1024xf32, #tpu.memory_space<vmem>>, %arg8: memref<8x1024xf32, #tpu.memory_space<vmem>>, %arg9: memref<128xf32, #tpu.memory_space<vmem>>, %arg10: memref<128xi32, #tpu.memory_space<vmem>>, %arg11: memref<16xi32, #tpu.memory_space<vmem>>, %arg12: memref<2048xf32, #tpu.memory_space<vmem_shared>>, %arg13: memref<2048xi32, #tpu.memory_space<vmem_shared>>, %arg14: memref<!tpu.dma_semaphore, #tpu.memory_space<semaphore_mem>>, %arg15: memref<!tpu.dma_semaphore, #tpu.memory_space<semaphore_mem>>, %arg16: memref<!tpu.dma_semaphore, #tpu.memory_space<semaphore_mem>>, %arg17: memref<!tpu.dma_semaphore, #tpu.memory_space<semaphore_mem>>) attributes {dimension_semantics = [#tpu.dimension_semantics<core_parallel>, #tpu.dimension_semantics<subcore_parallel>], iteration_bounds = array<i64: 2, 16>, scalar_prefetch = 0 : i64, scratch_operands = 13 : i64, tpu.core_type = #tpu.core_type<sc_vector_subcore>, window_params = [{transform_indices = #map}, {transform_indices = #map1}, {transform_indices = #map1}]} {
    %jit3A = arith.constant 4 : i32
    %div3A = arith.divsi %arg1, %jit3A : i32
    %sign3A = arith.constant 0 : i32
    %sign3A_0 = arith.cmpi sgt, %arg1, %sign3A : i32
    %sign3A_1 = arith.extui %sign3A_0 : i1 to i32
    %sign3A_2 = arith.constant 0 : i32
    %sign3A_3 = arith.cmpi slt, %arg1, %sign3A_2 : i32
    %sign3A_4 = arith.extui %sign3A_3 : i1 to i32
    %sign3A_5 = arith.subi %sign3A_1, %sign3A_4 : i32
    %sign3A_6 = arith.constant 0 : i32
    %sign3A_7 = arith.cmpi sgt, %jit3A, %sign3A_6 : i32
    %sign3A_8 = arith.extui %sign3A_7 : i1 to i32
    %sign3A_9 = arith.constant 0 : i32
    %sign3A_10 = arith.cmpi slt, %jit3A, %sign3A_9 : i32
    %sign3A_11 = arith.extui %sign3A_10 : i1 to i32
    %sign3A_12 = arith.subi %sign3A_8, %sign3A_11 : i32
    %ne3A = arith.cmpi ne, %sign3A_5, %sign3A_12 : i32
    %rem3A = arith.remsi %arg1, %jit3A : i32
    %ne3A_13 = arith.constant 0 : i32
    %ne3A_14 = arith.cmpi ne, %rem3A, %ne3A_13 : i32
    %and3A = arith.andi %ne3A, %ne3A_14 : i1
    %sub3A = arith.constant 1 : i32
    %sub3A_15 = arith.subi %div3A, %sub3A : i32
    %select_n3A = arith.select %and3A, %sub3A_15, %div3A : i32
    %jit3A_16 = arith.constant 4 : i32
    %eq3A = arith.constant 0 : i32
    %eq3A_17 = arith.cmpi eq, %jit3A_16, %eq3A : i32
    %jit3A_18 = arith.constant 1 : i32
    %select_n3A_19 = arith.select %eq3A_17, %jit3A_18, %jit3A_16 : i32
    %rem3A_20 = arith.remsi %arg1, %select_n3A_19 : i32
    %ne3A_21 = arith.constant 0 : i32
    %ne3A_22 = arith.cmpi ne, %rem3A_20, %ne3A_21 : i32
    %lt3A = arith.constant 0 : i32
    %lt3A_23 = arith.cmpi slt, %rem3A_20, %lt3A : i32
    %lt3A_24 = arith.constant 0 : i32
    %lt3A_25 = arith.cmpi slt, %select_n3A_19, %lt3A_24 : i32
    %ne3A_26 = arith.xori %lt3A_23, %lt3A_25 : i1
    %and3A_27 = arith.andi %ne3A_26, %ne3A_22 : i1
    %add3A = arith.addi %rem3A_20, %select_n3A_19 : i32
    %select_n3A_28 = arith.select %and3A_27, %add3A, %rem3A_20 : i32
    %mul3A = arith.constant 8 : i32
    %mul3A_29 = arith.muli %select_n3A, %mul3A : i32
    %mul3A_30 = arith.constant 32768 : i32
    %mul3A_31 = arith.muli %arg0, %mul3A_30 : i32
    %mul3A_32 = arith.constant 8192 : i32
    %mul3A_33 = arith.muli %select_n3A_28, %mul3A_32 : i32
    %add3A_34 = arith.addi %mul3A_31, %mul3A_33 : i32
    %mul3A_35 = arith.constant 8192 : i32
    %mul3A_36 = arith.muli %select_n3A_28, %mul3A_35 : i32
    %iota3A = tpu.iota {dimensions = array<i32: 0>} : vector<16xi32>
    %add3A_37 = arith.constant 0 : i32
    %add3A_38 = arith.addi %add3A_34, %add3A_37 : i32
    %dma_start3A = tpu.memref_slice %arg2[%mul3A_29, %add3A_38] : memref<128x65536xf32, #tpu.memory_space<hbm>> -> memref<8x1024xf32, #tpu.memory_space<hbm>>
    %dma_start3A_39 = tpu.memref_slice %arg2[%mul3A_29, %add3A_38] : memref<128x65536xf32, #tpu.memory_space<hbm>> -> memref<8x1024xf32, #tpu.memory_space<hbm>>
    tpu.enqueue_dma source(%dma_start3A_39 : memref<8x1024xf32, #tpu.memory_space<hbm>>) target(%arg5 : memref<8x1024xf32, #tpu.memory_space<vmem>>) target_semaphore(%arg14 : memref<!tpu.dma_semaphore, #tpu.memory_space<semaphore_mem>>)
    %add3A_40 = arith.constant 1024 : i32
    %add3A_41 = arith.addi %add3A_34, %add3A_40 : i32
    %dma_start3A_42 = tpu.memref_slice %arg2[%mul3A_29, %add3A_41] : memref<128x65536xf32, #tpu.memory_space<hbm>> -> memref<8x1024xf32, #tpu.memory_space<hbm>>
    %dma_start3A_43 = tpu.memref_slice %arg2[%mul3A_29, %add3A_41] : memref<128x65536xf32, #tpu.memory_space<hbm>> -> memref<8x1024xf32, #tpu.memory_space<hbm>>
    tpu.enqueue_dma source(%dma_start3A_43 : memref<8x1024xf32, #tpu.memory_space<hbm>>) target(%arg6 : memref<8x1024xf32, #tpu.memory_space<vmem>>) target_semaphore(%arg15 : memref<!tpu.dma_semaphore, #tpu.memory_space<semaphore_mem>>)
    %add3A_44 = arith.constant 2048 : i32
    %add3A_45 = arith.addi %add3A_34, %add3A_44 : i32
    %dma_start3A_46 = tpu.memref_slice %arg2[%mul3A_29, %add3A_45] : memref<128x65536xf32, #tpu.memory_space<hbm>> -> memref<8x1024xf32, #tpu.memory_space<hbm>>
    %dma_start3A_47 = tpu.memref_slice %arg2[%mul3A_29, %add3A_45] : memref<128x65536xf32, #tpu.memory_space<hbm>> -> memref<8x1024xf32, #tpu.memory_space<hbm>>
    tpu.enqueue_dma source(%dma_start3A_47 : memref<8x1024xf32, #tpu.memory_space<hbm>>) target(%arg7 : memref<8x1024xf32, #tpu.memory_space<vmem>>) target_semaphore(%arg16 : memref<!tpu.dma_semaphore, #tpu.memory_space<semaphore_mem>>)
    %add3A_48 = arith.constant 3072 : i32
    %add3A_49 = arith.addi %add3A_34, %add3A_48 : i32
    %dma_start3A_50 = tpu.memref_slice %arg2[%mul3A_29, %add3A_49] : memref<128x65536xf32, #tpu.memory_space<hbm>> -> memref<8x1024xf32, #tpu.memory_space<hbm>>
    %dma_start3A_51 = tpu.memref_slice %arg2[%mul3A_29, %add3A_49] : memref<128x65536xf32, #tpu.memory_space<hbm>> -> memref<8x1024xf32, #tpu.memory_space<hbm>>
    tpu.enqueue_dma source(%dma_start3A_51 : memref<8x1024xf32, #tpu.memory_space<hbm>>) target(%arg8 : memref<8x1024xf32, #tpu.memory_space<vmem>>) target_semaphore(%arg17 : memref<!tpu.dma_semaphore, #tpu.memory_space<semaphore_mem>>)
    %broadcast_in_dim3A = arith.constant 0xFF800000 : f32
    %broadcast_in_dim3A_52 = vector.broadcast %broadcast_in_dim3A : f32 to vector<16xf32>
    %broadcast_in_dim3A_53 = arith.constant 0 : i32
    %broadcast_in_dim3A_54 = vector.broadcast %broadcast_in_dim3A_53 : i32 to vector<16xi32>
    %scan3A = arith.constant 0 : i32
    %mul3A_55 = arith.constant 4 : i32
    %mul3A_56 = arith.muli %scan3A, %mul3A_55 : i32
    %add3A_57 = arith.constant 0 : i32
    %add3A_58 = arith.addi %mul3A_56, %add3A_57 : i32
    %dma_wait3A = tpu.memref_slice %arg2[%mul3A_29, %add3A_34] : memref<128x65536xf32, #tpu.memory_space<hbm>> -> memref<8x1024xf32, #tpu.memory_space<hbm>>
    %dma_wait3A_59 = tpu.memref_slice %arg2[%mul3A_29, %add3A_34] : memref<128x65536xf32, #tpu.memory_space<hbm>> -> memref<8x1024xf32, #tpu.memory_space<hbm>>
    tpu.wait_dma2 semaphore(%arg14 : memref<!tpu.dma_semaphore, #tpu.memory_space<semaphore_mem>>) src(%dma_wait3A_59 : memref<8x1024xf32, #tpu.memory_space<hbm>>) dst(%arg5 : memref<8x1024xf32, #tpu.memory_space<vmem>>)
    %mul3A_60 = arith.constant 1024 : i32
    %mul3A_61 = arith.muli %add3A_58, %mul3A_60 : i32
    %add3A_62 = arith.addi %mul3A_36, %mul3A_61 : i32
    %scan3A_63 = arith.constant 0 : i32
    %scan3A_64 = arith.constant 64 : i32
    %scan3A_65 = arith.addi %scan3A_63, %scan3A_64 : i32
    %scan3A_66 = arith.constant 1 : i32
    %scan3A_67:16 = scf.for %scan3A_253 = %scan3A_63 to %scan3A_65 step %scan3A_66 iter_args(%scan3A_254 = %broadcast_in_dim3A_52, %scan3A_255 = %broadcast_in_dim3A_52, %scan3A_256 = %broadcast_in_dim3A_52, %scan3A_257 = %broadcast_in_dim3A_52, %scan3A_258 = %broadcast_in_dim3A_52, %scan3A_259 = %broadcast_in_dim3A_52, %scan3A_260 = %broadcast_in_dim3A_52, %scan3A_261 = %broadcast_in_dim3A_52, %scan3A_262 = %broadcast_in_dim3A_54, %scan3A_263 = %broadcast_in_dim3A_54, %scan3A_264 = %broadcast_in_dim3A_54, %scan3A_265 = %broadcast_in_dim3A_54, %scan3A_266 = %broadcast_in_dim3A_54, %scan3A_267 = %broadcast_in_dim3A_54, %scan3A_268 = %broadcast_in_dim3A_54, %scan3A_269 = %broadcast_in_dim3A_54) -> (vector<16xf32>, vector<16xf32>, vector<16xf32>, vector<16xf32>, vector<16xf32>, vector<16xf32>, vector<16xf32>, vector<16xf32>, vector<16xi32>, vector<16xi32>, vector<16xi32>, vector<16xi32>, vector<16xi32>, vector<16xi32>, vector<16xi32>, vector<16xi32>)  : i32 {
      %mul3A_270 = arith.constant 16 : i32
      %mul3A_271 = arith.muli %scan3A_253, %mul3A_270 : i32
      %add3A_272 = arith.addi %add3A_62, %mul3A_271 : i32
      %add3A_273 = vector.broadcast %add3A_272 : i32 to vector<16xi32>
      %add3A_274 = arith.addi %iota3A, %add3A_273 : vector<16xi32>
      %get3A = arith.constant 0 : i32
      %get3A_275 = arith.index_cast %get3A : i32 to index
      %get3A_276 = arith.index_cast %mul3A_271 : i32 to index
      %get3A_277 = tpu.vector_load %arg5[%get3A_275, %get3A_276] {strides = array<i32>} : memref<8x1024xf32, #tpu.memory_space<vmem>>, vector<1x16xf32>,
      %get3A_278 = vector.shape_cast %get3A_277 : vector<1x16xf32> to vector<16xf32>
      %gt3A = arith.cmpf ogt, %get3A_278, %scan3A_254 : vector<16xf32>
      %select_n3A_279 = arith.select %gt3A, %get3A_278, %scan3A_254 : vector<16xi1>, vector<16xf32>
      %select_n3A_280 = arith.select %gt3A, %add3A_274, %scan3A_262 : vector<16xi1>, vector<16xi32>
      %get3A_281 = arith.constant 1 : i32
      %get3A_282 = arith.index_cast %get3A_281 : i32 to index
      %get3A_283 = arith.index_cast %mul3A_271 : i32 to index
      %get3A_284 = tpu.vector_load %arg5[%get3A_282, %get3A_283] {strides = array<i32>} : memref<8x1024xf32, #tpu.memory_space<vmem>>, vector<1x16xf32>,
      %get3A_285 = vector.shape_cast %get3A_284 : vector<1x16xf32> to vector<16xf32>
      %gt3A_286 = arith.cmpf ogt, %get3A_285, %scan3A_255 : vector<16xf32>
      %select_n3A_287 = arith.select %gt3A_286, %get3A_285, %scan3A_255 : vector<16xi1>, vector<16xf32>
      %select_n3A_288 = arith.select %gt3A_286, %add3A_274, %scan3A_263 : vector<16xi1>, vector<16xi32>
      %get3A_289 = arith.constant 2 : i32
      %get3A_290 = arith.index_cast %get3A_289 : i32 to index
      %get3A_291 = arith.index_cast %mul3A_271 : i32 to index
      %get3A_292 = tpu.vector_load %arg5[%get3A_290, %get3A_291] {strides = array<i32>} : memref<8x1024xf32, #tpu.memory_space<vmem>>, vector<1x16xf32>,
      %get3A_293 = vector.shape_cast %get3A_292 : vector<1x16xf32> to vector<16xf32>
      %gt3A_294 = arith.cmpf ogt, %get3A_293, %scan3A_256 : vector<16xf32>
      %select_n3A_295 = arith.select %gt3A_294, %get3A_293, %scan3A_256 : vector<16xi1>, vector<16xf32>
      %select_n3A_296 = arith.select %gt3A_294, %add3A_274, %scan3A_264 : vector<16xi1>, vector<16xi32>
      %get3A_297 = arith.constant 3 : i32
      %get3A_298 = arith.index_cast %get3A_297 : i32 to index
      %get3A_299 = arith.index_cast %mul3A_271 : i32 to index
      %get3A_300 = tpu.vector_load %arg5[%get3A_298, %get3A_299] {strides = array<i32>} : memref<8x1024xf32, #tpu.memory_space<vmem>>, vector<1x16xf32>,
      %get3A_301 = vector.shape_cast %get3A_300 : vector<1x16xf32> to vector<16xf32>
      %gt3A_302 = arith.cmpf ogt, %get3A_301, %scan3A_257 : vector<16xf32>
      %select_n3A_303 = arith.select %gt3A_302, %get3A_301, %scan3A_257 : vector<16xi1>, vector<16xf32>
      %select_n3A_304 = arith.select %gt3A_302, %add3A_274, %scan3A_265 : vector<16xi1>, vector<16xi32>
      %get3A_305 = arith.constant 4 : i32
      %get3A_306 = arith.index_cast %get3A_305 : i32 to index
      %get3A_307 = arith.index_cast %mul3A_271 : i32 to index
      %get3A_308 = tpu.vector_load %arg5[%get3A_306, %get3A_307] {strides = array<i32>} : memref<8x1024xf32, #tpu.memory_space<vmem>>, vector<1x16xf32>,
      %get3A_309 = vector.shape_cast %get3A_308 : vector<1x16xf32> to vector<16xf32>
      %gt3A_310 = arith.cmpf ogt, %get3A_309, %scan3A_258 : vector<16xf32>
      %select_n3A_311 = arith.select %gt3A_310, %get3A_309, %scan3A_258 : vector<16xi1>, vector<16xf32>
      %select_n3A_312 = arith.select %gt3A_310, %add3A_274, %scan3A_266 : vector<16xi1>, vector<16xi32>
      %get3A_313 = arith.constant 5 : i32
      %get3A_314 = arith.index_cast %get3A_313 : i32 to index
      %get3A_315 = arith.index_cast %mul3A_271 : i32 to index
      %get3A_316 = tpu.vector_load %arg5[%get3A_314, %get3A_315] {strides = array<i32>} : memref<8x1024xf32, #tpu.memory_space<vmem>>, vector<1x16xf32>,
      %get3A_317 = vector.shape_cast %get3A_316 : vector<1x16xf32> to vector<16xf32>
      %gt3A_318 = arith.cmpf ogt, %get3A_317, %scan3A_259 : vector<16xf32>
      %select_n3A_319 = arith.select %gt3A_318, %get3A_317, %scan3A_259 : vector<16xi1>, vector<16xf32>
      %select_n3A_320 = arith.select %gt3A_318, %add3A_274, %scan3A_267 : vector<16xi1>, vector<16xi32>
      %get3A_321 = arith.constant 6 : i32
      %get3A_322 = arith.index_cast %get3A_321 : i32 to index
      %get3A_323 = arith.index_cast %mul3A_271 : i32 to index
      %get3A_324 = tpu.vector_load %arg5[%get3A_322, %get3A_323] {strides = array<i32>} : memref<8x1024xf32, #tpu.memory_space<vmem>>, vector<1x16xf32>,
      %get3A_325 = vector.shape_cast %get3A_324 : vector<1x16xf32> to vector<16xf32>
      %gt3A_326 = arith.cmpf ogt, %get3A_325, %scan3A_260 : vector<16xf32>
      %select_n3A_327 = arith.select %gt3A_326, %get3A_325, %scan3A_260 : vector<16xi1>, vector<16xf32>
      %select_n3A_328 = arith.select %gt3A_326, %add3A_274, %scan3A_268 : vector<16xi1>, vector<16xi32>
      %get3A_329 = arith.constant 7 : i32
      %get3A_330 = arith.index_cast %get3A_329 : i32 to index
      %get3A_331 = arith.index_cast %mul3A_271 : i32 to index
      %get3A_332 = tpu.vector_load %arg5[%get3A_330, %get3A_331] {strides = array<i32>} : memref<8x1024xf32, #tpu.memory_space<vmem>>, vector<1x16xf32>,
      %get3A_333 = vector.shape_cast %get3A_332 : vector<1x16xf32> to vector<16xf32>
      %gt3A_334 = arith.cmpf ogt, %get3A_333, %scan3A_261 : vector<16xf32>
      %select_n3A_335 = arith.select %gt3A_334, %get3A_333, %scan3A_261 : vector<16xi1>, vector<16xf32>
      %select_n3A_336 = arith.select %gt3A_334, %add3A_274, %scan3A_269 : vector<16xi1>, vector<16xi32>
      scf.yield %select_n3A_279, %select_n3A_287, %select_n3A_295, %select_n3A_303, %select_n3A_311, %select_n3A_319, %select_n3A_327, %select_n3A_335, %select_n3A_280, %select_n3A_288, %select_n3A_296, %select_n3A_304, %select_n3A_312, %select_n3A_320, %select_n3A_328, %select_n3A_336 : vector<16xf32>, vector<16xf32>, vector<16xf32>, vector<16xf32>, vector<16xf32>, vector<16xf32>, vector<16xf32>, vector<16xf32>, vector<16xi32>, vector<16xi32>, vector<16xi32>, vector<16xi32>, vector<16xi32>, vector<16xi32>, vector<16xi32>, vector<16xi32>
    }
    %scan3A_68 = arith.constant 64 : i32
    %add3A_69 = arith.constant 4 : i32
    %add3A_70 = arith.addi %add3A_58, %add3A_69 : i32
    %mul3A_71 = arith.constant 1024 : i32
    %mul3A_72 = arith.muli %add3A_70, %mul3A_71 : i32
    %add3A_73 = arith.addi %add3A_34, %mul3A_72 : i32
    %dma_start3A_74 = tpu.memref_slice %arg2[%mul3A_29, %add3A_73] : memref<128x65536xf32, #tpu.memory_space<hbm>> -> memref<8x1024xf32, #tpu.memory_space<hbm>>
    %dma_start3A_75 = tpu.memref_slice %arg2[%mul3A_29, %add3A_73] : memref<128x65536xf32, #tpu.memory_space<hbm>> -> memref<8x1024xf32, #tpu.memory_space<hbm>>
    tpu.enqueue_dma source(%dma_start3A_75 : memref<8x1024xf32, #tpu.memory_space<hbm>>) target(%arg5 : memref<8x1024xf32, #tpu.memory_space<vmem>>) target_semaphore(%arg14 : memref<!tpu.dma_semaphore, #tpu.memory_space<semaphore_mem>>)
    %mul3A_76 = arith.constant 4 : i32
    %mul3A_77 = arith.muli %scan3A, %mul3A_76 : i32
    %add3A_78 = arith.constant 1 : i32
    %add3A_79 = arith.addi %mul3A_77, %add3A_78 : i32
    %dma_wait3A_80 = tpu.memref_slice %arg2[%mul3A_29, %add3A_34] : memref<128x65536xf32, #tpu.memory_space<hbm>> -> memref<8x1024xf32, #tpu.memory_space<hbm>>
    %dma_wait3A_81 = tpu.memref_slice %arg2[%mul3A_29, %add3A_34] : memref<128x65536xf32, #tpu.memory_space<hbm>> -> memref<8x1024xf32, #tpu.memory_space<hbm>>
    tpu.wait_dma2 semaphore(%arg15 : memref<!tpu.dma_semaphore, #tpu.memory_space<semaphore_mem>>) src(%dma_wait3A_81 : memref<8x1024xf32, #tpu.memory_space<hbm>>) dst(%arg6 : memref<8x1024xf32, #tpu.memory_space<vmem>>)
    %mul3A_82 = arith.constant 1024 : i32
    %mul3A_83 = arith.muli %add3A_79, %mul3A_82 : i32
    %add3A_84 = arith.addi %mul3A_36, %mul3A_83 : i32
    %scan3A_85 = arith.constant 0 : i32
    %scan3A_86 = arith.constant 64 : i32
    %scan3A_87 = arith.addi %scan3A_85, %scan3A_86 : i32
    %scan3A_88 = arith.constant 1 : i32
    %scan3A_89:16 = scf.for %scan3A_253 = %scan3A_85 to %scan3A_87 step %scan3A_88 iter_args(%scan3A_254 = %scan3A_67#0, %scan3A_255 = %scan3A_67#1, %scan3A_256 = %scan3A_67#2, %scan3A_257 = %scan3A_67#3, %scan3A_258 = %scan3A_67#4, %scan3A_259 = %scan3A_67#5, %scan3A_260 = %scan3A_67#6, %scan3A_261 = %scan3A_67#7, %scan3A_262 = %scan3A_67#8, %scan3A_263 = %scan3A_67#9, %scan3A_264 = %scan3A_67#10, %scan3A_265 = %scan3A_67#11, %scan3A_266 = %scan3A_67#12, %scan3A_267 = %scan3A_67#13, %scan3A_268 = %scan3A_67#14, %scan3A_269 = %scan3A_67#15) -> (vector<16xf32>, vector<16xf32>, vector<16xf32>, vector<16xf32>, vector<16xf32>, vector<16xf32>, vector<16xf32>, vector<16xf32>, vector<16xi32>, vector<16xi32>, vector<16xi32>, vector<16xi32>, vector<16xi32>, vector<16xi32>, vector<16xi32>, vector<16xi32>)  : i32 {
      %mul3A_270 = arith.constant 16 : i32
      %mul3A_271 = arith.muli %scan3A_253, %mul3A_270 : i32
      %add3A_272 = arith.addi %add3A_84, %mul3A_271 : i32
      %add3A_273 = vector.broadcast %add3A_272 : i32 to vector<16xi32>
      %add3A_274 = arith.addi %iota3A, %add3A_273 : vector<16xi32>
      %get3A = arith.constant 0 : i32
      %get3A_275 = arith.index_cast %get3A : i32 to index
      %get3A_276 = arith.index_cast %mul3A_271 : i32 to index
      %get3A_277 = tpu.vector_load %arg6[%get3A_275, %get3A_276] {strides = array<i32>} : memref<8x1024xf32, #tpu.memory_space<vmem>>, vector<1x16xf32>,
      %get3A_278 = vector.shape_cast %get3A_277 : vector<1x16xf32> to vector<16xf32>
      %gt3A = arith.cmpf ogt, %get3A_278, %scan3A_254 : vector<16xf32>
      %select_n3A_279 = arith.select %gt3A, %get3A_278, %scan3A_254 : vector<16xi1>, vector<16xf32>
      %select_n3A_280 = arith.select %gt3A, %add3A_274, %scan3A_262 : vector<16xi1>, vector<16xi32>
      %get3A_281 = arith.constant 1 : i32
      %get3A_282 = arith.index_cast %get3A_281 : i32 to index
      %get3A_283 = arith.index_cast %mul3A_271 : i32 to index
      %get3A_284 = tpu.vector_load %arg6[%get3A_282, %get3A_283] {strides = array<i32>} : memref<8x1024xf32, #tpu.memory_space<vmem>>, vector<1x16xf32>,
      %get3A_285 = vector.shape_cast %get3A_284 : vector<1x16xf32> to vector<16xf32>
      %gt3A_286 = arith.cmpf ogt, %get3A_285, %scan3A_255 : vector<16xf32>
      %select_n3A_287 = arith.select %gt3A_286, %get3A_285, %scan3A_255 : vector<16xi1>, vector<16xf32>
      %select_n3A_288 = arith.select %gt3A_286, %add3A_274, %scan3A_263 : vector<16xi1>, vector<16xi32>
      %get3A_289 = arith.constant 2 : i32
      %get3A_290 = arith.index_cast %get3A_289 : i32 to index
      %get3A_291 = arith.index_cast %mul3A_271 : i32 to index
      %get3A_292 = tpu.vector_load %arg6[%get3A_290, %get3A_291] {strides = array<i32>} : memref<8x1024xf32, #tpu.memory_space<vmem>>, vector<1x16xf32>,
      %get3A_293 = vector.shape_cast %get3A_292 : vector<1x16xf32> to vector<16xf32>
      %gt3A_294 = arith.cmpf ogt, %get3A_293, %scan3A_256 : vector<16xf32>
      %select_n3A_295 = arith.select %gt3A_294, %get3A_293, %scan3A_256 : vector<16xi1>, vector<16xf32>
      %select_n3A_296 = arith.select %gt3A_294, %add3A_274, %scan3A_264 : vector<16xi1>, vector<16xi32>
      %get3A_297 = arith.constant 3 : i32
      %get3A_298 = arith.index_cast %get3A_297 : i32 to index
      %get3A_299 = arith.index_cast %mul3A_271 : i32 to index
      %get3A_300 = tpu.vector_load %arg6[%get3A_298, %get3A_299] {strides = array<i32>} : memref<8x1024xf32, #tpu.memory_space<vmem>>, vector<1x16xf32>,
      %get3A_301 = vector.shape_cast %get3A_300 : vector<1x16xf32> to vector<16xf32>
      %gt3A_302 = arith.cmpf ogt, %get3A_301, %scan3A_257 : vector<16xf32>
      %select_n3A_303 = arith.select %gt3A_302, %get3A_301, %scan3A_257 : vector<16xi1>, vector<16xf32>
      %select_n3A_304 = arith.select %gt3A_302, %add3A_274, %scan3A_265 : vector<16xi1>, vector<16xi32>
      %get3A_305 = arith.constant 4 : i32
      %get3A_306 = arith.index_cast %get3A_305 : i32 to index
      %get3A_307 = arith.index_cast %mul3A_271 : i32 to index
      %get3A_308 = tpu.vector_load %arg6[%get3A_306, %get3A_307] {strides = array<i32>} : memref<8x1024xf32, #tpu.memory_space<vmem>>, vector<1x16xf32>,
      %get3A_309 = vector.shape_cast %get3A_308 : vector<1x16xf32> to vector<16xf32>
      %gt3A_310 = arith.cmpf ogt, %get3A_309, %scan3A_258 : vector<16xf32>
      %select_n3A_311 = arith.select %gt3A_310, %get3A_309, %scan3A_258 : vector<16xi1>, vector<16xf32>
      %select_n3A_312 = arith.select %gt3A_310, %add3A_274, %scan3A_266 : vector<16xi1>, vector<16xi32>
      %get3A_313 = arith.constant 5 : i32
      %get3A_314 = arith.index_cast %get3A_313 : i32 to index
      %get3A_315 = arith.index_cast %mul3A_271 : i32 to index
      %get3A_316 = tpu.vector_load %arg6[%get3A_314, %get3A_315] {strides = array<i32>} : memref<8x1024xf32, #tpu.memory_space<vmem>>, vector<1x16xf32>,
      %get3A_317 = vector.shape_cast %get3A_316 : vector<1x16xf32> to vector<16xf32>
      %gt3A_318 = arith.cmpf ogt, %get3A_317, %scan3A_259 : vector<16xf32>
      %select_n3A_319 = arith.select %gt3A_318, %get3A_317, %scan3A_259 : vector<16xi1>, vector<16xf32>
      %select_n3A_320 = arith.select %gt3A_318, %add3A_274, %scan3A_267 : vector<16xi1>, vector<16xi32>
      %get3A_321 = arith.constant 6 : i32
      %get3A_322 = arith.index_cast %get3A_321 : i32 to index
      %get3A_323 = arith.index_cast %mul3A_271 : i32 to index
      %get3A_324 = tpu.vector_load %arg6[%get3A_322, %get3A_323] {strides = array<i32>} : memref<8x1024xf32, #tpu.memory_space<vmem>>, vector<1x16xf32>,
      %get3A_325 = vector.shape_cast %get3A_324 : vector<1x16xf32> to vector<16xf32>
      %gt3A_326 = arith.cmpf ogt, %get3A_325, %scan3A_260 : vector<16xf32>
      %select_n3A_327 = arith.select %gt3A_326, %get3A_325, %scan3A_260 : vector<16xi1>, vector<16xf32>
      %select_n3A_328 = arith.select %gt3A_326, %add3A_274, %scan3A_268 : vector<16xi1>, vector<16xi32>
      %get3A_329 = arith.constant 7 : i32
      %get3A_330 = arith.index_cast %get3A_329 : i32 to index
      %get3A_331 = arith.index_cast %mul3A_271 : i32 to index
      %get3A_332 = tpu.vector_load %arg6[%get3A_330, %get3A_331] {strides = array<i32>} : memref<8x1024xf32, #tpu.memory_space<vmem>>, vector<1x16xf32>,
      %get3A_333 = vector.shape_cast %get3A_332 : vector<1x16xf32> to vector<16xf32>
      %gt3A_334 = arith.cmpf ogt, %get3A_333, %scan3A_261 : vector<16xf32>
      %select_n3A_335 = arith.select %gt3A_334, %get3A_333, %scan3A_261 : vector<16xi1>, vector<16xf32>
      %select_n3A_336 = arith.select %gt3A_334, %add3A_274, %scan3A_269 : vector<16xi1>, vector<16xi32>
      scf.yield %select_n3A_279, %select_n3A_287, %select_n3A_295, %select_n3A_303, %select_n3A_311, %select_n3A_319, %select_n3A_327, %select_n3A_335, %select_n3A_280, %select_n3A_288, %select_n3A_296, %select_n3A_304, %select_n3A_312, %select_n3A_320, %select_n3A_328, %select_n3A_336 : vector<16xf32>, vector<16xf32>, vector<16xf32>, vector<16xf32>, vector<16xf32>, vector<16xf32>, vector<16xf32>, vector<16xf32>, vector<16xi32>, vector<16xi32>, vector<16xi32>, vector<16xi32>, vector<16xi32>, vector<16xi32>, vector<16xi32>, vector<16xi32>
    }
    %scan3A_90 = arith.constant 64 : i32
    %add3A_91 = arith.constant 4 : i32
    %add3A_92 = arith.addi %add3A_79, %add3A_91 : i32
    %mul3A_93 = arith.constant 1024 : i32
    %mul3A_94 = arith.muli %add3A_92, %mul3A_93 : i32
    %add3A_95 = arith.addi %add3A_34, %mul3A_94 : i32
    %dma_start3A_96 = tpu.memref_slice %arg2[%mul3A_29, %add3A_95] : memref<128x65536xf32, #tpu.memory_space<hbm>> -> memref<8x1024xf32, #tpu.memory_space<hbm>>
    %dma_start3A_97 = tpu.memref_slice %arg2[%mul3A_29, %add3A_95] : memref<128x65536xf32, #tpu.memory_space<hbm>> -> memref<8x1024xf32, #tpu.memory_space<hbm>>
    tpu.enqueue_dma source(%dma_start3A_97 : memref<8x1024xf32, #tpu.memory_space<hbm>>) target(%arg6 : memref<8x1024xf32, #tpu.memory_space<vmem>>) target_semaphore(%arg15 : memref<!tpu.dma_semaphore, #tpu.memory_space<semaphore_mem>>)
    %mul3A_98 = arith.constant 4 : i32
    %mul3A_99 = arith.muli %scan3A, %mul3A_98 : i32
    %add3A_100 = arith.constant 2 : i32
    %add3A_101 = arith.addi %mul3A_99, %add3A_100 : i32
    %dma_wait3A_102 = tpu.memref_slice %arg2[%mul3A_29, %add3A_34] : memref<128x65536xf32, #tpu.memory_space<hbm>> -> memref<8x1024xf32, #tpu.memory_space<hbm>>
    %dma_wait3A_103 = tpu.memref_slice %arg2[%mul3A_29, %add3A_34] : memref<128x65536xf32, #tpu.memory_space<hbm>> -> memref<8x1024xf32, #tpu.memory_space<hbm>>
    tpu.wait_dma2 semaphore(%arg16 : memref<!tpu.dma_semaphore, #tpu.memory_space<semaphore_mem>>) src(%dma_wait3A_103 : memref<8x1024xf32, #tpu.memory_space<hbm>>) dst(%arg7 : memref<8x1024xf32, #tpu.memory_space<vmem>>)
    %mul3A_104 = arith.constant 1024 : i32
    %mul3A_105 = arith.muli %add3A_101, %mul3A_104 : i32
    %add3A_106 = arith.addi %mul3A_36, %mul3A_105 : i32
    %scan3A_107 = arith.constant 0 : i32
    %scan3A_108 = arith.constant 64 : i32
    %scan3A_109 = arith.addi %scan3A_107, %scan3A_108 : i32
    %scan3A_110 = arith.constant 1 : i32
    %scan3A_111:16 = scf.for %scan3A_253 = %scan3A_107 to %scan3A_109 step %scan3A_110 iter_args(%scan3A_254 = %scan3A_89#0, %scan3A_255 = %scan3A_89#1, %scan3A_256 = %scan3A_89#2, %scan3A_257 = %scan3A_89#3, %scan3A_258 = %scan3A_89#4, %scan3A_259 = %scan3A_89#5, %scan3A_260 = %scan3A_89#6, %scan3A_261 = %scan3A_89#7, %scan3A_262 = %scan3A_89#8, %scan3A_263 = %scan3A_89#9, %scan3A_264 = %scan3A_89#10, %scan3A_265 = %scan3A_89#11, %scan3A_266 = %scan3A_89#12, %scan3A_267 = %scan3A_89#13, %scan3A_268 = %scan3A_89#14, %scan3A_269 = %scan3A_89#15) -> (vector<16xf32>, vector<16xf32>, vector<16xf32>, vector<16xf32>, vector<16xf32>, vector<16xf32>, vector<16xf32>, vector<16xf32>, vector<16xi32>, vector<16xi32>, vector<16xi32>, vector<16xi32>, vector<16xi32>, vector<16xi32>, vector<16xi32>, vector<16xi32>)  : i32 {
      %mul3A_270 = arith.constant 16 : i32
      %mul3A_271 = arith.muli %scan3A_253, %mul3A_270 : i32
      %add3A_272 = arith.addi %add3A_106, %mul3A_271 : i32
      %add3A_273 = vector.broadcast %add3A_272 : i32 to vector<16xi32>
      %add3A_274 = arith.addi %iota3A, %add3A_273 : vector<16xi32>
      %get3A = arith.constant 0 : i32
      %get3A_275 = arith.index_cast %get3A : i32 to index
      %get3A_276 = arith.index_cast %mul3A_271 : i32 to index
      %get3A_277 = tpu.vector_load %arg7[%get3A_275, %get3A_276] {strides = array<i32>} : memref<8x1024xf32, #tpu.memory_space<vmem>>, vector<1x16xf32>,
      %get3A_278 = vector.shape_cast %get3A_277 : vector<1x16xf32> to vector<16xf32>
      %gt3A = arith.cmpf ogt, %get3A_278, %scan3A_254 : vector<16xf32>
      %select_n3A_279 = arith.select %gt3A, %get3A_278, %scan3A_254 : vector<16xi1>, vector<16xf32>
      %select_n3A_280 = arith.select %gt3A, %add3A_274, %scan3A_262 : vector<16xi1>, vector<16xi32>
      %get3A_281 = arith.constant 1 : i32
      %get3A_282 = arith.index_cast %get3A_281 : i32 to index
      %get3A_283 = arith.index_cast %mul3A_271 : i32 to index
      %get3A_284 = tpu.vector_load %arg7[%get3A_282, %get3A_283] {strides = array<i32>} : memref<8x1024xf32, #tpu.memory_space<vmem>>, vector<1x16xf32>,
      %get3A_285 = vector.shape_cast %get3A_284 : vector<1x16xf32> to vector<16xf32>
      %gt3A_286 = arith.cmpf ogt, %get3A_285, %scan3A_255 : vector<16xf32>
      %select_n3A_287 = arith.select %gt3A_286, %get3A_285, %scan3A_255 : vector<16xi1>, vector<16xf32>
      %select_n3A_288 = arith.select %gt3A_286, %add3A_274, %scan3A_263 : vector<16xi1>, vector<16xi32>
      %get3A_289 = arith.constant 2 : i32
      %get3A_290 = arith.index_cast %get3A_289 : i32 to index
      %get3A_291 = arith.index_cast %mul3A_271 : i32 to index
      %get3A_292 = tpu.vector_load %arg7[%get3A_290, %get3A_291] {strides = array<i32>} : memref<8x1024xf32, #tpu.memory_space<vmem>>, vector<1x16xf32>,
      %get3A_293 = vector.shape_cast %get3A_292 : vector<1x16xf32> to vector<16xf32>
      %gt3A_294 = arith.cmpf ogt, %get3A_293, %scan3A_256 : vector<16xf32>
      %select_n3A_295 = arith.select %gt3A_294, %get3A_293, %scan3A_256 : vector<16xi1>, vector<16xf32>
      %select_n3A_296 = arith.select %gt3A_294, %add3A_274, %scan3A_264 : vector<16xi1>, vector<16xi32>
      %get3A_297 = arith.constant 3 : i32
      %get3A_298 = arith.index_cast %get3A_297 : i32 to index
      %get3A_299 = arith.index_cast %mul3A_271 : i32 to index
      %get3A_300 = tpu.vector_load %arg7[%get3A_298, %get3A_299] {strides = array<i32>} : memref<8x1024xf32, #tpu.memory_space<vmem>>, vector<1x16xf32>,
      %get3A_301 = vector.shape_cast %get3A_300 : vector<1x16xf32> to vector<16xf32>
      %gt3A_302 = arith.cmpf ogt, %get3A_301, %scan3A_257 : vector<16xf32>
      %select_n3A_303 = arith.select %gt3A_302, %get3A_301, %scan3A_257 : vector<16xi1>, vector<16xf32>
      %select_n3A_304 = arith.select %gt3A_302, %add3A_274, %scan3A_265 : vector<16xi1>, vector<16xi32>
      %get3A_305 = arith.constant 4 : i32
      %get3A_306 = arith.index_cast %get3A_305 : i32 to index
      %get3A_307 = arith.index_cast %mul3A_271 : i32 to index
      %get3A_308 = tpu.vector_load %arg7[%get3A_306, %get3A_307] {strides = array<i32>} : memref<8x1024xf32, #tpu.memory_space<vmem>>, vector<1x16xf32>,
      %get3A_309 = vector.shape_cast %get3A_308 : vector<1x16xf32> to vector<16xf32>
      %gt3A_310 = arith.cmpf ogt, %get3A_309, %scan3A_258 : vector<16xf32>
      %select_n3A_311 = arith.select %gt3A_310, %get3A_309, %scan3A_258 : vector<16xi1>, vector<16xf32>
      %select_n3A_312 = arith.select %gt3A_310, %add3A_274, %scan3A_266 : vector<16xi1>, vector<16xi32>
      %get3A_313 = arith.constant 5 : i32
      %get3A_314 = arith.index_cast %get3A_313 : i32 to index
      %get3A_315 = arith.index_cast %mul3A_271 : i32 to index
      %get3A_316 = tpu.vector_load %arg7[%get3A_314, %get3A_315] {strides = array<i32>} : memref<8x1024xf32, #tpu.memory_space<vmem>>, vector<1x16xf32>,
      %get3A_317 = vector.shape_cast %get3A_316 : vector<1x16xf32> to vector<16xf32>
      %gt3A_318 = arith.cmpf ogt, %get3A_317, %scan3A_259 : vector<16xf32>
      %select_n3A_319 = arith.select %gt3A_318, %get3A_317, %scan3A_259 : vector<16xi1>, vector<16xf32>
      %select_n3A_320 = arith.select %gt3A_318, %add3A_274, %scan3A_267 : vector<16xi1>, vector<16xi32>
      %get3A_321 = arith.constant 6 : i32
      %get3A_322 = arith.index_cast %get3A_321 : i32 to index
      %get3A_323 = arith.index_cast %mul3A_271 : i32 to index
      %get3A_324 = tpu.vector_load %arg7[%get3A_322, %get3A_323] {strides = array<i32>} : memref<8x1024xf32, #tpu.memory_space<vmem>>, vector<1x16xf32>,
      %get3A_325 = vector.shape_cast %get3A_324 : vector<1x16xf32> to vector<16xf32>
      %gt3A_326 = arith.cmpf ogt, %get3A_325, %scan3A_260 : vector<16xf32>
      %select_n3A_327 = arith.select %gt3A_326, %get3A_325, %scan3A_260 : vector<16xi1>, vector<16xf32>
      %select_n3A_328 = arith.select %gt3A_326, %add3A_274, %scan3A_268 : vector<16xi1>, vector<16xi32>
      %get3A_329 = arith.constant 7 : i32
      %get3A_330 = arith.index_cast %get3A_329 : i32 to index
      %get3A_331 = arith.index_cast %mul3A_271 : i32 to index
      %get3A_332 = tpu.vector_load %arg7[%get3A_330, %get3A_331] {strides = array<i32>} : memref<8x1024xf32, #tpu.memory_space<vmem>>, vector<1x16xf32>,
      %get3A_333 = vector.shape_cast %get3A_332 : vector<1x16xf32> to vector<16xf32>
      %gt3A_334 = arith.cmpf ogt, %get3A_333, %scan3A_261 : vector<16xf32>
      %select_n3A_335 = arith.select %gt3A_334, %get3A_333, %scan3A_261 : vector<16xi1>, vector<16xf32>
      %select_n3A_336 = arith.select %gt3A_334, %add3A_274, %scan3A_269 : vector<16xi1>, vector<16xi32>
      scf.yield %select_n3A_279, %select_n3A_287, %select_n3A_295, %select_n3A_303, %select_n3A_311, %select_n3A_319, %select_n3A_327, %select_n3A_335, %select_n3A_280, %select_n3A_288, %select_n3A_296, %select_n3A_304, %select_n3A_312, %select_n3A_320, %select_n3A_328, %select_n3A_336 : vector<16xf32>, vector<16xf32>, vector<16xf32>, vector<16xf32>, vector<16xf32>, vector<16xf32>, vector<16xf32>, vector<16xf32>, vector<16xi32>, vector<16xi32>, vector<16xi32>, vector<16xi32>, vector<16xi32>, vector<16xi32>, vector<16xi32>, vector<16xi32>
    }
    %scan3A_112 = arith.constant 64 : i32
    %add3A_113 = arith.constant 4 : i32
    %add3A_114 = arith.addi %add3A_101, %add3A_113 : i32
    %mul3A_115 = arith.constant 1024 : i32
    %mul3A_116 = arith.muli %add3A_114, %mul3A_115 : i32
    %add3A_117 = arith.addi %add3A_34, %mul3A_116 : i32
    %dma_start3A_118 = tpu.memref_slice %arg2[%mul3A_29, %add3A_117] : memref<128x65536xf32, #tpu.memory_space<hbm>> -> memref<8x1024xf32, #tpu.memory_space<hbm>>
    %dma_start3A_119 = tpu.memref_slice %arg2[%mul3A_29, %add3A_117] : memref<128x65536xf32, #tpu.memory_space<hbm>> -> memref<8x1024xf32, #tpu.memory_space<hbm>>
    tpu.enqueue_dma source(%dma_start3A_119 : memref<8x1024xf32, #tpu.memory_space<hbm>>) target(%arg7 : memref<8x1024xf32, #tpu.memory_space<vmem>>) target_semaphore(%arg16 : memref<!tpu.dma_semaphore, #tpu.memory_space<semaphore_mem>>)
    %mul3A_120 = arith.constant 4 : i32
    %mul3A_121 = arith.muli %scan3A, %mul3A_120 : i32
    %add3A_122 = arith.constant 3 : i32
    %add3A_123 = arith.addi %mul3A_121, %add3A_122 : i32
    %dma_wait3A_124 = tpu.memref_slice %arg2[%mul3A_29, %add3A_34] : memref<128x65536xf32, #tpu.memory_space<hbm>> -> memref<8x1024xf32, #tpu.memory_space<hbm>>
    %dma_wait3A_125 = tpu.memref_slice %arg2[%mul3A_29, %add3A_34] : memref<128x65536xf32, #tpu.memory_space<hbm>> -> memref<8x1024xf32, #tpu.memory_space<hbm>>
    tpu.wait_dma2 semaphore(%arg17 : memref<!tpu.dma_semaphore, #tpu.memory_space<semaphore_mem>>) src(%dma_wait3A_125 : memref<8x1024xf32, #tpu.memory_space<hbm>>) dst(%arg8 : memref<8x1024xf32, #tpu.memory_space<vmem>>)
    %mul3A_126 = arith.constant 1024 : i32
    %mul3A_127 = arith.muli %add3A_123, %mul3A_126 : i32
    %add3A_128 = arith.addi %mul3A_36, %mul3A_127 : i32
    %scan3A_129 = arith.constant 0 : i32
    %scan3A_130 = arith.constant 64 : i32
    %scan3A_131 = arith.addi %scan3A_129, %scan3A_130 : i32
    %scan3A_132 = arith.constant 1 : i32
    %scan3A_133:16 = scf.for %scan3A_253 = %scan3A_129 to %scan3A_131 step %scan3A_132 iter_args(%scan3A_254 = %scan3A_111#0, %scan3A_255 = %scan3A_111#1, %scan3A_256 = %scan3A_111#2, %scan3A_257 = %scan3A_111#3, %scan3A_258 = %scan3A_111#4, %scan3A_259 = %scan3A_111#5, %scan3A_260 = %scan3A_111#6, %scan3A_261 = %scan3A_111#7, %scan3A_262 = %scan3A_111#8, %scan3A_263 = %scan3A_111#9, %scan3A_264 = %scan3A_111#10, %scan3A_265 = %scan3A_111#11, %scan3A_266 = %scan3A_111#12, %scan3A_267 = %scan3A_111#13, %scan3A_268 = %scan3A_111#14, %scan3A_269 = %scan3A_111#15) -> (vector<16xf32>, vector<16xf32>, vector<16xf32>, vector<16xf32>, vector<16xf32>, vector<16xf32>, vector<16xf32>, vector<16xf32>, vector<16xi32>, vector<16xi32>, vector<16xi32>, vector<16xi32>, vector<16xi32>, vector<16xi32>, vector<16xi32>, vector<16xi32>)  : i32 {
      %mul3A_270 = arith.constant 16 : i32
      %mul3A_271 = arith.muli %scan3A_253, %mul3A_270 : i32
      %add3A_272 = arith.addi %add3A_128, %mul3A_271 : i32
      %add3A_273 = vector.broadcast %add3A_272 : i32 to vector<16xi32>
      %add3A_274 = arith.addi %iota3A, %add3A_273 : vector<16xi32>
      %get3A = arith.constant 0 : i32
      %get3A_275 = arith.index_cast %get3A : i32 to index
      %get3A_276 = arith.index_cast %mul3A_271 : i32 to index
      %get3A_277 = tpu.vector_load %arg8[%get3A_275, %get3A_276] {strides = array<i32>} : memref<8x1024xf32, #tpu.memory_space<vmem>>, vector<1x16xf32>,
      %get3A_278 = vector.shape_cast %get3A_277 : vector<1x16xf32> to vector<16xf32>
      %gt3A = arith.cmpf ogt, %get3A_278, %scan3A_254 : vector<16xf32>
      %select_n3A_279 = arith.select %gt3A, %get3A_278, %scan3A_254 : vector<16xi1>, vector<16xf32>
      %select_n3A_280 = arith.select %gt3A, %add3A_274, %scan3A_262 : vector<16xi1>, vector<16xi32>
      %get3A_281 = arith.constant 1 : i32
      %get3A_282 = arith.index_cast %get3A_281 : i32 to index
      %get3A_283 = arith.index_cast %mul3A_271 : i32 to index
      %get3A_284 = tpu.vector_load %arg8[%get3A_282, %get3A_283] {strides = array<i32>} : memref<8x1024xf32, #tpu.memory_space<vmem>>, vector<1x16xf32>,
      %get3A_285 = vector.shape_cast %get3A_284 : vector<1x16xf32> to vector<16xf32>
      %gt3A_286 = arith.cmpf ogt, %get3A_285, %scan3A_255 : vector<16xf32>
      %select_n3A_287 = arith.select %gt3A_286, %get3A_285, %scan3A_255 : vector<16xi1>, vector<16xf32>
      %select_n3A_288 = arith.select %gt3A_286, %add3A_274, %scan3A_263 : vector<16xi1>, vector<16xi32>
      %get3A_289 = arith.constant 2 : i32
      %get3A_290 = arith.index_cast %get3A_289 : i32 to index
      %get3A_291 = arith.index_cast %mul3A_271 : i32 to index
      %get3A_292 = tpu.vector_load %arg8[%get3A_290, %get3A_291] {strides = array<i32>} : memref<8x1024xf32, #tpu.memory_space<vmem>>, vector<1x16xf32>,
      %get3A_293 = vector.shape_cast %get3A_292 : vector<1x16xf32> to vector<16xf32>
      %gt3A_294 = arith.cmpf ogt, %get3A_293, %scan3A_256 : vector<16xf32>
      %select_n3A_295 = arith.select %gt3A_294, %get3A_293, %scan3A_256 : vector<16xi1>, vector<16xf32>
      %select_n3A_296 = arith.select %gt3A_294, %add3A_274, %scan3A_264 : vector<16xi1>, vector<16xi32>
      %get3A_297 = arith.constant 3 : i32
      %get3A_298 = arith.index_cast %get3A_297 : i32 to index
      %get3A_299 = arith.index_cast %mul3A_271 : i32 to index
      %get3A_300 = tpu.vector_load %arg8[%get3A_298, %get3A_299] {strides = array<i32>} : memref<8x1024xf32, #tpu.memory_space<vmem>>, vector<1x16xf32>,
      %get3A_301 = vector.shape_cast %get3A_300 : vector<1x16xf32> to vector<16xf32>
      %gt3A_302 = arith.cmpf ogt, %get3A_301, %scan3A_257 : vector<16xf32>
      %select_n3A_303 = arith.select %gt3A_302, %get3A_301, %scan3A_257 : vector<16xi1>, vector<16xf32>
      %select_n3A_304 = arith.select %gt3A_302, %add3A_274, %scan3A_265 : vector<16xi1>, vector<16xi32>
      %get3A_305 = arith.constant 4 : i32
      %get3A_306 = arith.index_cast %get3A_305 : i32 to index
      %get3A_307 = arith.index_cast %mul3A_271 : i32 to index
      %get3A_308 = tpu.vector_load %arg8[%get3A_306, %get3A_307] {strides = array<i32>} : memref<8x1024xf32, #tpu.memory_space<vmem>>, vector<1x16xf32>,
      %get3A_309 = vector.shape_cast %get3A_308 : vector<1x16xf32> to vector<16xf32>
      %gt3A_310 = arith.cmpf ogt, %get3A_309, %scan3A_258 : vector<16xf32>
      %select_n3A_311 = arith.select %gt3A_310, %get3A_309, %scan3A_258 : vector<16xi1>, vector<16xf32>
      %select_n3A_312 = arith.select %gt3A_310, %add3A_274, %scan3A_266 : vector<16xi1>, vector<16xi32>
      %get3A_313 = arith.constant 5 : i32
      %get3A_314 = arith.index_cast %get3A_313 : i32 to index
      %get3A_315 = arith.index_cast %mul3A_271 : i32 to index
      %get3A_316 = tpu.vector_load %arg8[%get3A_314, %get3A_315] {strides = array<i32>} : memref<8x1024xf32, #tpu.memory_space<vmem>>, vector<1x16xf32>,
      %get3A_317 = vector.shape_cast %get3A_316 : vector<1x16xf32> to vector<16xf32>
      %gt3A_318 = arith.cmpf ogt, %get3A_317, %scan3A_259 : vector<16xf32>
      %select_n3A_319 = arith.select %gt3A_318, %get3A_317, %scan3A_259 : vector<16xi1>, vector<16xf32>
      %select_n3A_320 = arith.select %gt3A_318, %add3A_274, %scan3A_267 : vector<16xi1>, vector<16xi32>
      %get3A_321 = arith.constant 6 : i32
      %get3A_322 = arith.index_cast %get3A_321 : i32 to index
      %get3A_323 = arith.index_cast %mul3A_271 : i32 to index
      %get3A_324 = tpu.vector_load %arg8[%get3A_322, %get3A_323] {strides = array<i32>} : memref<8x1024xf32, #tpu.memory_space<vmem>>, vector<1x16xf32>,
      %get3A_325 = vector.shape_cast %get3A_324 : vector<1x16xf32> to vector<16xf32>
      %gt3A_326 = arith.cmpf ogt, %get3A_325, %scan3A_260 : vector<16xf32>
      %select_n3A_327 = arith.select %gt3A_326, %get3A_325, %scan3A_260 : vector<16xi1>, vector<16xf32>
      %select_n3A_328 = arith.select %gt3A_326, %add3A_274, %scan3A_268 : vector<16xi1>, vector<16xi32>
      %get3A_329 = arith.constant 7 : i32
      %get3A_330 = arith.index_cast %get3A_329 : i32 to index
      %get3A_331 = arith.index_cast %mul3A_271 : i32 to index
      %get3A_332 = tpu.vector_load %arg8[%get3A_330, %get3A_331] {strides = array<i32>} : memref<8x1024xf32, #tpu.memory_space<vmem>>, vector<1x16xf32>,
      %get3A_333 = vector.shape_cast %get3A_332 : vector<1x16xf32> to vector<16xf32>
      %gt3A_334 = arith.cmpf ogt, %get3A_333, %scan3A_261 : vector<16xf32>
      %select_n3A_335 = arith.select %gt3A_334, %get3A_333, %scan3A_261 : vector<16xi1>, vector<16xf32>
      %select_n3A_336 = arith.select %gt3A_334, %add3A_274, %scan3A_269 : vector<16xi1>, vector<16xi32>
      scf.yield %select_n3A_279, %select_n3A_287, %select_n3A_295, %select_n3A_303, %select_n3A_311, %select_n3A_319, %select_n3A_327, %select_n3A_335, %select_n3A_280, %select_n3A_288, %select_n3A_296, %select_n3A_304, %select_n3A_312, %select_n3A_320, %select_n3A_328, %select_n3A_336 : vector<16xf32>, vector<16xf32>, vector<16xf32>, vector<16xf32>, vector<16xf32>, vector<16xf32>, vector<16xf32>, vector<16xf32>, vector<16xi32>, vector<16xi32>, vector<16xi32>, vector<16xi32>, vector<16xi32>, vector<16xi32>, vector<16xi32>, vector<16xi32>
    }
    %scan3A_134 = arith.constant 64 : i32
    %add3A_135 = arith.constant 4 : i32
    %add3A_136 = arith.addi %add3A_123, %add3A_135 : i32
    %mul3A_137 = arith.constant 1024 : i32
    %mul3A_138 = arith.muli %add3A_136, %mul3A_137 : i32
    %add3A_139 = arith.addi %add3A_34, %mul3A_138 : i32
    %dma_start3A_140 = tpu.memref_slice %arg2[%mul3A_29, %add3A_139] : memref<128x65536xf32, #tpu.memory_space<hbm>> -> memref<8x1024xf32, #tpu.memory_space<hbm>>
    %dma_start3A_141 = tpu.memref_slice %arg2[%mul3A_29, %add3A_139] : memref<128x65536xf32, #tpu.memory_space<hbm>> -> memref<8x1024xf32, #tpu.memory_space<hbm>>
    tpu.enqueue_dma source(%dma_start3A_141 : memref<8x1024xf32, #tpu.memory_space<hbm>>) target(%arg8 : memref<8x1024xf32, #tpu.memory_space<vmem>>) target_semaphore(%arg17 : memref<!tpu.dma_semaphore, #tpu.memory_space<semaphore_mem>>)
    %scan3A_142 = arith.constant 1 : i32
    %dma_wait3A_143 = tpu.memref_slice %arg2[%mul3A_29, %add3A_34] : memref<128x65536xf32, #tpu.memory_space<hbm>> -> memref<8x1024xf32, #tpu.memory_space<hbm>>
    %dma_wait3A_144 = tpu.memref_slice %arg2[%mul3A_29, %add3A_34] : memref<128x65536xf32, #tpu.memory_space<hbm>> -> memref<8x1024xf32, #tpu.memory_space<hbm>>
    tpu.wait_dma2 semaphore(%arg14 : memref<!tpu.dma_semaphore, #tpu.memory_space<semaphore_mem>>) src(%dma_wait3A_144 : memref<8x1024xf32, #tpu.memory_space<hbm>>) dst(%arg5 : memref<8x1024xf32, #tpu.memory_space<vmem>>)
    %add3A_145 = arith.constant 4096 : i32
    %add3A_146 = arith.addi %mul3A_36, %add3A_145 : i32
    %scan3A_147 = arith.constant 0 : i32
    %scan3A_148 = arith.constant 64 : i32
    %scan3A_149 = arith.addi %scan3A_147, %scan3A_148 : i32
    %scan3A_150 = arith.constant 1 : i32
    %scan3A_151:16 = scf.for %scan3A_253 = %scan3A_147 to %scan3A_149 step %scan3A_150 iter_args(%scan3A_254 = %scan3A_133#0, %scan3A_255 = %scan3A_133#1, %scan3A_256 = %scan3A_133#2, %scan3A_257 = %scan3A_133#3, %scan3A_258 = %scan3A_133#4, %scan3A_259 = %scan3A_133#5, %scan3A_260 = %scan3A_133#6, %scan3A_261 = %scan3A_133#7, %scan3A_262 = %scan3A_133#8, %scan3A_263 = %scan3A_133#9, %scan3A_264 = %scan3A_133#10, %scan3A_265 = %scan3A_133#11, %scan3A_266 = %scan3A_133#12, %scan3A_267 = %scan3A_133#13, %scan3A_268 = %scan3A_133#14, %scan3A_269 = %scan3A_133#15) -> (vector<16xf32>, vector<16xf32>, vector<16xf32>, vector<16xf32>, vector<16xf32>, vector<16xf32>, vector<16xf32>, vector<16xf32>, vector<16xi32>, vector<16xi32>, vector<16xi32>, vector<16xi32>, vector<16xi32>, vector<16xi32>, vector<16xi32>, vector<16xi32>)  : i32 {
      %mul3A_270 = arith.constant 16 : i32
      %mul3A_271 = arith.muli %scan3A_253, %mul3A_270 : i32
      %add3A_272 = arith.addi %add3A_146, %mul3A_271 : i32
      %add3A_273 = vector.broadcast %add3A_272 : i32 to vector<16xi32>
      %add3A_274 = arith.addi %iota3A, %add3A_273 : vector<16xi32>
      %get3A = arith.constant 0 : i32
      %get3A_275 = arith.index_cast %get3A : i32 to index
      %get3A_276 = arith.index_cast %mul3A_271 : i32 to index
      %get3A_277 = tpu.vector_load %arg5[%get3A_275, %get3A_276] {strides = array<i32>} : memref<8x1024xf32, #tpu.memory_space<vmem>>, vector<1x16xf32>,
      %get3A_278 = vector.shape_cast %get3A_277 : vector<1x16xf32> to vector<16xf32>
      %gt3A = arith.cmpf ogt, %get3A_278, %scan3A_254 : vector<16xf32>
      %select_n3A_279 = arith.select %gt3A, %get3A_278, %scan3A_254 : vector<16xi1>, vector<16xf32>
      %select_n3A_280 = arith.select %gt3A, %add3A_274, %scan3A_262 : vector<16xi1>, vector<16xi32>
      %get3A_281 = arith.constant 1 : i32
      %get3A_282 = arith.index_cast %get3A_281 : i32 to index
      %get3A_283 = arith.index_cast %mul3A_271 : i32 to index
      %get3A_284 = tpu.vector_load %arg5[%get3A_282, %get3A_283] {strides = array<i32>} : memref<8x1024xf32, #tpu.memory_space<vmem>>, vector<1x16xf32>,
      %get3A_285 = vector.shape_cast %get3A_284 : vector<1x16xf32> to vector<16xf32>
      %gt3A_286 = arith.cmpf ogt, %get3A_285, %scan3A_255 : vector<16xf32>
      %select_n3A_287 = arith.select %gt3A_286, %get3A_285, %scan3A_255 : vector<16xi1>, vector<16xf32>
      %select_n3A_288 = arith.select %gt3A_286, %add3A_274, %scan3A_263 : vector<16xi1>, vector<16xi32>
      %get3A_289 = arith.constant 2 : i32
      %get3A_290 = arith.index_cast %get3A_289 : i32 to index
      %get3A_291 = arith.index_cast %mul3A_271 : i32 to index
      %get3A_292 = tpu.vector_load %arg5[%get3A_290, %get3A_291] {strides = array<i32>} : memref<8x1024xf32, #tpu.memory_space<vmem>>, vector<1x16xf32>,
      %get3A_293 = vector.shape_cast %get3A_292 : vector<1x16xf32> to vector<16xf32>
      %gt3A_294 = arith.cmpf ogt, %get3A_293, %scan3A_256 : vector<16xf32>
      %select_n3A_295 = arith.select %gt3A_294, %get3A_293, %scan3A_256 : vector<16xi1>, vector<16xf32>
      %select_n3A_296 = arith.select %gt3A_294, %add3A_274, %scan3A_264 : vector<16xi1>, vector<16xi32>
      %get3A_297 = arith.constant 3 : i32
      %get3A_298 = arith.index_cast %get3A_297 : i32 to index
      %get3A_299 = arith.index_cast %mul3A_271 : i32 to index
      %get3A_300 = tpu.vector_load %arg5[%get3A_298, %get3A_299] {strides = array<i32>} : memref<8x1024xf32, #tpu.memory_space<vmem>>, vector<1x16xf32>,
      %get3A_301 = vector.shape_cast %get3A_300 : vector<1x16xf32> to vector<16xf32>
      %gt3A_302 = arith.cmpf ogt, %get3A_301, %scan3A_257 : vector<16xf32>
      %select_n3A_303 = arith.select %gt3A_302, %get3A_301, %scan3A_257 : vector<16xi1>, vector<16xf32>
      %select_n3A_304 = arith.select %gt3A_302, %add3A_274, %scan3A_265 : vector<16xi1>, vector<16xi32>
      %get3A_305 = arith.constant 4 : i32
      %get3A_306 = arith.index_cast %get3A_305 : i32 to index
      %get3A_307 = arith.index_cast %mul3A_271 : i32 to index
      %get3A_308 = tpu.vector_load %arg5[%get3A_306, %get3A_307] {strides = array<i32>} : memref<8x1024xf32, #tpu.memory_space<vmem>>, vector<1x16xf32>,
      %get3A_309 = vector.shape_cast %get3A_308 : vector<1x16xf32> to vector<16xf32>
      %gt3A_310 = arith.cmpf ogt, %get3A_309, %scan3A_258 : vector<16xf32>
      %select_n3A_311 = arith.select %gt3A_310, %get3A_309, %scan3A_258 : vector<16xi1>, vector<16xf32>
      %select_n3A_312 = arith.select %gt3A_310, %add3A_274, %scan3A_266 : vector<16xi1>, vector<16xi32>
      %get3A_313 = arith.constant 5 : i32
      %get3A_314 = arith.index_cast %get3A_313 : i32 to index
      %get3A_315 = arith.index_cast %mul3A_271 : i32 to index
      %get3A_316 = tpu.vector_load %arg5[%get3A_314, %get3A_315] {strides = array<i32>} : memref<8x1024xf32, #tpu.memory_space<vmem>>, vector<1x16xf32>,
      %get3A_317 = vector.shape_cast %get3A_316 : vector<1x16xf32> to vector<16xf32>
      %gt3A_318 = arith.cmpf ogt, %get3A_317, %scan3A_259 : vector<16xf32>
      %select_n3A_319 = arith.select %gt3A_318, %get3A_317, %scan3A_259 : vector<16xi1>, vector<16xf32>
      %select_n3A_320 = arith.select %gt3A_318, %add3A_274, %scan3A_267 : vector<16xi1>, vector<16xi32>
      %get3A_321 = arith.constant 6 : i32
      %get3A_322 = arith.index_cast %get3A_321 : i32 to index
      %get3A_323 = arith.index_cast %mul3A_271 : i32 to index
      %get3A_324 = tpu.vector_load %arg5[%get3A_322, %get3A_323] {strides = array<i32>} : memref<8x1024xf32, #tpu.memory_space<vmem>>, vector<1x16xf32>,
      %get3A_325 = vector.shape_cast %get3A_324 : vector<1x16xf32> to vector<16xf32>
      %gt3A_326 = arith.cmpf ogt, %get3A_325, %scan3A_260 : vector<16xf32>
      %select_n3A_327 = arith.select %gt3A_326, %get3A_325, %scan3A_260 : vector<16xi1>, vector<16xf32>
      %select_n3A_328 = arith.select %gt3A_326, %add3A_274, %scan3A_268 : vector<16xi1>, vector<16xi32>
      %get3A_329 = arith.constant 7 : i32
      %get3A_330 = arith.index_cast %get3A_329 : i32 to index
      %get3A_331 = arith.index_cast %mul3A_271 : i32 to index
      %get3A_332 = tpu.vector_load %arg5[%get3A_330, %get3A_331] {strides = array<i32>} : memref<8x1024xf32, #tpu.memory_space<vmem>>, vector<1x16xf32>,
      %get3A_333 = vector.shape_cast %get3A_332 : vector<1x16xf32> to vector<16xf32>
      %gt3A_334 = arith.cmpf ogt, %get3A_333, %scan3A_261 : vector<16xf32>
      %select_n3A_335 = arith.select %gt3A_334, %get3A_333, %scan3A_261 : vector<16xi1>, vector<16xf32>
      %select_n3A_336 = arith.select %gt3A_334, %add3A_274, %scan3A_269 : vector<16xi1>, vector<16xi32>
      scf.yield %select_n3A_279, %select_n3A_287, %select_n3A_295, %select_n3A_303, %select_n3A_311, %select_n3A_319, %select_n3A_327, %select_n3A_335, %select_n3A_280, %select_n3A_288, %select_n3A_296, %select_n3A_304, %select_n3A_312, %select_n3A_320, %select_n3A_328, %select_n3A_336 : vector<16xf32>, vector<16xf32>, vector<16xf32>, vector<16xf32>, vector<16xf32>, vector<16xf32>, vector<16xf32>, vector<16xf32>, vector<16xi32>, vector<16xi32>, vector<16xi32>, vector<16xi32>, vector<16xi32>, vector<16xi32>, vector<16xi32>, vector<16xi32>
    }
    %scan3A_152 = arith.constant 64 : i32
    %dma_wait3A_153 = tpu.memref_slice %arg2[%mul3A_29, %add3A_34] : memref<128x65536xf32, #tpu.memory_space<hbm>> -> memref<8x1024xf32, #tpu.memory_space<hbm>>
    %dma_wait3A_154 = tpu.memref_slice %arg2[%mul3A_29, %add3A_34] : memref<128x65536xf32, #tpu.memory_space<hbm>> -> memref<8x1024xf32, #tpu.memory_space<hbm>>
    tpu.wait_dma2 semaphore(%arg15 : memref<!tpu.dma_semaphore, #tpu.memory_space<semaphore_mem>>) src(%dma_wait3A_154 : memref<8x1024xf32, #tpu.memory_space<hbm>>) dst(%arg6 : memref<8x1024xf32, #tpu.memory_space<vmem>>)
    %add3A_155 = arith.constant 5120 : i32
    %add3A_156 = arith.addi %mul3A_36, %add3A_155 : i32
    %scan3A_157 = arith.constant 0 : i32
    %scan3A_158 = arith.constant 64 : i32
    %scan3A_159 = arith.addi %scan3A_157, %scan3A_158 : i32
    %scan3A_160 = arith.constant 1 : i32
    %scan3A_161:16 = scf.for %scan3A_253 = %scan3A_157 to %scan3A_159 step %scan3A_160 iter_args(%scan3A_254 = %scan3A_151#0, %scan3A_255 = %scan3A_151#1, %scan3A_256 = %scan3A_151#2, %scan3A_257 = %scan3A_151#3, %scan3A_258 = %scan3A_151#4, %scan3A_259 = %scan3A_151#5, %scan3A_260 = %scan3A_151#6, %scan3A_261 = %scan3A_151#7, %scan3A_262 = %scan3A_151#8, %scan3A_263 = %scan3A_151#9, %scan3A_264 = %scan3A_151#10, %scan3A_265 = %scan3A_151#11, %scan3A_266 = %scan3A_151#12, %scan3A_267 = %scan3A_151#13, %scan3A_268 = %scan3A_151#14, %scan3A_269 = %scan3A_151#15) -> (vector<16xf32>, vector<16xf32>, vector<16xf32>, vector<16xf32>, vector<16xf32>, vector<16xf32>, vector<16xf32>, vector<16xf32>, vector<16xi32>, vector<16xi32>, vector<16xi32>, vector<16xi32>, vector<16xi32>, vector<16xi32>, vector<16xi32>, vector<16xi32>)  : i32 {
      %mul3A_270 = arith.constant 16 : i32
      %mul3A_271 = arith.muli %scan3A_253, %mul3A_270 : i32
      %add3A_272 = arith.addi %add3A_156, %mul3A_271 : i32
      %add3A_273 = vector.broadcast %add3A_272 : i32 to vector<16xi32>
      %add3A_274 = arith.addi %iota3A, %add3A_273 : vector<16xi32>
      %get3A = arith.constant 0 : i32
      %get3A_275 = arith.index_cast %get3A : i32 to index
      %get3A_276 = arith.index_cast %mul3A_271 : i32 to index
      %get3A_277 = tpu.vector_load %arg6[%get3A_275, %get3A_276] {strides = array<i32>} : memref<8x1024xf32, #tpu.memory_space<vmem>>, vector<1x16xf32>,
      %get3A_278 = vector.shape_cast %get3A_277 : vector<1x16xf32> to vector<16xf32>
      %gt3A = arith.cmpf ogt, %get3A_278, %scan3A_254 : vector<16xf32>
      %select_n3A_279 = arith.select %gt3A, %get3A_278, %scan3A_254 : vector<16xi1>, vector<16xf32>
      %select_n3A_280 = arith.select %gt3A, %add3A_274, %scan3A_262 : vector<16xi1>, vector<16xi32>
      %get3A_281 = arith.constant 1 : i32
      %get3A_282 = arith.index_cast %get3A_281 : i32 to index
      %get3A_283 = arith.index_cast %mul3A_271 : i32 to index
      %get3A_284 = tpu.vector_load %arg6[%get3A_282, %get3A_283] {strides = array<i32>} : memref<8x1024xf32, #tpu.memory_space<vmem>>, vector<1x16xf32>,
      %get3A_285 = vector.shape_cast %get3A_284 : vector<1x16xf32> to vector<16xf32>
      %gt3A_286 = arith.cmpf ogt, %get3A_285, %scan3A_255 : vector<16xf32>
      %select_n3A_287 = arith.select %gt3A_286, %get3A_285, %scan3A_255 : vector<16xi1>, vector<16xf32>
      %select_n3A_288 = arith.select %gt3A_286, %add3A_274, %scan3A_263 : vector<16xi1>, vector<16xi32>
      %get3A_289 = arith.constant 2 : i32
      %get3A_290 = arith.index_cast %get3A_289 : i32 to index
      %get3A_291 = arith.index_cast %mul3A_271 : i32 to index
      %get3A_292 = tpu.vector_load %arg6[%get3A_290, %get3A_291] {strides = array<i32>} : memref<8x1024xf32, #tpu.memory_space<vmem>>, vector<1x16xf32>,
      %get3A_293 = vector.shape_cast %get3A_292 : vector<1x16xf32> to vector<16xf32>
      %gt3A_294 = arith.cmpf ogt, %get3A_293, %scan3A_256 : vector<16xf32>
      %select_n3A_295 = arith.select %gt3A_294, %get3A_293, %scan3A_256 : vector<16xi1>, vector<16xf32>
      %select_n3A_296 = arith.select %gt3A_294, %add3A_274, %scan3A_264 : vector<16xi1>, vector<16xi32>
      %get3A_297 = arith.constant 3 : i32
      %get3A_298 = arith.index_cast %get3A_297 : i32 to index
      %get3A_299 = arith.index_cast %mul3A_271 : i32 to index
      %get3A_300 = tpu.vector_load %arg6[%get3A_298, %get3A_299] {strides = array<i32>} : memref<8x1024xf32, #tpu.memory_space<vmem>>, vector<1x16xf32>,
      %get3A_301 = vector.shape_cast %get3A_300 : vector<1x16xf32> to vector<16xf32>
      %gt3A_302 = arith.cmpf ogt, %get3A_301, %scan3A_257 : vector<16xf32>
      %select_n3A_303 = arith.select %gt3A_302, %get3A_301, %scan3A_257 : vector<16xi1>, vector<16xf32>
      %select_n3A_304 = arith.select %gt3A_302, %add3A_274, %scan3A_265 : vector<16xi1>, vector<16xi32>
      %get3A_305 = arith.constant 4 : i32
      %get3A_306 = arith.index_cast %get3A_305 : i32 to index
      %get3A_307 = arith.index_cast %mul3A_271 : i32 to index
      %get3A_308 = tpu.vector_load %arg6[%get3A_306, %get3A_307] {strides = array<i32>} : memref<8x1024xf32, #tpu.memory_space<vmem>>, vector<1x16xf32>,
      %get3A_309 = vector.shape_cast %get3A_308 : vector<1x16xf32> to vector<16xf32>
      %gt3A_310 = arith.cmpf ogt, %get3A_309, %scan3A_258 : vector<16xf32>
      %select_n3A_311 = arith.select %gt3A_310, %get3A_309, %scan3A_258 : vector<16xi1>, vector<16xf32>
      %select_n3A_312 = arith.select %gt3A_310, %add3A_274, %scan3A_266 : vector<16xi1>, vector<16xi32>
      %get3A_313 = arith.constant 5 : i32
      %get3A_314 = arith.index_cast %get3A_313 : i32 to index
      %get3A_315 = arith.index_cast %mul3A_271 : i32 to index
      %get3A_316 = tpu.vector_load %arg6[%get3A_314, %get3A_315] {strides = array<i32>} : memref<8x1024xf32, #tpu.memory_space<vmem>>, vector<1x16xf32>,
      %get3A_317 = vector.shape_cast %get3A_316 : vector<1x16xf32> to vector<16xf32>
      %gt3A_318 = arith.cmpf ogt, %get3A_317, %scan3A_259 : vector<16xf32>
      %select_n3A_319 = arith.select %gt3A_318, %get3A_317, %scan3A_259 : vector<16xi1>, vector<16xf32>
      %select_n3A_320 = arith.select %gt3A_318, %add3A_274, %scan3A_267 : vector<16xi1>, vector<16xi32>
      %get3A_321 = arith.constant 6 : i32
      %get3A_322 = arith.index_cast %get3A_321 : i32 to index
      %get3A_323 = arith.index_cast %mul3A_271 : i32 to index
      %get3A_324 = tpu.vector_load %arg6[%get3A_322, %get3A_323] {strides = array<i32>} : memref<8x1024xf32, #tpu.memory_space<vmem>>, vector<1x16xf32>,
      %get3A_325 = vector.shape_cast %get3A_324 : vector<1x16xf32> to vector<16xf32>
      %gt3A_326 = arith.cmpf ogt, %get3A_325, %scan3A_260 : vector<16xf32>
      %select_n3A_327 = arith.select %gt3A_326, %get3A_325, %scan3A_260 : vector<16xi1>, vector<16xf32>
      %select_n3A_328 = arith.select %gt3A_326, %add3A_274, %scan3A_268 : vector<16xi1>, vector<16xi32>
      %get3A_329 = arith.constant 7 : i32
      %get3A_330 = arith.index_cast %get3A_329 : i32 to index
      %get3A_331 = arith.index_cast %mul3A_271 : i32 to index
      %get3A_332 = tpu.vector_load %arg6[%get3A_330, %get3A_331] {strides = array<i32>} : memref<8x1024xf32, #tpu.memory_space<vmem>>, vector<1x16xf32>,
      %get3A_333 = vector.shape_cast %get3A_332 : vector<1x16xf32> to vector<16xf32>
      %gt3A_334 = arith.cmpf ogt, %get3A_333, %scan3A_261 : vector<16xf32>
      %select_n3A_335 = arith.select %gt3A_334, %get3A_333, %scan3A_261 : vector<16xi1>, vector<16xf32>
      %select_n3A_336 = arith.select %gt3A_334, %add3A_274, %scan3A_269 : vector<16xi1>, vector<16xi32>
      scf.yield %select_n3A_279, %select_n3A_287, %select_n3A_295, %select_n3A_303, %select_n3A_311, %select_n3A_319, %select_n3A_327, %select_n3A_335, %select_n3A_280, %select_n3A_288, %select_n3A_296, %select_n3A_304, %select_n3A_312, %select_n3A_320, %select_n3A_328, %select_n3A_336 : vector<16xf32>, vector<16xf32>, vector<16xf32>, vector<16xf32>, vector<16xf32>, vector<16xf32>, vector<16xf32>, vector<16xf32>, vector<16xi32>, vector<16xi32>, vector<16xi32>, vector<16xi32>, vector<16xi32>, vector<16xi32>, vector<16xi32>, vector<16xi32>
    }
    %scan3A_162 = arith.constant 64 : i32
    %dma_wait3A_163 = tpu.memref_slice %arg2[%mul3A_29, %add3A_34] : memref<128x65536xf32, #tpu.memory_space<hbm>> -> memref<8x1024xf32, #tpu.memory_space<hbm>>
    %dma_wait3A_164 = tpu.memref_slice %arg2[%mul3A_29, %add3A_34] : memref<128x65536xf32, #tpu.memory_space<hbm>> -> memref<8x1024xf32, #tpu.memory_space<hbm>>
    tpu.wait_dma2 semaphore(%arg16 : memref<!tpu.dma_semaphore, #tpu.memory_space<semaphore_mem>>) src(%dma_wait3A_164 : memref<8x1024xf32, #tpu.memory_space<hbm>>) dst(%arg7 : memref<8x1024xf32, #tpu.memory_space<vmem>>)
    %add3A_165 = arith.constant 6144 : i32
    %add3A_166 = arith.addi %mul3A_36, %add3A_165 : i32
    %scan3A_167 = arith.constant 0 : i32
    %scan3A_168 = arith.constant 64 : i32
    %scan3A_169 = arith.addi %scan3A_167, %scan3A_168 : i32
    %scan3A_170 = arith.constant 1 : i32
    %scan3A_171:16 = scf.for %scan3A_253 = %scan3A_167 to %scan3A_169 step %scan3A_170 iter_args(%scan3A_254 = %scan3A_161#0, %scan3A_255 = %scan3A_161#1, %scan3A_256 = %scan3A_161#2, %scan3A_257 = %scan3A_161#3, %scan3A_258 = %scan3A_161#4, %scan3A_259 = %scan3A_161#5, %scan3A_260 = %scan3A_161#6, %scan3A_261 = %scan3A_161#7, %scan3A_262 = %scan3A_161#8, %scan3A_263 = %scan3A_161#9, %scan3A_264 = %scan3A_161#10, %scan3A_265 = %scan3A_161#11, %scan3A_266 = %scan3A_161#12, %scan3A_267 = %scan3A_161#13, %scan3A_268 = %scan3A_161#14, %scan3A_269 = %scan3A_161#15) -> (vector<16xf32>, vector<16xf32>, vector<16xf32>, vector<16xf32>, vector<16xf32>, vector<16xf32>, vector<16xf32>, vector<16xf32>, vector<16xi32>, vector<16xi32>, vector<16xi32>, vector<16xi32>, vector<16xi32>, vector<16xi32>, vector<16xi32>, vector<16xi32>)  : i32 {
      %mul3A_270 = arith.constant 16 : i32
      %mul3A_271 = arith.muli %scan3A_253, %mul3A_270 : i32
      %add3A_272 = arith.addi %add3A_166, %mul3A_271 : i32
      %add3A_273 = vector.broadcast %add3A_272 : i32 to vector<16xi32>
      %add3A_274 = arith.addi %iota3A, %add3A_273 : vector<16xi32>
      %get3A = arith.constant 0 : i32
      %get3A_275 = arith.index_cast %get3A : i32 to index
      %get3A_276 = arith.index_cast %mul3A_271 : i32 to index
      %get3A_277 = tpu.vector_load %arg7[%get3A_275, %get3A_276] {strides = array<i32>} : memref<8x1024xf32, #tpu.memory_space<vmem>>, vector<1x16xf32>,
      %get3A_278 = vector.shape_cast %get3A_277 : vector<1x16xf32> to vector<16xf32>
      %gt3A = arith.cmpf ogt, %get3A_278, %scan3A_254 : vector<16xf32>
      %select_n3A_279 = arith.select %gt3A, %get3A_278, %scan3A_254 : vector<16xi1>, vector<16xf32>
      %select_n3A_280 = arith.select %gt3A, %add3A_274, %scan3A_262 : vector<16xi1>, vector<16xi32>
      %get3A_281 = arith.constant 1 : i32
      %get3A_282 = arith.index_cast %get3A_281 : i32 to index
      %get3A_283 = arith.index_cast %mul3A_271 : i32 to index
      %get3A_284 = tpu.vector_load %arg7[%get3A_282, %get3A_283] {strides = array<i32>} : memref<8x1024xf32, #tpu.memory_space<vmem>>, vector<1x16xf32>,
      %get3A_285 = vector.shape_cast %get3A_284 : vector<1x16xf32> to vector<16xf32>
      %gt3A_286 = arith.cmpf ogt, %get3A_285, %scan3A_255 : vector<16xf32>
      %select_n3A_287 = arith.select %gt3A_286, %get3A_285, %scan3A_255 : vector<16xi1>, vector<16xf32>
      %select_n3A_288 = arith.select %gt3A_286, %add3A_274, %scan3A_263 : vector<16xi1>, vector<16xi32>
      %get3A_289 = arith.constant 2 : i32
      %get3A_290 = arith.index_cast %get3A_289 : i32 to index
      %get3A_291 = arith.index_cast %mul3A_271 : i32 to index
      %get3A_292 = tpu.vector_load %arg7[%get3A_290, %get3A_291] {strides = array<i32>} : memref<8x1024xf32, #tpu.memory_space<vmem>>, vector<1x16xf32>,
      %get3A_293 = vector.shape_cast %get3A_292 : vector<1x16xf32> to vector<16xf32>
      %gt3A_294 = arith.cmpf ogt, %get3A_293, %scan3A_256 : vector<16xf32>
      %select_n3A_295 = arith.select %gt3A_294, %get3A_293, %scan3A_256 : vector<16xi1>, vector<16xf32>
      %select_n3A_296 = arith.select %gt3A_294, %add3A_274, %scan3A_264 : vector<16xi1>, vector<16xi32>
      %get3A_297 = arith.constant 3 : i32
      %get3A_298 = arith.index_cast %get3A_297 : i32 to index
      %get3A_299 = arith.index_cast %mul3A_271 : i32 to index
      %get3A_300 = tpu.vector_load %arg7[%get3A_298, %get3A_299] {strides = array<i32>} : memref<8x1024xf32, #tpu.memory_space<vmem>>, vector<1x16xf32>,
      %get3A_301 = vector.shape_cast %get3A_300 : vector<1x16xf32> to vector<16xf32>
      %gt3A_302 = arith.cmpf ogt, %get3A_301, %scan3A_257 : vector<16xf32>
      %select_n3A_303 = arith.select %gt3A_302, %get3A_301, %scan3A_257 : vector<16xi1>, vector<16xf32>
      %select_n3A_304 = arith.select %gt3A_302, %add3A_274, %scan3A_265 : vector<16xi1>, vector<16xi32>
      %get3A_305 = arith.constant 4 : i32
      %get3A_306 = arith.index_cast %get3A_305 : i32 to index
      %get3A_307 = arith.index_cast %mul3A_271 : i32 to index
      %get3A_308 = tpu.vector_load %arg7[%get3A_306, %get3A_307] {strides = array<i32>} : memref<8x1024xf32, #tpu.memory_space<vmem>>, vector<1x16xf32>,
      %get3A_309 = vector.shape_cast %get3A_308 : vector<1x16xf32> to vector<16xf32>
      %gt3A_310 = arith.cmpf ogt, %get3A_309, %scan3A_258 : vector<16xf32>
      %select_n3A_311 = arith.select %gt3A_310, %get3A_309, %scan3A_258 : vector<16xi1>, vector<16xf32>
      %select_n3A_312 = arith.select %gt3A_310, %add3A_274, %scan3A_266 : vector<16xi1>, vector<16xi32>
      %get3A_313 = arith.constant 5 : i32
      %get3A_314 = arith.index_cast %get3A_313 : i32 to index
      %get3A_315 = arith.index_cast %mul3A_271 : i32 to index
      %get3A_316 = tpu.vector_load %arg7[%get3A_314, %get3A_315] {strides = array<i32>} : memref<8x1024xf32, #tpu.memory_space<vmem>>, vector<1x16xf32>,
      %get3A_317 = vector.shape_cast %get3A_316 : vector<1x16xf32> to vector<16xf32>
      %gt3A_318 = arith.cmpf ogt, %get3A_317, %scan3A_259 : vector<16xf32>
      %select_n3A_319 = arith.select %gt3A_318, %get3A_317, %scan3A_259 : vector<16xi1>, vector<16xf32>
      %select_n3A_320 = arith.select %gt3A_318, %add3A_274, %scan3A_267 : vector<16xi1>, vector<16xi32>
      %get3A_321 = arith.constant 6 : i32
      %get3A_322 = arith.index_cast %get3A_321 : i32 to index
      %get3A_323 = arith.index_cast %mul3A_271 : i32 to index
      %get3A_324 = tpu.vector_load %arg7[%get3A_322, %get3A_323] {strides = array<i32>} : memref<8x1024xf32, #tpu.memory_space<vmem>>, vector<1x16xf32>,
      %get3A_325 = vector.shape_cast %get3A_324 : vector<1x16xf32> to vector<16xf32>
      %gt3A_326 = arith.cmpf ogt, %get3A_325, %scan3A_260 : vector<16xf32>
      %select_n3A_327 = arith.select %gt3A_326, %get3A_325, %scan3A_260 : vector<16xi1>, vector<16xf32>
      %select_n3A_328 = arith.select %gt3A_326, %add3A_274, %scan3A_268 : vector<16xi1>, vector<16xi32>
      %get3A_329 = arith.constant 7 : i32
      %get3A_330 = arith.index_cast %get3A_329 : i32 to index
      %get3A_331 = arith.index_cast %mul3A_271 : i32 to index
      %get3A_332 = tpu.vector_load %arg7[%get3A_330, %get3A_331] {strides = array<i32>} : memref<8x1024xf32, #tpu.memory_space<vmem>>, vector<1x16xf32>,
      %get3A_333 = vector.shape_cast %get3A_332 : vector<1x16xf32> to vector<16xf32>
      %gt3A_334 = arith.cmpf ogt, %get3A_333, %scan3A_261 : vector<16xf32>
      %select_n3A_335 = arith.select %gt3A_334, %get3A_333, %scan3A_261 : vector<16xi1>, vector<16xf32>
      %select_n3A_336 = arith.select %gt3A_334, %add3A_274, %scan3A_269 : vector<16xi1>, vector<16xi32>
      scf.yield %select_n3A_279, %select_n3A_287, %select_n3A_295, %select_n3A_303, %select_n3A_311, %select_n3A_319, %select_n3A_327, %select_n3A_335, %select_n3A_280, %select_n3A_288, %select_n3A_296, %select_n3A_304, %select_n3A_312, %select_n3A_320, %select_n3A_328, %select_n3A_336 : vector<16xf32>, vector<16xf32>, vector<16xf32>, vector<16xf32>, vector<16xf32>, vector<16xf32>, vector<16xf32>, vector<16xf32>, vector<16xi32>, vector<16xi32>, vector<16xi32>, vector<16xi32>, vector<16xi32>, vector<16xi32>, vector<16xi32>, vector<16xi32>
    }
    %scan3A_172 = arith.constant 64 : i32
    %dma_wait3A_173 = tpu.memref_slice %arg2[%mul3A_29, %add3A_34] : memref<128x65536xf32, #tpu.memory_space<hbm>> -> memref<8x1024xf32, #tpu.memory_space<hbm>>
    %dma_wait3A_174 = tpu.memref_slice %arg2[%mul3A_29, %add3A_34] : memref<128x65536xf32, #tpu.memory_space<hbm>> -> memref<8x1024xf32, #tpu.memory_space<hbm>>
    tpu.wait_dma2 semaphore(%arg17 : memref<!tpu.dma_semaphore, #tpu.memory_space<semaphore_mem>>) src(%dma_wait3A_174 : memref<8x1024xf32, #tpu.memory_space<hbm>>) dst(%arg8 : memref<8x1024xf32, #tpu.memory_space<vmem>>)
    %add3A_175 = arith.constant 7168 : i32
    %add3A_176 = arith.addi %mul3A_36, %add3A_175 : i32
    %scan3A_177 = arith.constant 0 : i32
    %scan3A_178 = arith.constant 64 : i32
    %scan3A_179 = arith.addi %scan3A_177, %scan3A_178 : i32
    %scan3A_180 = arith.constant 1 : i32
    %scan3A_181:16 = scf.for %scan3A_253 = %scan3A_177 to %scan3A_179 step %scan3A_180 iter_args(%scan3A_254 = %scan3A_171#0, %scan3A_255 = %scan3A_171#1, %scan3A_256 = %scan3A_171#2, %scan3A_257 = %scan3A_171#3, %scan3A_258 = %scan3A_171#4, %scan3A_259 = %scan3A_171#5, %scan3A_260 = %scan3A_171#6, %scan3A_261 = %scan3A_171#7, %scan3A_262 = %scan3A_171#8, %scan3A_263 = %scan3A_171#9, %scan3A_264 = %scan3A_171#10, %scan3A_265 = %scan3A_171#11, %scan3A_266 = %scan3A_171#12, %scan3A_267 = %scan3A_171#13, %scan3A_268 = %scan3A_171#14, %scan3A_269 = %scan3A_171#15) -> (vector<16xf32>, vector<16xf32>, vector<16xf32>, vector<16xf32>, vector<16xf32>, vector<16xf32>, vector<16xf32>, vector<16xf32>, vector<16xi32>, vector<16xi32>, vector<16xi32>, vector<16xi32>, vector<16xi32>, vector<16xi32>, vector<16xi32>, vector<16xi32>)  : i32 {
      %mul3A_270 = arith.constant 16 : i32
      %mul3A_271 = arith.muli %scan3A_253, %mul3A_270 : i32
      %add3A_272 = arith.addi %add3A_176, %mul3A_271 : i32
      %add3A_273 = vector.broadcast %add3A_272 : i32 to vector<16xi32>
      %add3A_274 = arith.addi %iota3A, %add3A_273 : vector<16xi32>
      %get3A = arith.constant 0 : i32
      %get3A_275 = arith.index_cast %get3A : i32 to index
      %get3A_276 = arith.index_cast %mul3A_271 : i32 to index
      %get3A_277 = tpu.vector_load %arg8[%get3A_275, %get3A_276] {strides = array<i32>} : memref<8x1024xf32, #tpu.memory_space<vmem>>, vector<1x16xf32>,
      %get3A_278 = vector.shape_cast %get3A_277 : vector<1x16xf32> to vector<16xf32>
      %gt3A = arith.cmpf ogt, %get3A_278, %scan3A_254 : vector<16xf32>
      %select_n3A_279 = arith.select %gt3A, %get3A_278, %scan3A_254 : vector<16xi1>, vector<16xf32>
      %select_n3A_280 = arith.select %gt3A, %add3A_274, %scan3A_262 : vector<16xi1>, vector<16xi32>
      %get3A_281 = arith.constant 1 : i32
      %get3A_282 = arith.index_cast %get3A_281 : i32 to index
      %get3A_283 = arith.index_cast %mul3A_271 : i32 to index
      %get3A_284 = tpu.vector_load %arg8[%get3A_282, %get3A_283] {strides = array<i32>} : memref<8x1024xf32, #tpu.memory_space<vmem>>, vector<1x16xf32>,
      %get3A_285 = vector.shape_cast %get3A_284 : vector<1x16xf32> to vector<16xf32>
      %gt3A_286 = arith.cmpf ogt, %get3A_285, %scan3A_255 : vector<16xf32>
      %select_n3A_287 = arith.select %gt3A_286, %get3A_285, %scan3A_255 : vector<16xi1>, vector<16xf32>
      %select_n3A_288 = arith.select %gt3A_286, %add3A_274, %scan3A_263 : vector<16xi1>, vector<16xi32>
      %get3A_289 = arith.constant 2 : i32
      %get3A_290 = arith.index_cast %get3A_289 : i32 to index
      %get3A_291 = arith.index_cast %mul3A_271 : i32 to index
      %get3A_292 = tpu.vector_load %arg8[%get3A_290, %get3A_291] {strides = array<i32>} : memref<8x1024xf32, #tpu.memory_space<vmem>>, vector<1x16xf32>,
      %get3A_293 = vector.shape_cast %get3A_292 : vector<1x16xf32> to vector<16xf32>
      %gt3A_294 = arith.cmpf ogt, %get3A_293, %scan3A_256 : vector<16xf32>
      %select_n3A_295 = arith.select %gt3A_294, %get3A_293, %scan3A_256 : vector<16xi1>, vector<16xf32>
      %select_n3A_296 = arith.select %gt3A_294, %add3A_274, %scan3A_264 : vector<16xi1>, vector<16xi32>
      %get3A_297 = arith.constant 3 : i32
      %get3A_298 = arith.index_cast %get3A_297 : i32 to index
      %get3A_299 = arith.index_cast %mul3A_271 : i32 to index
      %get3A_300 = tpu.vector_load %arg8[%get3A_298, %get3A_299] {strides = array<i32>} : memref<8x1024xf32, #tpu.memory_space<vmem>>, vector<1x16xf32>,
      %get3A_301 = vector.shape_cast %get3A_300 : vector<1x16xf32> to vector<16xf32>
      %gt3A_302 = arith.cmpf ogt, %get3A_301, %scan3A_257 : vector<16xf32>
      %select_n3A_303 = arith.select %gt3A_302, %get3A_301, %scan3A_257 : vector<16xi1>, vector<16xf32>
      %select_n3A_304 = arith.select %gt3A_302, %add3A_274, %scan3A_265 : vector<16xi1>, vector<16xi32>
      %get3A_305 = arith.constant 4 : i32
      %get3A_306 = arith.index_cast %get3A_305 : i32 to index
      %get3A_307 = arith.index_cast %mul3A_271 : i32 to index
      %get3A_308 = tpu.vector_load %arg8[%get3A_306, %get3A_307] {strides = array<i32>} : memref<8x1024xf32, #tpu.memory_space<vmem>>, vector<1x16xf32>,
      %get3A_309 = vector.shape_cast %get3A_308 : vector<1x16xf32> to vector<16xf32>
      %gt3A_310 = arith.cmpf ogt, %get3A_309, %scan3A_258 : vector<16xf32>
      %select_n3A_311 = arith.select %gt3A_310, %get3A_309, %scan3A_258 : vector<16xi1>, vector<16xf32>
      %select_n3A_312 = arith.select %gt3A_310, %add3A_274, %scan3A_266 : vector<16xi1>, vector<16xi32>
      %get3A_313 = arith.constant 5 : i32
      %get3A_314 = arith.index_cast %get3A_313 : i32 to index
      %get3A_315 = arith.index_cast %mul3A_271 : i32 to index
      %get3A_316 = tpu.vector_load %arg8[%get3A_314, %get3A_315] {strides = array<i32>} : memref<8x1024xf32, #tpu.memory_space<vmem>>, vector<1x16xf32>,
      %get3A_317 = vector.shape_cast %get3A_316 : vector<1x16xf32> to vector<16xf32>
      %gt3A_318 = arith.cmpf ogt, %get3A_317, %scan3A_259 : vector<16xf32>
      %select_n3A_319 = arith.select %gt3A_318, %get3A_317, %scan3A_259 : vector<16xi1>, vector<16xf32>
      %select_n3A_320 = arith.select %gt3A_318, %add3A_274, %scan3A_267 : vector<16xi1>, vector<16xi32>
      %get3A_321 = arith.constant 6 : i32
      %get3A_322 = arith.index_cast %get3A_321 : i32 to index
      %get3A_323 = arith.index_cast %mul3A_271 : i32 to index
      %get3A_324 = tpu.vector_load %arg8[%get3A_322, %get3A_323] {strides = array<i32>} : memref<8x1024xf32, #tpu.memory_space<vmem>>, vector<1x16xf32>,
      %get3A_325 = vector.shape_cast %get3A_324 : vector<1x16xf32> to vector<16xf32>
      %gt3A_326 = arith.cmpf ogt, %get3A_325, %scan3A_260 : vector<16xf32>
      %select_n3A_327 = arith.select %gt3A_326, %get3A_325, %scan3A_260 : vector<16xi1>, vector<16xf32>
      %select_n3A_328 = arith.select %gt3A_326, %add3A_274, %scan3A_268 : vector<16xi1>, vector<16xi32>
      %get3A_329 = arith.constant 7 : i32
      %get3A_330 = arith.index_cast %get3A_329 : i32 to index
      %get3A_331 = arith.index_cast %mul3A_271 : i32 to index
      %get3A_332 = tpu.vector_load %arg8[%get3A_330, %get3A_331] {strides = array<i32>} : memref<8x1024xf32, #tpu.memory_space<vmem>>, vector<1x16xf32>,
      %get3A_333 = vector.shape_cast %get3A_332 : vector<1x16xf32> to vector<16xf32>
      %gt3A_334 = arith.cmpf ogt, %get3A_333, %scan3A_261 : vector<16xf32>
      %select_n3A_335 = arith.select %gt3A_334, %get3A_333, %scan3A_261 : vector<16xi1>, vector<16xf32>
      %select_n3A_336 = arith.select %gt3A_334, %add3A_274, %scan3A_269 : vector<16xi1>, vector<16xi32>
      scf.yield %select_n3A_279, %select_n3A_287, %select_n3A_295, %select_n3A_303, %select_n3A_311, %select_n3A_319, %select_n3A_327, %select_n3A_335, %select_n3A_280, %select_n3A_288, %select_n3A_296, %select_n3A_304, %select_n3A_312, %select_n3A_320, %select_n3A_328, %select_n3A_336 : vector<16xf32>, vector<16xf32>, vector<16xf32>, vector<16xf32>, vector<16xf32>, vector<16xf32>, vector<16xf32>, vector<16xf32>, vector<16xi32>, vector<16xi32>, vector<16xi32>, vector<16xi32>, vector<16xi32>, vector<16xi32>, vector<16xi32>, vector<16xi32>
    }
    %scan3A_182 = arith.constant 64 : i32
    %swap3A = arith.constant 0 : index
    %swap3A_183 = tpu.vector_load %arg9[%swap3A] {strides = array<i32>} : memref<128xf32, #tpu.memory_space<vmem>>, vector<16xf32>,
    %swap3A_184 = vector.shape_cast %swap3A_183 : vector<16xf32> to vector<16xf32>
    %swap3A_185 = vector.shape_cast %scan3A_181#0 : vector<16xf32> to vector<16xf32>
    tpu.vector_store %arg9[%swap3A], %swap3A_185 {strides = array<i32>} : memref<128xf32, #tpu.memory_space<vmem>>, vector<16xf32>,
    %swap3A_186 = arith.constant 0 : index
    %swap3A_187 = tpu.vector_load %arg10[%swap3A_186] {strides = array<i32>} : memref<128xi32, #tpu.memory_space<vmem>>, vector<16xi32>,
    %swap3A_188 = vector.shape_cast %swap3A_187 : vector<16xi32> to vector<16xi32>
    %swap3A_189 = vector.shape_cast %scan3A_181#8 : vector<16xi32> to vector<16xi32>
    tpu.vector_store %arg10[%swap3A_186], %swap3A_189 {strides = array<i32>} : memref<128xi32, #tpu.memory_space<vmem>>, vector<16xi32>,
    %swap3A_190 = arith.constant 16 : index
    %swap3A_191 = tpu.vector_load %arg9[%swap3A_190] {strides = array<i32>} : memref<128xf32, #tpu.memory_space<vmem>>, vector<16xf32>,
    %swap3A_192 = vector.shape_cast %swap3A_191 : vector<16xf32> to vector<16xf32>
    %swap3A_193 = vector.shape_cast %scan3A_181#1 : vector<16xf32> to vector<16xf32>
    tpu.vector_store %arg9[%swap3A_190], %swap3A_193 {strides = array<i32>} : memref<128xf32, #tpu.memory_space<vmem>>, vector<16xf32>,
    %swap3A_194 = arith.constant 16 : index
    %swap3A_195 = tpu.vector_load %arg10[%swap3A_194] {strides = array<i32>} : memref<128xi32, #tpu.memory_space<vmem>>, vector<16xi32>,
    %swap3A_196 = vector.shape_cast %swap3A_195 : vector<16xi32> to vector<16xi32>
    %swap3A_197 = vector.shape_cast %scan3A_181#9 : vector<16xi32> to vector<16xi32>
    tpu.vector_store %arg10[%swap3A_194], %swap3A_197 {strides = array<i32>} : memref<128xi32, #tpu.memory_space<vmem>>, vector<16xi32>,
    %swap3A_198 = arith.constant 32 : index
    %swap3A_199 = tpu.vector_load %arg9[%swap3A_198] {strides = array<i32>} : memref<128xf32, #tpu.memory_space<vmem>>, vector<16xf32>,
    %swap3A_200 = vector.shape_cast %swap3A_199 : vector<16xf32> to vector<16xf32>
    %swap3A_201 = vector.shape_cast %scan3A_181#2 : vector<16xf32> to vector<16xf32>
    tpu.vector_store %arg9[%swap3A_198], %swap3A_201 {strides = array<i32>} : memref<128xf32, #tpu.memory_space<vmem>>, vector<16xf32>,
    %swap3A_202 = arith.constant 32 : index
    %swap3A_203 = tpu.vector_load %arg10[%swap3A_202] {strides = array<i32>} : memref<128xi32, #tpu.memory_space<vmem>>, vector<16xi32>,
    %swap3A_204 = vector.shape_cast %swap3A_203 : vector<16xi32> to vector<16xi32>
    %swap3A_205 = vector.shape_cast %scan3A_181#10 : vector<16xi32> to vector<16xi32>
    tpu.vector_store %arg10[%swap3A_202], %swap3A_205 {strides = array<i32>} : memref<128xi32, #tpu.memory_space<vmem>>, vector<16xi32>,
    %swap3A_206 = arith.constant 48 : index
    %swap3A_207 = tpu.vector_load %arg9[%swap3A_206] {strides = array<i32>} : memref<128xf32, #tpu.memory_space<vmem>>, vector<16xf32>,
    %swap3A_208 = vector.shape_cast %swap3A_207 : vector<16xf32> to vector<16xf32>
    %swap3A_209 = vector.shape_cast %scan3A_181#3 : vector<16xf32> to vector<16xf32>
    tpu.vector_store %arg9[%swap3A_206], %swap3A_209 {strides = array<i32>} : memref<128xf32, #tpu.memory_space<vmem>>, vector<16xf32>,
    %swap3A_210 = arith.constant 48 : index
    %swap3A_211 = tpu.vector_load %arg10[%swap3A_210] {strides = array<i32>} : memref<128xi32, #tpu.memory_space<vmem>>, vector<16xi32>,
    %swap3A_212 = vector.shape_cast %swap3A_211 : vector<16xi32> to vector<16xi32>
    %swap3A_213 = vector.shape_cast %scan3A_181#11 : vector<16xi32> to vector<16xi32>
    tpu.vector_store %arg10[%swap3A_210], %swap3A_213 {strides = array<i32>} : memref<128xi32, #tpu.memory_space<vmem>>, vector<16xi32>,
    %swap3A_214 = arith.constant 64 : index
    %swap3A_215 = tpu.vector_load %arg9[%swap3A_214] {strides = array<i32>} : memref<128xf32, #tpu.memory_space<vmem>>, vector<16xf32>,
    %swap3A_216 = vector.shape_cast %swap3A_215 : vector<16xf32> to vector<16xf32>
    %swap3A_217 = vector.shape_cast %scan3A_181#4 : vector<16xf32> to vector<16xf32>
    tpu.vector_store %arg9[%swap3A_214], %swap3A_217 {strides = array<i32>} : memref<128xf32, #tpu.memory_space<vmem>>, vector<16xf32>,
    %swap3A_218 = arith.constant 64 : index
    %swap3A_219 = tpu.vector_load %arg10[%swap3A_218] {strides = array<i32>} : memref<128xi32, #tpu.memory_space<vmem>>, vector<16xi32>,
    %swap3A_220 = vector.shape_cast %swap3A_219 : vector<16xi32> to vector<16xi32>
    %swap3A_221 = vector.shape_cast %scan3A_181#12 : vector<16xi32> to vector<16xi32>
    tpu.vector_store %arg10[%swap3A_218], %swap3A_221 {strides = array<i32>} : memref<128xi32, #tpu.memory_space<vmem>>, vector<16xi32>,
    %swap3A_222 = arith.constant 80 : index
    %swap3A_223 = tpu.vector_load %arg9[%swap3A_222] {strides = array<i32>} : memref<128xf32, #tpu.memory_space<vmem>>, vector<16xf32>,
    %swap3A_224 = vector.shape_cast %swap3A_223 : vector<16xf32> to vector<16xf32>
    %swap3A_225 = vector.shape_cast %scan3A_181#5 : vector<16xf32> to vector<16xf32>
    tpu.vector_store %arg9[%swap3A_222], %swap3A_225 {strides = array<i32>} : memref<128xf32, #tpu.memory_space<vmem>>, vector<16xf32>,
    %swap3A_226 = arith.constant 80 : index
    %swap3A_227 = tpu.vector_load %arg10[%swap3A_226] {strides = array<i32>} : memref<128xi32, #tpu.memory_space<vmem>>, vector<16xi32>,
    %swap3A_228 = vector.shape_cast %swap3A_227 : vector<16xi32> to vector<16xi32>
    %swap3A_229 = vector.shape_cast %scan3A_181#13 : vector<16xi32> to vector<16xi32>
    tpu.vector_store %arg10[%swap3A_226], %swap3A_229 {strides = array<i32>} : memref<128xi32, #tpu.memory_space<vmem>>, vector<16xi32>,
    %swap3A_230 = arith.constant 96 : index
    %swap3A_231 = tpu.vector_load %arg9[%swap3A_230] {strides = array<i32>} : memref<128xf32, #tpu.memory_space<vmem>>, vector<16xf32>,
    %swap3A_232 = vector.shape_cast %swap3A_231 : vector<16xf32> to vector<16xf32>
    %swap3A_233 = vector.shape_cast %scan3A_181#6 : vector<16xf32> to vector<16xf32>
    tpu.vector_store %arg9[%swap3A_230], %swap3A_233 {strides = array<i32>} : memref<128xf32, #tpu.memory_space<vmem>>, vector<16xf32>,
    %swap3A_234 = arith.constant 96 : index
    %swap3A_235 = tpu.vector_load %arg10[%swap3A_234] {strides = array<i32>} : memref<128xi32, #tpu.memory_space<vmem>>, vector<16xi32>,
    %swap3A_236 = vector.shape_cast %swap3A_235 : vector<16xi32> to vector<16xi32>
    %swap3A_237 = vector.shape_cast %scan3A_181#14 : vector<16xi32> to vector<16xi32>
    tpu.vector_store %arg10[%swap3A_234], %swap3A_237 {strides = array<i32>} : memref<128xi32, #tpu.memory_space<vmem>>, vector<16xi32>,
    %swap3A_238 = arith.constant 112 : index
    %swap3A_239 = tpu.vector_load %arg9[%swap3A_238] {strides = array<i32>} : memref<128xf32, #tpu.memory_space<vmem>>, vector<16xf32>,
    %swap3A_240 = vector.shape_cast %swap3A_239 : vector<16xf32> to vector<16xf32>
    %swap3A_241 = vector.shape_cast %scan3A_181#7 : vector<16xf32> to vector<16xf32>
    tpu.vector_store %arg9[%swap3A_238], %swap3A_241 {strides = array<i32>} : memref<128xf32, #tpu.memory_space<vmem>>, vector<16xf32>,
    %swap3A_242 = arith.constant 112 : index
    %swap3A_243 = tpu.vector_load %arg10[%swap3A_242] {strides = array<i32>} : memref<128xi32, #tpu.memory_space<vmem>>, vector<16xi32>,
    %swap3A_244 = vector.shape_cast %swap3A_243 : vector<16xi32> to vector<16xi32>
    %swap3A_245 = vector.shape_cast %scan3A_181#15 : vector<16xi32> to vector<16xi32>
    tpu.vector_store %arg10[%swap3A_242], %swap3A_245 {strides = array<i32>} : memref<128xi32, #tpu.memory_space<vmem>>, vector<16xi32>,
    %mul3A_246 = arith.constant 128 : i32
    %mul3A_247 = arith.muli %arg1, %mul3A_246 : i32
    "tpu.region"() ({
      %run_scoped3A = tpu.sem_alloc : memref<!tpu.dma_semaphore, #tpu.memory_space<semaphore_mem>>
      %dma_start3A_253 = tpu.memref_slice %arg12[%mul3A_247] : memref<2048xf32, #tpu.memory_space<vmem_shared>> -> memref<128xf32, #tpu.memory_space<vmem_shared>>
      %dma_start3A_254 = tpu.memref_slice %arg12[%mul3A_247] : memref<2048xf32, #tpu.memory_space<vmem_shared>> -> memref<128xf32, #tpu.memory_space<vmem_shared>>
      tpu.enqueue_dma source(%arg9 : memref<128xf32, #tpu.memory_space<vmem>>) target(%dma_start3A_254 : memref<128xf32, #tpu.memory_space<vmem_shared>>) target_semaphore(%run_scoped3A : memref<!tpu.dma_semaphore, #tpu.memory_space<semaphore_mem>>)
      %dma_wait3A_255 = tpu.memref_slice %arg12[%mul3A_247] : memref<2048xf32, #tpu.memory_space<vmem_shared>> -> memref<128xf32, #tpu.memory_space<vmem_shared>>
      %dma_wait3A_256 = tpu.memref_slice %arg12[%mul3A_247] : memref<2048xf32, #tpu.memory_space<vmem_shared>> -> memref<128xf32, #tpu.memory_space<vmem_shared>>
      tpu.wait_dma2 semaphore(%run_scoped3A : memref<!tpu.dma_semaphore, #tpu.memory_space<semaphore_mem>>) src(%arg9 : memref<128xf32, #tpu.memory_space<vmem>>) dst(%dma_wait3A_256 : memref<128xf32, #tpu.memory_space<vmem_shared>>)
      tpu.yield
    }) : () -> ()
    %mul3A_248 = arith.constant 128 : i32
    %mul3A_249 = arith.muli %arg1, %mul3A_248 : i32
    "tpu.region"() ({
      %run_scoped3A = tpu.sem_alloc : memref<!tpu.dma_semaphore, #tpu.memory_space<semaphore_mem>>
      %dma_start3A_253 = tpu.memref_slice %arg13[%mul3A_249] : memref<2048xi32, #tpu.memory_space<vmem_shared>> -> memref<128xi32, #tpu.memory_space<vmem_shared>>
      %dma_start3A_254 = tpu.memref_slice %arg13[%mul3A_249] : memref<2048xi32, #tpu.memory_space<vmem_shared>> -> memref<128xi32, #tpu.memory_space<vmem_shared>>
      tpu.enqueue_dma source(%arg10 : memref<128xi32, #tpu.memory_space<vmem>>) target(%dma_start3A_254 : memref<128xi32, #tpu.memory_space<vmem_shared>>) target_semaphore(%run_scoped3A : memref<!tpu.dma_semaphore, #tpu.memory_space<semaphore_mem>>)
      %dma_wait3A_255 = tpu.memref_slice %arg13[%mul3A_249] : memref<2048xi32, #tpu.memory_space<vmem_shared>> -> memref<128xi32, #tpu.memory_space<vmem_shared>>
      %dma_wait3A_256 = tpu.memref_slice %arg13[%mul3A_249] : memref<2048xi32, #tpu.memory_space<vmem_shared>> -> memref<128xi32, #tpu.memory_space<vmem_shared>>
      tpu.wait_dma2 semaphore(%run_scoped3A : memref<!tpu.dma_semaphore, #tpu.memory_space<semaphore_mem>>) src(%arg10 : memref<128xi32, #tpu.memory_space<vmem>>) dst(%dma_wait3A_256 : memref<128xi32, #tpu.memory_space<vmem_shared>>)
      tpu.yield
    }) : () -> ()
    %barrier3A = arith.constant 0 : index
    tpu.barrier barrier_id(%barrier3A)
    %eq3A_250 = arith.constant 0 : i32
    %eq3A_251 = arith.cmpi eq, %select_n3A_28, %eq3A_250 : i32
    %convert_element_type3A = arith.extui %eq3A_251 : i1 to i32
    %cond3A = arith.constant 0 : i32
    %cond3A_252 = arith.cmpi ne, %convert_element_type3A, %cond3A : i32
    scf.if %cond3A_252 {
      %add3A_253 = arith.constant 1 : i32
      %add3A_254 = arith.addi %arg1, %add3A_253 : i32
      %mul3A_255 = arith.constant 128 : i32
      %mul3A_256 = arith.muli %add3A_254, %mul3A_255 : i32
      "tpu.region"() ({
        %run_scoped3A = tpu.sem_alloc : memref<!tpu.dma_semaphore, #tpu.memory_space<semaphore_mem>>
        %dma_start3A_1144 = tpu.memref_slice %arg12[%mul3A_256] : memref<2048xf32, #tpu.memory_space<vmem_shared>> -> memref<128xf32, #tpu.memory_space<vmem_shared>>
        %dma_start3A_1145 = tpu.memref_slice %arg12[%mul3A_256] : memref<2048xf32, #tpu.memory_space<vmem_shared>> -> memref<128xf32, #tpu.memory_space<vmem_shared>>
        tpu.enqueue_dma source(%dma_start3A_1145 : memref<128xf32, #tpu.memory_space<vmem_shared>>) target(%arg9 : memref<128xf32, #tpu.memory_space<vmem>>) target_semaphore(%run_scoped3A : memref<!tpu.dma_semaphore, #tpu.memory_space<semaphore_mem>>)
        %dma_wait3A_1146 = tpu.memref_slice %arg12[%mul3A_256] : memref<2048xf32, #tpu.memory_space<vmem_shared>> -> memref<128xf32, #tpu.memory_space<vmem_shared>>
        %dma_wait3A_1147 = tpu.memref_slice %arg12[%mul3A_256] : memref<2048xf32, #tpu.memory_space<vmem_shared>> -> memref<128xf32, #tpu.memory_space<vmem_shared>>
        tpu.wait_dma2 semaphore(%run_scoped3A : memref<!tpu.dma_semaphore, #tpu.memory_space<semaphore_mem>>) src(%dma_wait3A_1147 : memref<128xf32, #tpu.memory_space<vmem_shared>>) dst(%arg9 : memref<128xf32, #tpu.memory_space<vmem>>)
        tpu.yield
      }) : () -> ()
      %add3A_257 = arith.constant 1 : i32
      %add3A_258 = arith.addi %arg1, %add3A_257 : i32
      %mul3A_259 = arith.constant 128 : i32
      %mul3A_260 = arith.muli %add3A_258, %mul3A_259 : i32
      "tpu.region"() ({
        %run_scoped3A = tpu.sem_alloc : memref<!tpu.dma_semaphore, #tpu.memory_space<semaphore_mem>>
        %dma_start3A_1144 = tpu.memref_slice %arg13[%mul3A_260] : memref<2048xi32, #tpu.memory_space<vmem_shared>> -> memref<128xi32, #tpu.memory_space<vmem_shared>>
        %dma_start3A_1145 = tpu.memref_slice %arg13[%mul3A_260] : memref<2048xi32, #tpu.memory_space<vmem_shared>> -> memref<128xi32, #tpu.memory_space<vmem_shared>>
        tpu.enqueue_dma source(%dma_start3A_1145 : memref<128xi32, #tpu.memory_space<vmem_shared>>) target(%arg10 : memref<128xi32, #tpu.memory_space<vmem>>) target_semaphore(%run_scoped3A : memref<!tpu.dma_semaphore, #tpu.memory_space<semaphore_mem>>)
        %dma_wait3A_1146 = tpu.memref_slice %arg13[%mul3A_260] : memref<2048xi32, #tpu.memory_space<vmem_shared>> -> memref<128xi32, #tpu.memory_space<vmem_shared>>
        %dma_wait3A_1147 = tpu.memref_slice %arg13[%mul3A_260] : memref<2048xi32, #tpu.memory_space<vmem_shared>> -> memref<128xi32, #tpu.memory_space<vmem_shared>>
        tpu.wait_dma2 semaphore(%run_scoped3A : memref<!tpu.dma_semaphore, #tpu.memory_space<semaphore_mem>>) src(%dma_wait3A_1147 : memref<128xi32, #tpu.memory_space<vmem_shared>>) dst(%arg10 : memref<128xi32, #tpu.memory_space<vmem>>)
        tpu.yield
      }) : () -> ()
      %get3A = arith.constant 0 : index
      %get3A_261 = tpu.vector_load %arg9[%get3A] {strides = array<i32>} : memref<128xf32, #tpu.memory_space<vmem>>, vector<16xf32>,
      %get3A_262 = vector.shape_cast %get3A_261 : vector<16xf32> to vector<16xf32>
      %get3A_263 = arith.constant 0 : index
      %get3A_264 = tpu.vector_load %arg10[%get3A_263] {strides = array<i32>} : memref<128xi32, #tpu.memory_space<vmem>>, vector<16xi32>,
      %get3A_265 = vector.shape_cast %get3A_264 : vector<16xi32> to vector<16xi32>
      %gt3A = arith.cmpf ogt, %get3A_262, %scan3A_181#0 : vector<16xf32>
      %eq3A_266 = arith.cmpf oeq, %get3A_262, %scan3A_181#0 : vector<16xf32>
      %lt3A_267 = arith.cmpi slt, %get3A_265, %scan3A_181#8 : vector<16xi32>
      %and3A_268 = arith.andi %eq3A_266, %lt3A_267 : vector<16xi1>
      %or3A = arith.ori %gt3A, %and3A_268 : vector<16xi1>
      %select_n3A_269 = arith.select %or3A, %get3A_262, %scan3A_181#0 : vector<16xi1>, vector<16xf32>
      %select_n3A_270 = arith.select %or3A, %get3A_265, %scan3A_181#8 : vector<16xi1>, vector<16xi32>
      %get3A_271 = arith.constant 16 : index
      %get3A_272 = tpu.vector_load %arg9[%get3A_271] {strides = array<i32>} : memref<128xf32, #tpu.memory_space<vmem>>, vector<16xf32>,
      %get3A_273 = vector.shape_cast %get3A_272 : vector<16xf32> to vector<16xf32>
      %get3A_274 = arith.constant 16 : index
      %get3A_275 = tpu.vector_load %arg10[%get3A_274] {strides = array<i32>} : memref<128xi32, #tpu.memory_space<vmem>>, vector<16xi32>,
      %get3A_276 = vector.shape_cast %get3A_275 : vector<16xi32> to vector<16xi32>
      %gt3A_277 = arith.cmpf ogt, %get3A_273, %scan3A_181#1 : vector<16xf32>
      %eq3A_278 = arith.cmpf oeq, %get3A_273, %scan3A_181#1 : vector<16xf32>
      %lt3A_279 = arith.cmpi slt, %get3A_276, %scan3A_181#9 : vector<16xi32>
      %and3A_280 = arith.andi %eq3A_278, %lt3A_279 : vector<16xi1>
      %or3A_281 = arith.ori %gt3A_277, %and3A_280 : vector<16xi1>
      %select_n3A_282 = arith.select %or3A_281, %get3A_273, %scan3A_181#1 : vector<16xi1>, vector<16xf32>
      %select_n3A_283 = arith.select %or3A_281, %get3A_276, %scan3A_181#9 : vector<16xi1>, vector<16xi32>
      %get3A_284 = arith.constant 32 : index
      %get3A_285 = tpu.vector_load %arg9[%get3A_284] {strides = array<i32>} : memref<128xf32, #tpu.memory_space<vmem>>, vector<16xf32>,
      %get3A_286 = vector.shape_cast %get3A_285 : vector<16xf32> to vector<16xf32>
      %get3A_287 = arith.constant 32 : index
      %get3A_288 = tpu.vector_load %arg10[%get3A_287] {strides = array<i32>} : memref<128xi32, #tpu.memory_space<vmem>>, vector<16xi32>,
      %get3A_289 = vector.shape_cast %get3A_288 : vector<16xi32> to vector<16xi32>
      %gt3A_290 = arith.cmpf ogt, %get3A_286, %scan3A_181#2 : vector<16xf32>
      %eq3A_291 = arith.cmpf oeq, %get3A_286, %scan3A_181#2 : vector<16xf32>
      %lt3A_292 = arith.cmpi slt, %get3A_289, %scan3A_181#10 : vector<16xi32>
      %and3A_293 = arith.andi %eq3A_291, %lt3A_292 : vector<16xi1>
      %or3A_294 = arith.ori %gt3A_290, %and3A_293 : vector<16xi1>
      %select_n3A_295 = arith.select %or3A_294, %get3A_286, %scan3A_181#2 : vector<16xi1>, vector<16xf32>
      %select_n3A_296 = arith.select %or3A_294, %get3A_289, %scan3A_181#10 : vector<16xi1>, vector<16xi32>
      %get3A_297 = arith.constant 48 : index
      %get3A_298 = tpu.vector_load %arg9[%get3A_297] {strides = array<i32>} : memref<128xf32, #tpu.memory_space<vmem>>, vector<16xf32>,
      %get3A_299 = vector.shape_cast %get3A_298 : vector<16xf32> to vector<16xf32>
      %get3A_300 = arith.constant 48 : index
      %get3A_301 = tpu.vector_load %arg10[%get3A_300] {strides = array<i32>} : memref<128xi32, #tpu.memory_space<vmem>>, vector<16xi32>,
      %get3A_302 = vector.shape_cast %get3A_301 : vector<16xi32> to vector<16xi32>
      %gt3A_303 = arith.cmpf ogt, %get3A_299, %scan3A_181#3 : vector<16xf32>
      %eq3A_304 = arith.cmpf oeq, %get3A_299, %scan3A_181#3 : vector<16xf32>
      %lt3A_305 = arith.cmpi slt, %get3A_302, %scan3A_181#11 : vector<16xi32>
      %and3A_306 = arith.andi %eq3A_304, %lt3A_305 : vector<16xi1>
      %or3A_307 = arith.ori %gt3A_303, %and3A_306 : vector<16xi1>
      %select_n3A_308 = arith.select %or3A_307, %get3A_299, %scan3A_181#3 : vector<16xi1>, vector<16xf32>
      %select_n3A_309 = arith.select %or3A_307, %get3A_302, %scan3A_181#11 : vector<16xi1>, vector<16xi32>
      %get3A_310 = arith.constant 64 : index
      %get3A_311 = tpu.vector_load %arg9[%get3A_310] {strides = array<i32>} : memref<128xf32, #tpu.memory_space<vmem>>, vector<16xf32>,
      %get3A_312 = vector.shape_cast %get3A_311 : vector<16xf32> to vector<16xf32>
      %get3A_313 = arith.constant 64 : index
      %get3A_314 = tpu.vector_load %arg10[%get3A_313] {strides = array<i32>} : memref<128xi32, #tpu.memory_space<vmem>>, vector<16xi32>,
      %get3A_315 = vector.shape_cast %get3A_314 : vector<16xi32> to vector<16xi32>
      %gt3A_316 = arith.cmpf ogt, %get3A_312, %scan3A_181#4 : vector<16xf32>
      %eq3A_317 = arith.cmpf oeq, %get3A_312, %scan3A_181#4 : vector<16xf32>
      %lt3A_318 = arith.cmpi slt, %get3A_315, %scan3A_181#12 : vector<16xi32>
      %and3A_319 = arith.andi %eq3A_317, %lt3A_318 : vector<16xi1>
      %or3A_320 = arith.ori %gt3A_316, %and3A_319 : vector<16xi1>
      %select_n3A_321 = arith.select %or3A_320, %get3A_312, %scan3A_181#4 : vector<16xi1>, vector<16xf32>
      %select_n3A_322 = arith.select %or3A_320, %get3A_315, %scan3A_181#12 : vector<16xi1>, vector<16xi32>
      %get3A_323 = arith.constant 80 : index
      %get3A_324 = tpu.vector_load %arg9[%get3A_323] {strides = array<i32>} : memref<128xf32, #tpu.memory_space<vmem>>, vector<16xf32>,
      %get3A_325 = vector.shape_cast %get3A_324 : vector<16xf32> to vector<16xf32>
      %get3A_326 = arith.constant 80 : index
      %get3A_327 = tpu.vector_load %arg10[%get3A_326] {strides = array<i32>} : memref<128xi32, #tpu.memory_space<vmem>>, vector<16xi32>,
      %get3A_328 = vector.shape_cast %get3A_327 : vector<16xi32> to vector<16xi32>
      %gt3A_329 = arith.cmpf ogt, %get3A_325, %scan3A_181#5 : vector<16xf32>
      %eq3A_330 = arith.cmpf oeq, %get3A_325, %scan3A_181#5 : vector<16xf32>
      %lt3A_331 = arith.cmpi slt, %get3A_328, %scan3A_181#13 : vector<16xi32>
      %and3A_332 = arith.andi %eq3A_330, %lt3A_331 : vector<16xi1>
      %or3A_333 = arith.ori %gt3A_329, %and3A_332 : vector<16xi1>
      %select_n3A_334 = arith.select %or3A_333, %get3A_325, %scan3A_181#5 : vector<16xi1>, vector<16xf32>
      %select_n3A_335 = arith.select %or3A_333, %get3A_328, %scan3A_181#13 : vector<16xi1>, vector<16xi32>
      %get3A_336 = arith.constant 96 : index
      %get3A_337 = tpu.vector_load %arg9[%get3A_336] {strides = array<i32>} : memref<128xf32, #tpu.memory_space<vmem>>, vector<16xf32>,
      %get3A_338 = vector.shape_cast %get3A_337 : vector<16xf32> to vector<16xf32>
      %get3A_339 = arith.constant 96 : index
      %get3A_340 = tpu.vector_load %arg10[%get3A_339] {strides = array<i32>} : memref<128xi32, #tpu.memory_space<vmem>>, vector<16xi32>,
      %get3A_341 = vector.shape_cast %get3A_340 : vector<16xi32> to vector<16xi32>
      %gt3A_342 = arith.cmpf ogt, %get3A_338, %scan3A_181#6 : vector<16xf32>
      %eq3A_343 = arith.cmpf oeq, %get3A_338, %scan3A_181#6 : vector<16xf32>
      %lt3A_344 = arith.cmpi slt, %get3A_341, %scan3A_181#14 : vector<16xi32>
      %and3A_345 = arith.andi %eq3A_343, %lt3A_344 : vector<16xi1>
      %or3A_346 = arith.ori %gt3A_342, %and3A_345 : vector<16xi1>
      %select_n3A_347 = arith.select %or3A_346, %get3A_338, %scan3A_181#6 : vector<16xi1>, vector<16xf32>
      %select_n3A_348 = arith.select %or3A_346, %get3A_341, %scan3A_181#14 : vector<16xi1>, vector<16xi32>
      %get3A_349 = arith.constant 112 : index
      %get3A_350 = tpu.vector_load %arg9[%get3A_349] {strides = array<i32>} : memref<128xf32, #tpu.memory_space<vmem>>, vector<16xf32>,
      %get3A_351 = vector.shape_cast %get3A_350 : vector<16xf32> to vector<16xf32>
      %get3A_352 = arith.constant 112 : index
      %get3A_353 = tpu.vector_load %arg10[%get3A_352] {strides = array<i32>} : memref<128xi32, #tpu.memory_space<vmem>>, vector<16xi32>,
      %get3A_354 = vector.shape_cast %get3A_353 : vector<16xi32> to vector<16xi32>
      %gt3A_355 = arith.cmpf ogt, %get3A_351, %scan3A_181#7 : vector<16xf32>
      %eq3A_356 = arith.cmpf oeq, %get3A_351, %scan3A_181#7 : vector<16xf32>
      %lt3A_357 = arith.cmpi slt, %get3A_354, %scan3A_181#15 : vector<16xi32>
      %and3A_358 = arith.andi %eq3A_356, %lt3A_357 : vector<16xi1>
      %or3A_359 = arith.ori %gt3A_355, %and3A_358 : vector<16xi1>
      %select_n3A_360 = arith.select %or3A_359, %get3A_351, %scan3A_181#7 : vector<16xi1>, vector<16xf32>
      %select_n3A_361 = arith.select %or3A_359, %get3A_354, %scan3A_181#15 : vector<16xi1>, vector<16xi32>
      %add3A_362 = arith.constant 2 : i32
      %add3A_363 = arith.addi %arg1, %add3A_362 : i32
      %mul3A_364 = arith.constant 128 : i32
      %mul3A_365 = arith.muli %add3A_363, %mul3A_364 : i32
      "tpu.region"() ({
        %run_scoped3A = tpu.sem_alloc : memref<!tpu.dma_semaphore, #tpu.memory_space<semaphore_mem>>
        %dma_start3A_1144 = tpu.memref_slice %arg12[%mul3A_365] : memref<2048xf32, #tpu.memory_space<vmem_shared>> -> memref<128xf32, #tpu.memory_space<vmem_shared>>
        %dma_start3A_1145 = tpu.memref_slice %arg12[%mul3A_365] : memref<2048xf32, #tpu.memory_space<vmem_shared>> -> memref<128xf32, #tpu.memory_space<vmem_shared>>
        tpu.enqueue_dma source(%dma_start3A_1145 : memref<128xf32, #tpu.memory_space<vmem_shared>>) target(%arg9 : memref<128xf32, #tpu.memory_space<vmem>>) target_semaphore(%run_scoped3A : memref<!tpu.dma_semaphore, #tpu.memory_space<semaphore_mem>>)
        %dma_wait3A_1146 = tpu.memref_slice %arg12[%mul3A_365] : memref<2048xf32, #tpu.memory_space<vmem_shared>> -> memref<128xf32, #tpu.memory_space<vmem_shared>>
        %dma_wait3A_1147 = tpu.memref_slice %arg12[%mul3A_365] : memref<2048xf32, #tpu.memory_space<vmem_shared>> -> memref<128xf32, #tpu.memory_space<vmem_shared>>
        tpu.wait_dma2 semaphore(%run_scoped3A : memref<!tpu.dma_semaphore, #tpu.memory_space<semaphore_mem>>) src(%dma_wait3A_1147 : memref<128xf32, #tpu.memory_space<vmem_shared>>) dst(%arg9 : memref<128xf32, #tpu.memory_space<vmem>>)
        tpu.yield
      }) : () -> ()
      %add3A_366 = arith.constant 2 : i32
      %add3A_367 = arith.addi %arg1, %add3A_366 : i32
      %mul3A_368 = arith.constant 128 : i32
      %mul3A_369 = arith.muli %add3A_367, %mul3A_368 : i32
      "tpu.region"() ({
        %run_scoped3A = tpu.sem_alloc : memref<!tpu.dma_semaphore, #tpu.memory_space<semaphore_mem>>
        %dma_start3A_1144 = tpu.memref_slice %arg13[%mul3A_369] : memref<2048xi32, #tpu.memory_space<vmem_shared>> -> memref<128xi32, #tpu.memory_space<vmem_shared>>
        %dma_start3A_1145 = tpu.memref_slice %arg13[%mul3A_369] : memref<2048xi32, #tpu.memory_space<vmem_shared>> -> memref<128xi32, #tpu.memory_space<vmem_shared>>
        tpu.enqueue_dma source(%dma_start3A_1145 : memref<128xi32, #tpu.memory_space<vmem_shared>>) target(%arg10 : memref<128xi32, #tpu.memory_space<vmem>>) target_semaphore(%run_scoped3A : memref<!tpu.dma_semaphore, #tpu.memory_space<semaphore_mem>>)
        %dma_wait3A_1146 = tpu.memref_slice %arg13[%mul3A_369] : memref<2048xi32, #tpu.memory_space<vmem_shared>> -> memref<128xi32, #tpu.memory_space<vmem_shared>>
        %dma_wait3A_1147 = tpu.memref_slice %arg13[%mul3A_369] : memref<2048xi32, #tpu.memory_space<vmem_shared>> -> memref<128xi32, #tpu.memory_space<vmem_shared>>
        tpu.wait_dma2 semaphore(%run_scoped3A : memref<!tpu.dma_semaphore, #tpu.memory_space<semaphore_mem>>) src(%dma_wait3A_1147 : memref<128xi32, #tpu.memory_space<vmem_shared>>) dst(%arg10 : memref<128xi32, #tpu.memory_space<vmem>>)
        tpu.yield
      }) : () -> ()
      %get3A_370 = arith.constant 0 : index
      %get3A_371 = tpu.vector_load %arg9[%get3A_370] {strides = array<i32>} : memref<128xf32, #tpu.memory_space<vmem>>, vector<16xf32>,
      %get3A_372 = vector.shape_cast %get3A_371 : vector<16xf32> to vector<16xf32>
      %get3A_373 = arith.constant 0 : index
      %get3A_374 = tpu.vector_load %arg10[%get3A_373] {strides = array<i32>} : memref<128xi32, #tpu.memory_space<vmem>>, vector<16xi32>,
      %get3A_375 = vector.shape_cast %get3A_374 : vector<16xi32> to vector<16xi32>
      %gt3A_376 = arith.cmpf ogt, %get3A_372, %select_n3A_269 : vector<16xf32>
      %eq3A_377 = arith.cmpf oeq, %get3A_372, %select_n3A_269 : vector<16xf32>
      %lt3A_378 = arith.cmpi slt, %get3A_375, %select_n3A_270 : vector<16xi32>
      %and3A_379 = arith.andi %eq3A_377, %lt3A_378 : vector<16xi1>
      %or3A_380 = arith.ori %gt3A_376, %and3A_379 : vector<16xi1>
      %select_n3A_381 = arith.select %or3A_380, %get3A_372, %select_n3A_269 : vector<16xi1>, vector<16xf32>
      %select_n3A_382 = arith.select %or3A_380, %get3A_375, %select_n3A_270 : vector<16xi1>, vector<16xi32>
      %get3A_383 = arith.constant 16 : index
      %get3A_384 = tpu.vector_load %arg9[%get3A_383] {strides = array<i32>} : memref<128xf32, #tpu.memory_space<vmem>>, vector<16xf32>,
      %get3A_385 = vector.shape_cast %get3A_384 : vector<16xf32> to vector<16xf32>
      %get3A_386 = arith.constant 16 : index
      %get3A_387 = tpu.vector_load %arg10[%get3A_386] {strides = array<i32>} : memref<128xi32, #tpu.memory_space<vmem>>, vector<16xi32>,
      %get3A_388 = vector.shape_cast %get3A_387 : vector<16xi32> to vector<16xi32>
      %gt3A_389 = arith.cmpf ogt, %get3A_385, %select_n3A_282 : vector<16xf32>
      %eq3A_390 = arith.cmpf oeq, %get3A_385, %select_n3A_282 : vector<16xf32>
      %lt3A_391 = arith.cmpi slt, %get3A_388, %select_n3A_283 : vector<16xi32>
      %and3A_392 = arith.andi %eq3A_390, %lt3A_391 : vector<16xi1>
      %or3A_393 = arith.ori %gt3A_389, %and3A_392 : vector<16xi1>
      %select_n3A_394 = arith.select %or3A_393, %get3A_385, %select_n3A_282 : vector<16xi1>, vector<16xf32>
      %select_n3A_395 = arith.select %or3A_393, %get3A_388, %select_n3A_283 : vector<16xi1>, vector<16xi32>
      %get3A_396 = arith.constant 32 : index
      %get3A_397 = tpu.vector_load %arg9[%get3A_396] {strides = array<i32>} : memref<128xf32, #tpu.memory_space<vmem>>, vector<16xf32>,
      %get3A_398 = vector.shape_cast %get3A_397 : vector<16xf32> to vector<16xf32>
      %get3A_399 = arith.constant 32 : index
      %get3A_400 = tpu.vector_load %arg10[%get3A_399] {strides = array<i32>} : memref<128xi32, #tpu.memory_space<vmem>>, vector<16xi32>,
      %get3A_401 = vector.shape_cast %get3A_400 : vector<16xi32> to vector<16xi32>
      %gt3A_402 = arith.cmpf ogt, %get3A_398, %select_n3A_295 : vector<16xf32>
      %eq3A_403 = arith.cmpf oeq, %get3A_398, %select_n3A_295 : vector<16xf32>
      %lt3A_404 = arith.cmpi slt, %get3A_401, %select_n3A_296 : vector<16xi32>
      %and3A_405 = arith.andi %eq3A_403, %lt3A_404 : vector<16xi1>
      %or3A_406 = arith.ori %gt3A_402, %and3A_405 : vector<16xi1>
      %select_n3A_407 = arith.select %or3A_406, %get3A_398, %select_n3A_295 : vector<16xi1>, vector<16xf32>
      %select_n3A_408 = arith.select %or3A_406, %get3A_401, %select_n3A_296 : vector<16xi1>, vector<16xi32>
      %get3A_409 = arith.constant 48 : index
      %get3A_410 = tpu.vector_load %arg9[%get3A_409] {strides = array<i32>} : memref<128xf32, #tpu.memory_space<vmem>>, vector<16xf32>,
      %get3A_411 = vector.shape_cast %get3A_410 : vector<16xf32> to vector<16xf32>
      %get3A_412 = arith.constant 48 : index
      %get3A_413 = tpu.vector_load %arg10[%get3A_412] {strides = array<i32>} : memref<128xi32, #tpu.memory_space<vmem>>, vector<16xi32>,
      %get3A_414 = vector.shape_cast %get3A_413 : vector<16xi32> to vector<16xi32>
      %gt3A_415 = arith.cmpf ogt, %get3A_411, %select_n3A_308 : vector<16xf32>
      %eq3A_416 = arith.cmpf oeq, %get3A_411, %select_n3A_308 : vector<16xf32>
      %lt3A_417 = arith.cmpi slt, %get3A_414, %select_n3A_309 : vector<16xi32>
      %and3A_418 = arith.andi %eq3A_416, %lt3A_417 : vector<16xi1>
      %or3A_419 = arith.ori %gt3A_415, %and3A_418 : vector<16xi1>
      %select_n3A_420 = arith.select %or3A_419, %get3A_411, %select_n3A_308 : vector<16xi1>, vector<16xf32>
      %select_n3A_421 = arith.select %or3A_419, %get3A_414, %select_n3A_309 : vector<16xi1>, vector<16xi32>
      %get3A_422 = arith.constant 64 : index
      %get3A_423 = tpu.vector_load %arg9[%get3A_422] {strides = array<i32>} : memref<128xf32, #tpu.memory_space<vmem>>, vector<16xf32>,
      %get3A_424 = vector.shape_cast %get3A_423 : vector<16xf32> to vector<16xf32>
      %get3A_425 = arith.constant 64 : index
      %get3A_426 = tpu.vector_load %arg10[%get3A_425] {strides = array<i32>} : memref<128xi32, #tpu.memory_space<vmem>>, vector<16xi32>,
      %get3A_427 = vector.shape_cast %get3A_426 : vector<16xi32> to vector<16xi32>
      %gt3A_428 = arith.cmpf ogt, %get3A_424, %select_n3A_321 : vector<16xf32>
      %eq3A_429 = arith.cmpf oeq, %get3A_424, %select_n3A_321 : vector<16xf32>
      %lt3A_430 = arith.cmpi slt, %get3A_427, %select_n3A_322 : vector<16xi32>
      %and3A_431 = arith.andi %eq3A_429, %lt3A_430 : vector<16xi1>
      %or3A_432 = arith.ori %gt3A_428, %and3A_431 : vector<16xi1>
      %select_n3A_433 = arith.select %or3A_432, %get3A_424, %select_n3A_321 : vector<16xi1>, vector<16xf32>
      %select_n3A_434 = arith.select %or3A_432, %get3A_427, %select_n3A_322 : vector<16xi1>, vector<16xi32>
      %get3A_435 = arith.constant 80 : index
      %get3A_436 = tpu.vector_load %arg9[%get3A_435] {strides = array<i32>} : memref<128xf32, #tpu.memory_space<vmem>>, vector<16xf32>,
      %get3A_437 = vector.shape_cast %get3A_436 : vector<16xf32> to vector<16xf32>
      %get3A_438 = arith.constant 80 : index
      %get3A_439 = tpu.vector_load %arg10[%get3A_438] {strides = array<i32>} : memref<128xi32, #tpu.memory_space<vmem>>, vector<16xi32>,
      %get3A_440 = vector.shape_cast %get3A_439 : vector<16xi32> to vector<16xi32>
      %gt3A_441 = arith.cmpf ogt, %get3A_437, %select_n3A_334 : vector<16xf32>
      %eq3A_442 = arith.cmpf oeq, %get3A_437, %select_n3A_334 : vector<16xf32>
      %lt3A_443 = arith.cmpi slt, %get3A_440, %select_n3A_335 : vector<16xi32>
      %and3A_444 = arith.andi %eq3A_442, %lt3A_443 : vector<16xi1>
      %or3A_445 = arith.ori %gt3A_441, %and3A_444 : vector<16xi1>
      %select_n3A_446 = arith.select %or3A_445, %get3A_437, %select_n3A_334 : vector<16xi1>, vector<16xf32>
      %select_n3A_447 = arith.select %or3A_445, %get3A_440, %select_n3A_335 : vector<16xi1>, vector<16xi32>
      %get3A_448 = arith.constant 96 : index
      %get3A_449 = tpu.vector_load %arg9[%get3A_448] {strides = array<i32>} : memref<128xf32, #tpu.memory_space<vmem>>, vector<16xf32>,
      %get3A_450 = vector.shape_cast %get3A_449 : vector<16xf32> to vector<16xf32>
      %get3A_451 = arith.constant 96 : index
      %get3A_452 = tpu.vector_load %arg10[%get3A_451] {strides = array<i32>} : memref<128xi32, #tpu.memory_space<vmem>>, vector<16xi32>,
      %get3A_453 = vector.shape_cast %get3A_452 : vector<16xi32> to vector<16xi32>
      %gt3A_454 = arith.cmpf ogt, %get3A_450, %select_n3A_347 : vector<16xf32>
      %eq3A_455 = arith.cmpf oeq, %get3A_450, %select_n3A_347 : vector<16xf32>
      %lt3A_456 = arith.cmpi slt, %get3A_453, %select_n3A_348 : vector<16xi32>
      %and3A_457 = arith.andi %eq3A_455, %lt3A_456 : vector<16xi1>
      %or3A_458 = arith.ori %gt3A_454, %and3A_457 : vector<16xi1>
      %select_n3A_459 = arith.select %or3A_458, %get3A_450, %select_n3A_347 : vector<16xi1>, vector<16xf32>
      %select_n3A_460 = arith.select %or3A_458, %get3A_453, %select_n3A_348 : vector<16xi1>, vector<16xi32>
      %get3A_461 = arith.constant 112 : index
      %get3A_462 = tpu.vector_load %arg9[%get3A_461] {strides = array<i32>} : memref<128xf32, #tpu.memory_space<vmem>>, vector<16xf32>,
      %get3A_463 = vector.shape_cast %get3A_462 : vector<16xf32> to vector<16xf32>
      %get3A_464 = arith.constant 112 : index
      %get3A_465 = tpu.vector_load %arg10[%get3A_464] {strides = array<i32>} : memref<128xi32, #tpu.memory_space<vmem>>, vector<16xi32>,
      %get3A_466 = vector.shape_cast %get3A_465 : vector<16xi32> to vector<16xi32>
      %gt3A_467 = arith.cmpf ogt, %get3A_463, %select_n3A_360 : vector<16xf32>
      %eq3A_468 = arith.cmpf oeq, %get3A_463, %select_n3A_360 : vector<16xf32>
      %lt3A_469 = arith.cmpi slt, %get3A_466, %select_n3A_361 : vector<16xi32>
      %and3A_470 = arith.andi %eq3A_468, %lt3A_469 : vector<16xi1>
      %or3A_471 = arith.ori %gt3A_467, %and3A_470 : vector<16xi1>
      %select_n3A_472 = arith.select %or3A_471, %get3A_463, %select_n3A_360 : vector<16xi1>, vector<16xf32>
      %select_n3A_473 = arith.select %or3A_471, %get3A_466, %select_n3A_361 : vector<16xi1>, vector<16xi32>
      %add3A_474 = arith.constant 3 : i32
      %add3A_475 = arith.addi %arg1, %add3A_474 : i32
      %mul3A_476 = arith.constant 128 : i32
      %mul3A_477 = arith.muli %add3A_475, %mul3A_476 : i32
      "tpu.region"() ({
        %run_scoped3A = tpu.sem_alloc : memref<!tpu.dma_semaphore, #tpu.memory_space<semaphore_mem>>
        %dma_start3A_1144 = tpu.memref_slice %arg12[%mul3A_477] : memref<2048xf32, #tpu.memory_space<vmem_shared>> -> memref<128xf32, #tpu.memory_space<vmem_shared>>
        %dma_start3A_1145 = tpu.memref_slice %arg12[%mul3A_477] : memref<2048xf32, #tpu.memory_space<vmem_shared>> -> memref<128xf32, #tpu.memory_space<vmem_shared>>
        tpu.enqueue_dma source(%dma_start3A_1145 : memref<128xf32, #tpu.memory_space<vmem_shared>>) target(%arg9 : memref<128xf32, #tpu.memory_space<vmem>>) target_semaphore(%run_scoped3A : memref<!tpu.dma_semaphore, #tpu.memory_space<semaphore_mem>>)
        %dma_wait3A_1146 = tpu.memref_slice %arg12[%mul3A_477] : memref<2048xf32, #tpu.memory_space<vmem_shared>> -> memref<128xf32, #tpu.memory_space<vmem_shared>>
        %dma_wait3A_1147 = tpu.memref_slice %arg12[%mul3A_477] : memref<2048xf32, #tpu.memory_space<vmem_shared>> -> memref<128xf32, #tpu.memory_space<vmem_shared>>
        tpu.wait_dma2 semaphore(%run_scoped3A : memref<!tpu.dma_semaphore, #tpu.memory_space<semaphore_mem>>) src(%dma_wait3A_1147 : memref<128xf32, #tpu.memory_space<vmem_shared>>) dst(%arg9 : memref<128xf32, #tpu.memory_space<vmem>>)
        tpu.yield
      }) : () -> ()
      %add3A_478 = arith.constant 3 : i32
      %add3A_479 = arith.addi %arg1, %add3A_478 : i32
      %mul3A_480 = arith.constant 128 : i32
      %mul3A_481 = arith.muli %add3A_479, %mul3A_480 : i32
      "tpu.region"() ({
        %run_scoped3A = tpu.sem_alloc : memref<!tpu.dma_semaphore, #tpu.memory_space<semaphore_mem>>
        %dma_start3A_1144 = tpu.memref_slice %arg13[%mul3A_481] : memref<2048xi32, #tpu.memory_space<vmem_shared>> -> memref<128xi32, #tpu.memory_space<vmem_shared>>
        %dma_start3A_1145 = tpu.memref_slice %arg13[%mul3A_481] : memref<2048xi32, #tpu.memory_space<vmem_shared>> -> memref<128xi32, #tpu.memory_space<vmem_shared>>
        tpu.enqueue_dma source(%dma_start3A_1145 : memref<128xi32, #tpu.memory_space<vmem_shared>>) target(%arg10 : memref<128xi32, #tpu.memory_space<vmem>>) target_semaphore(%run_scoped3A : memref<!tpu.dma_semaphore, #tpu.memory_space<semaphore_mem>>)
        %dma_wait3A_1146 = tpu.memref_slice %arg13[%mul3A_481] : memref<2048xi32, #tpu.memory_space<vmem_shared>> -> memref<128xi32, #tpu.memory_space<vmem_shared>>
        %dma_wait3A_1147 = tpu.memref_slice %arg13[%mul3A_481] : memref<2048xi32, #tpu.memory_space<vmem_shared>> -> memref<128xi32, #tpu.memory_space<vmem_shared>>
        tpu.wait_dma2 semaphore(%run_scoped3A : memref<!tpu.dma_semaphore, #tpu.memory_space<semaphore_mem>>) src(%dma_wait3A_1147 : memref<128xi32, #tpu.memory_space<vmem_shared>>) dst(%arg10 : memref<128xi32, #tpu.memory_space<vmem>>)
        tpu.yield
      }) : () -> ()
      %get3A_482 = arith.constant 0 : index
      %get3A_483 = tpu.vector_load %arg9[%get3A_482] {strides = array<i32>} : memref<128xf32, #tpu.memory_space<vmem>>, vector<16xf32>,
      %get3A_484 = vector.shape_cast %get3A_483 : vector<16xf32> to vector<16xf32>
      %get3A_485 = arith.constant 0 : index
      %get3A_486 = tpu.vector_load %arg10[%get3A_485] {strides = array<i32>} : memref<128xi32, #tpu.memory_space<vmem>>, vector<16xi32>,
      %get3A_487 = vector.shape_cast %get3A_486 : vector<16xi32> to vector<16xi32>
      %gt3A_488 = arith.cmpf ogt, %get3A_484, %select_n3A_381 : vector<16xf32>
      %eq3A_489 = arith.cmpf oeq, %get3A_484, %select_n3A_381 : vector<16xf32>
      %lt3A_490 = arith.cmpi slt, %get3A_487, %select_n3A_382 : vector<16xi32>
      %and3A_491 = arith.andi %eq3A_489, %lt3A_490 : vector<16xi1>
      %or3A_492 = arith.ori %gt3A_488, %and3A_491 : vector<16xi1>
      %select_n3A_493 = arith.select %or3A_492, %get3A_484, %select_n3A_381 : vector<16xi1>, vector<16xf32>
      %select_n3A_494 = arith.select %or3A_492, %get3A_487, %select_n3A_382 : vector<16xi1>, vector<16xi32>
      %get3A_495 = arith.constant 16 : index
      %get3A_496 = tpu.vector_load %arg9[%get3A_495] {strides = array<i32>} : memref<128xf32, #tpu.memory_space<vmem>>, vector<16xf32>,
      %get3A_497 = vector.shape_cast %get3A_496 : vector<16xf32> to vector<16xf32>
      %get3A_498 = arith.constant 16 : index
      %get3A_499 = tpu.vector_load %arg10[%get3A_498] {strides = array<i32>} : memref<128xi32, #tpu.memory_space<vmem>>, vector<16xi32>,
      %get3A_500 = vector.shape_cast %get3A_499 : vector<16xi32> to vector<16xi32>
      %gt3A_501 = arith.cmpf ogt, %get3A_497, %select_n3A_394 : vector<16xf32>
      %eq3A_502 = arith.cmpf oeq, %get3A_497, %select_n3A_394 : vector<16xf32>
      %lt3A_503 = arith.cmpi slt, %get3A_500, %select_n3A_395 : vector<16xi32>
      %and3A_504 = arith.andi %eq3A_502, %lt3A_503 : vector<16xi1>
      %or3A_505 = arith.ori %gt3A_501, %and3A_504 : vector<16xi1>
      %select_n3A_506 = arith.select %or3A_505, %get3A_497, %select_n3A_394 : vector<16xi1>, vector<16xf32>
      %select_n3A_507 = arith.select %or3A_505, %get3A_500, %select_n3A_395 : vector<16xi1>, vector<16xi32>
      %get3A_508 = arith.constant 32 : index
      %get3A_509 = tpu.vector_load %arg9[%get3A_508] {strides = array<i32>} : memref<128xf32, #tpu.memory_space<vmem>>, vector<16xf32>,
      %get3A_510 = vector.shape_cast %get3A_509 : vector<16xf32> to vector<16xf32>
      %get3A_511 = arith.constant 32 : index
      %get3A_512 = tpu.vector_load %arg10[%get3A_511] {strides = array<i32>} : memref<128xi32, #tpu.memory_space<vmem>>, vector<16xi32>,
      %get3A_513 = vector.shape_cast %get3A_512 : vector<16xi32> to vector<16xi32>
      %gt3A_514 = arith.cmpf ogt, %get3A_510, %select_n3A_407 : vector<16xf32>
      %eq3A_515 = arith.cmpf oeq, %get3A_510, %select_n3A_407 : vector<16xf32>
      %lt3A_516 = arith.cmpi slt, %get3A_513, %select_n3A_408 : vector<16xi32>
      %and3A_517 = arith.andi %eq3A_515, %lt3A_516 : vector<16xi1>
      %or3A_518 = arith.ori %gt3A_514, %and3A_517 : vector<16xi1>
      %select_n3A_519 = arith.select %or3A_518, %get3A_510, %select_n3A_407 : vector<16xi1>, vector<16xf32>
      %select_n3A_520 = arith.select %or3A_518, %get3A_513, %select_n3A_408 : vector<16xi1>, vector<16xi32>
      %get3A_521 = arith.constant 48 : index
      %get3A_522 = tpu.vector_load %arg9[%get3A_521] {strides = array<i32>} : memref<128xf32, #tpu.memory_space<vmem>>, vector<16xf32>,
      %get3A_523 = vector.shape_cast %get3A_522 : vector<16xf32> to vector<16xf32>
      %get3A_524 = arith.constant 48 : index
      %get3A_525 = tpu.vector_load %arg10[%get3A_524] {strides = array<i32>} : memref<128xi32, #tpu.memory_space<vmem>>, vector<16xi32>,
      %get3A_526 = vector.shape_cast %get3A_525 : vector<16xi32> to vector<16xi32>
      %gt3A_527 = arith.cmpf ogt, %get3A_523, %select_n3A_420 : vector<16xf32>
      %eq3A_528 = arith.cmpf oeq, %get3A_523, %select_n3A_420 : vector<16xf32>
      %lt3A_529 = arith.cmpi slt, %get3A_526, %select_n3A_421 : vector<16xi32>
      %and3A_530 = arith.andi %eq3A_528, %lt3A_529 : vector<16xi1>
      %or3A_531 = arith.ori %gt3A_527, %and3A_530 : vector<16xi1>
      %select_n3A_532 = arith.select %or3A_531, %get3A_523, %select_n3A_420 : vector<16xi1>, vector<16xf32>
      %select_n3A_533 = arith.select %or3A_531, %get3A_526, %select_n3A_421 : vector<16xi1>, vector<16xi32>
      %get3A_534 = arith.constant 64 : index
      %get3A_535 = tpu.vector_load %arg9[%get3A_534] {strides = array<i32>} : memref<128xf32, #tpu.memory_space<vmem>>, vector<16xf32>,
      %get3A_536 = vector.shape_cast %get3A_535 : vector<16xf32> to vector<16xf32>
      %get3A_537 = arith.constant 64 : index
      %get3A_538 = tpu.vector_load %arg10[%get3A_537] {strides = array<i32>} : memref<128xi32, #tpu.memory_space<vmem>>, vector<16xi32>,
      %get3A_539 = vector.shape_cast %get3A_538 : vector<16xi32> to vector<16xi32>
      %gt3A_540 = arith.cmpf ogt, %get3A_536, %select_n3A_433 : vector<16xf32>
      %eq3A_541 = arith.cmpf oeq, %get3A_536, %select_n3A_433 : vector<16xf32>
      %lt3A_542 = arith.cmpi slt, %get3A_539, %select_n3A_434 : vector<16xi32>
      %and3A_543 = arith.andi %eq3A_541, %lt3A_542 : vector<16xi1>
      %or3A_544 = arith.ori %gt3A_540, %and3A_543 : vector<16xi1>
      %select_n3A_545 = arith.select %or3A_544, %get3A_536, %select_n3A_433 : vector<16xi1>, vector<16xf32>
      %select_n3A_546 = arith.select %or3A_544, %get3A_539, %select_n3A_434 : vector<16xi1>, vector<16xi32>
      %get3A_547 = arith.constant 80 : index
      %get3A_548 = tpu.vector_load %arg9[%get3A_547] {strides = array<i32>} : memref<128xf32, #tpu.memory_space<vmem>>, vector<16xf32>,
      %get3A_549 = vector.shape_cast %get3A_548 : vector<16xf32> to vector<16xf32>
      %get3A_550 = arith.constant 80 : index
      %get3A_551 = tpu.vector_load %arg10[%get3A_550] {strides = array<i32>} : memref<128xi32, #tpu.memory_space<vmem>>, vector<16xi32>,
      %get3A_552 = vector.shape_cast %get3A_551 : vector<16xi32> to vector<16xi32>
      %gt3A_553 = arith.cmpf ogt, %get3A_549, %select_n3A_446 : vector<16xf32>
      %eq3A_554 = arith.cmpf oeq, %get3A_549, %select_n3A_446 : vector<16xf32>
      %lt3A_555 = arith.cmpi slt, %get3A_552, %select_n3A_447 : vector<16xi32>
      %and3A_556 = arith.andi %eq3A_554, %lt3A_555 : vector<16xi1>
      %or3A_557 = arith.ori %gt3A_553, %and3A_556 : vector<16xi1>
      %select_n3A_558 = arith.select %or3A_557, %get3A_549, %select_n3A_446 : vector<16xi1>, vector<16xf32>
      %select_n3A_559 = arith.select %or3A_557, %get3A_552, %select_n3A_447 : vector<16xi1>, vector<16xi32>
      %get3A_560 = arith.constant 96 : index
      %get3A_561 = tpu.vector_load %arg9[%get3A_560] {strides = array<i32>} : memref<128xf32, #tpu.memory_space<vmem>>, vector<16xf32>,
      %get3A_562 = vector.shape_cast %get3A_561 : vector<16xf32> to vector<16xf32>
      %get3A_563 = arith.constant 96 : index
      %get3A_564 = tpu.vector_load %arg10[%get3A_563] {strides = array<i32>} : memref<128xi32, #tpu.memory_space<vmem>>, vector<16xi32>,
      %get3A_565 = vector.shape_cast %get3A_564 : vector<16xi32> to vector<16xi32>
      %gt3A_566 = arith.cmpf ogt, %get3A_562, %select_n3A_459 : vector<16xf32>
      %eq3A_567 = arith.cmpf oeq, %get3A_562, %select_n3A_459 : vector<16xf32>
      %lt3A_568 = arith.cmpi slt, %get3A_565, %select_n3A_460 : vector<16xi32>
      %and3A_569 = arith.andi %eq3A_567, %lt3A_568 : vector<16xi1>
      %or3A_570 = arith.ori %gt3A_566, %and3A_569 : vector<16xi1>
      %select_n3A_571 = arith.select %or3A_570, %get3A_562, %select_n3A_459 : vector<16xi1>, vector<16xf32>
      %select_n3A_572 = arith.select %or3A_570, %get3A_565, %select_n3A_460 : vector<16xi1>, vector<16xi32>
      %get3A_573 = arith.constant 112 : index
      %get3A_574 = tpu.vector_load %arg9[%get3A_573] {strides = array<i32>} : memref<128xf32, #tpu.memory_space<vmem>>, vector<16xf32>,
      %get3A_575 = vector.shape_cast %get3A_574 : vector<16xf32> to vector<16xf32>
      %get3A_576 = arith.constant 112 : index
      %get3A_577 = tpu.vector_load %arg10[%get3A_576] {strides = array<i32>} : memref<128xi32, #tpu.memory_space<vmem>>, vector<16xi32>,
      %get3A_578 = vector.shape_cast %get3A_577 : vector<16xi32> to vector<16xi32>
      %gt3A_579 = arith.cmpf ogt, %get3A_575, %select_n3A_472 : vector<16xf32>
      %eq3A_580 = arith.cmpf oeq, %get3A_575, %select_n3A_472 : vector<16xf32>
      %lt3A_581 = arith.cmpi slt, %get3A_578, %select_n3A_473 : vector<16xi32>
      %and3A_582 = arith.andi %eq3A_580, %lt3A_581 : vector<16xi1>
      %or3A_583 = arith.ori %gt3A_579, %and3A_582 : vector<16xi1>
      %select_n3A_584 = arith.select %or3A_583, %get3A_575, %select_n3A_472 : vector<16xi1>, vector<16xf32>
      %select_n3A_585 = arith.select %or3A_583, %get3A_578, %select_n3A_473 : vector<16xi1>, vector<16xi32>
      %broadcast_in_dim3A_586 = arith.constant 0 : i32
      %broadcast_in_dim3A_587 = vector.broadcast %broadcast_in_dim3A_586 : i32 to vector<16xi32>
      %xor3A = arith.constant 8 : i32
      %xor3A_588 = vector.broadcast %xor3A : i32 to vector<16xi32>
      %xor3A_589 = arith.xori %iota3A, %xor3A_588 : vector<16xi32>
      %broadcast_in_dim3A_590 = vector.shape_cast %xor3A_589 : vector<16xi32> to vector<16x1xi32>
      %gather3A = vector.shape_cast %broadcast_in_dim3A_590 : vector<16x1xi32> to vector<16xi32>
      %gather3A_591 = tpu.dynamic_gather %select_n3A_493[%gather3A] in [0] : vector<16xf32>, vector<16xi32> -> vector<16xf32>
      %broadcast_in_dim3A_592 = vector.shape_cast %xor3A_589 : vector<16xi32> to vector<16x1xi32>
      %gather3A_593 = vector.shape_cast %broadcast_in_dim3A_592 : vector<16x1xi32> to vector<16xi32>
      %gather3A_594 = tpu.dynamic_gather %select_n3A_494[%gather3A_593] in [0] : vector<16xi32>, vector<16xi32> -> vector<16xi32>
      %gt3A_595 = arith.cmpf ogt, %gather3A_591, %select_n3A_493 : vector<16xf32>
      %eq3A_596 = arith.cmpf oeq, %gather3A_591, %select_n3A_493 : vector<16xf32>
      %lt3A_597 = arith.cmpi slt, %gather3A_594, %select_n3A_494 : vector<16xi32>
      %and3A_598 = arith.andi %eq3A_596, %lt3A_597 : vector<16xi1>
      %or3A_599 = arith.ori %gt3A_595, %and3A_598 : vector<16xi1>
      %select_n3A_600 = arith.select %or3A_599, %gather3A_591, %select_n3A_493 : vector<16xi1>, vector<16xf32>
      %select_n3A_601 = arith.select %or3A_599, %gather3A_594, %select_n3A_494 : vector<16xi1>, vector<16xi32>
      %xor3A_602 = arith.constant 4 : i32
      %xor3A_603 = vector.broadcast %xor3A_602 : i32 to vector<16xi32>
      %xor3A_604 = arith.xori %iota3A, %xor3A_603 : vector<16xi32>
      %broadcast_in_dim3A_605 = vector.shape_cast %xor3A_604 : vector<16xi32> to vector<16x1xi32>
      %gather3A_606 = vector.shape_cast %broadcast_in_dim3A_605 : vector<16x1xi32> to vector<16xi32>
      %gather3A_607 = tpu.dynamic_gather %select_n3A_600[%gather3A_606] in [0] : vector<16xf32>, vector<16xi32> -> vector<16xf32>
      %broadcast_in_dim3A_608 = vector.shape_cast %xor3A_604 : vector<16xi32> to vector<16x1xi32>
      %gather3A_609 = vector.shape_cast %broadcast_in_dim3A_608 : vector<16x1xi32> to vector<16xi32>
      %gather3A_610 = tpu.dynamic_gather %select_n3A_601[%gather3A_609] in [0] : vector<16xi32>, vector<16xi32> -> vector<16xi32>
      %gt3A_611 = arith.cmpf ogt, %gather3A_607, %select_n3A_600 : vector<16xf32>
      %eq3A_612 = arith.cmpf oeq, %gather3A_607, %select_n3A_600 : vector<16xf32>
      %lt3A_613 = arith.cmpi slt, %gather3A_610, %select_n3A_601 : vector<16xi32>
      %and3A_614 = arith.andi %eq3A_612, %lt3A_613 : vector<16xi1>
      %or3A_615 = arith.ori %gt3A_611, %and3A_614 : vector<16xi1>
      %select_n3A_616 = arith.select %or3A_615, %gather3A_607, %select_n3A_600 : vector<16xi1>, vector<16xf32>
      %select_n3A_617 = arith.select %or3A_615, %gather3A_610, %select_n3A_601 : vector<16xi1>, vector<16xi32>
      %xor3A_618 = arith.constant 2 : i32
      %xor3A_619 = vector.broadcast %xor3A_618 : i32 to vector<16xi32>
      %xor3A_620 = arith.xori %iota3A, %xor3A_619 : vector<16xi32>
      %broadcast_in_dim3A_621 = vector.shape_cast %xor3A_620 : vector<16xi32> to vector<16x1xi32>
      %gather3A_622 = vector.shape_cast %broadcast_in_dim3A_621 : vector<16x1xi32> to vector<16xi32>
      %gather3A_623 = tpu.dynamic_gather %select_n3A_616[%gather3A_622] in [0] : vector<16xf32>, vector<16xi32> -> vector<16xf32>
      %broadcast_in_dim3A_624 = vector.shape_cast %xor3A_620 : vector<16xi32> to vector<16x1xi32>
      %gather3A_625 = vector.shape_cast %broadcast_in_dim3A_624 : vector<16x1xi32> to vector<16xi32>
      %gather3A_626 = tpu.dynamic_gather %select_n3A_617[%gather3A_625] in [0] : vector<16xi32>, vector<16xi32> -> vector<16xi32>
      %gt3A_627 = arith.cmpf ogt, %gather3A_623, %select_n3A_616 : vector<16xf32>
      %eq3A_628 = arith.cmpf oeq, %gather3A_623, %select_n3A_616 : vector<16xf32>
      %lt3A_629 = arith.cmpi slt, %gather3A_626, %select_n3A_617 : vector<16xi32>
      %and3A_630 = arith.andi %eq3A_628, %lt3A_629 : vector<16xi1>
      %or3A_631 = arith.ori %gt3A_627, %and3A_630 : vector<16xi1>
      %select_n3A_632 = arith.select %or3A_631, %gather3A_623, %select_n3A_616 : vector<16xi1>, vector<16xf32>
      %select_n3A_633 = arith.select %or3A_631, %gather3A_626, %select_n3A_617 : vector<16xi1>, vector<16xi32>
      %xor3A_634 = arith.constant 1 : i32
      %xor3A_635 = vector.broadcast %xor3A_634 : i32 to vector<16xi32>
      %xor3A_636 = arith.xori %iota3A, %xor3A_635 : vector<16xi32>
      %broadcast_in_dim3A_637 = vector.shape_cast %xor3A_636 : vector<16xi32> to vector<16x1xi32>
      %gather3A_638 = vector.shape_cast %broadcast_in_dim3A_637 : vector<16x1xi32> to vector<16xi32>
      %gather3A_639 = tpu.dynamic_gather %select_n3A_632[%gather3A_638] in [0] : vector<16xf32>, vector<16xi32> -> vector<16xf32>
      %broadcast_in_dim3A_640 = vector.shape_cast %xor3A_636 : vector<16xi32> to vector<16x1xi32>
      %gather3A_641 = vector.shape_cast %broadcast_in_dim3A_640 : vector<16x1xi32> to vector<16xi32>
      %gather3A_642 = tpu.dynamic_gather %select_n3A_633[%gather3A_641] in [0] : vector<16xi32>, vector<16xi32> -> vector<16xi32>
      %gt3A_643 = arith.cmpf ogt, %gather3A_639, %select_n3A_632 : vector<16xf32>
      %eq3A_644 = arith.cmpf oeq, %gather3A_639, %select_n3A_632 : vector<16xf32>
      %lt3A_645 = arith.cmpi slt, %gather3A_642, %select_n3A_633 : vector<16xi32>
      %and3A_646 = arith.andi %eq3A_644, %lt3A_645 : vector<16xi1>
      %or3A_647 = arith.ori %gt3A_643, %and3A_646 : vector<16xi1>
      %select_n3A_648 = arith.select %or3A_647, %gather3A_639, %select_n3A_632 : vector<16xi1>, vector<16xf32>
      %select_n3A_649 = arith.select %or3A_647, %gather3A_642, %select_n3A_633 : vector<16xi1>, vector<16xi32>
      %eq3A_650 = arith.constant 0 : i32
      %eq3A_651 = vector.broadcast %eq3A_650 : i32 to vector<16xi32>
      %eq3A_652 = arith.cmpi eq, %iota3A, %eq3A_651 : vector<16xi32>
      %select_n3A_653 = arith.select %eq3A_652, %select_n3A_649, %broadcast_in_dim3A_587 : vector<16xi1>, vector<16xi32>
      %xor3A_654 = arith.constant 8 : i32
      %xor3A_655 = vector.broadcast %xor3A_654 : i32 to vector<16xi32>
      %xor3A_656 = arith.xori %iota3A, %xor3A_655 : vector<16xi32>
      %broadcast_in_dim3A_657 = vector.shape_cast %xor3A_656 : vector<16xi32> to vector<16x1xi32>
      %gather3A_658 = vector.shape_cast %broadcast_in_dim3A_657 : vector<16x1xi32> to vector<16xi32>
      %gather3A_659 = tpu.dynamic_gather %select_n3A_506[%gather3A_658] in [0] : vector<16xf32>, vector<16xi32> -> vector<16xf32>
      %broadcast_in_dim3A_660 = vector.shape_cast %xor3A_656 : vector<16xi32> to vector<16x1xi32>
      %gather3A_661 = vector.shape_cast %broadcast_in_dim3A_660 : vector<16x1xi32> to vector<16xi32>
      %gather3A_662 = tpu.dynamic_gather %select_n3A_507[%gather3A_661] in [0] : vector<16xi32>, vector<16xi32> -> vector<16xi32>
      %gt3A_663 = arith.cmpf ogt, %gather3A_659, %select_n3A_506 : vector<16xf32>
      %eq3A_664 = arith.cmpf oeq, %gather3A_659, %select_n3A_506 : vector<16xf32>
      %lt3A_665 = arith.cmpi slt, %gather3A_662, %select_n3A_507 : vector<16xi32>
      %and3A_666 = arith.andi %eq3A_664, %lt3A_665 : vector<16xi1>
      %or3A_667 = arith.ori %gt3A_663, %and3A_666 : vector<16xi1>
      %select_n3A_668 = arith.select %or3A_667, %gather3A_659, %select_n3A_506 : vector<16xi1>, vector<16xf32>
      %select_n3A_669 = arith.select %or3A_667, %gather3A_662, %select_n3A_507 : vector<16xi1>, vector<16xi32>
      %xor3A_670 = arith.constant 4 : i32
      %xor3A_671 = vector.broadcast %xor3A_670 : i32 to vector<16xi32>
      %xor3A_672 = arith.xori %iota3A, %xor3A_671 : vector<16xi32>
      %broadcast_in_dim3A_673 = vector.shape_cast %xor3A_672 : vector<16xi32> to vector<16x1xi32>
      %gather3A_674 = vector.shape_cast %broadcast_in_dim3A_673 : vector<16x1xi32> to vector<16xi32>
      %gather3A_675 = tpu.dynamic_gather %select_n3A_668[%gather3A_674] in [0] : vector<16xf32>, vector<16xi32> -> vector<16xf32>
      %broadcast_in_dim3A_676 = vector.shape_cast %xor3A_672 : vector<16xi32> to vector<16x1xi32>
      %gather3A_677 = vector.shape_cast %broadcast_in_dim3A_676 : vector<16x1xi32> to vector<16xi32>
      %gather3A_678 = tpu.dynamic_gather %select_n3A_669[%gather3A_677] in [0] : vector<16xi32>, vector<16xi32> -> vector<16xi32>
      %gt3A_679 = arith.cmpf ogt, %gather3A_675, %select_n3A_668 : vector<16xf32>
      %eq3A_680 = arith.cmpf oeq, %gather3A_675, %select_n3A_668 : vector<16xf32>
      %lt3A_681 = arith.cmpi slt, %gather3A_678, %select_n3A_669 : vector<16xi32>
      %and3A_682 = arith.andi %eq3A_680, %lt3A_681 : vector<16xi1>
      %or3A_683 = arith.ori %gt3A_679, %and3A_682 : vector<16xi1>
      %select_n3A_684 = arith.select %or3A_683, %gather3A_675, %select_n3A_668 : vector<16xi1>, vector<16xf32>
      %select_n3A_685 = arith.select %or3A_683, %gather3A_678, %select_n3A_669 : vector<16xi1>, vector<16xi32>
      %xor3A_686 = arith.constant 2 : i32
      %xor3A_687 = vector.broadcast %xor3A_686 : i32 to vector<16xi32>
      %xor3A_688 = arith.xori %iota3A, %xor3A_687 : vector<16xi32>
      %broadcast_in_dim3A_689 = vector.shape_cast %xor3A_688 : vector<16xi32> to vector<16x1xi32>
      %gather3A_690 = vector.shape_cast %broadcast_in_dim3A_689 : vector<16x1xi32> to vector<16xi32>
      %gather3A_691 = tpu.dynamic_gather %select_n3A_684[%gather3A_690] in [0] : vector<16xf32>, vector<16xi32> -> vector<16xf32>
      %broadcast_in_dim3A_692 = vector.shape_cast %xor3A_688 : vector<16xi32> to vector<16x1xi32>
      %gather3A_693 = vector.shape_cast %broadcast_in_dim3A_692 : vector<16x1xi32> to vector<16xi32>
      %gather3A_694 = tpu.dynamic_gather %select_n3A_685[%gather3A_693] in [0] : vector<16xi32>, vector<16xi32> -> vector<16xi32>
      %gt3A_695 = arith.cmpf ogt, %gather3A_691, %select_n3A_684 : vector<16xf32>
      %eq3A_696 = arith.cmpf oeq, %gather3A_691, %select_n3A_684 : vector<16xf32>
      %lt3A_697 = arith.cmpi slt, %gather3A_694, %select_n3A_685 : vector<16xi32>
      %and3A_698 = arith.andi %eq3A_696, %lt3A_697 : vector<16xi1>
      %or3A_699 = arith.ori %gt3A_695, %and3A_698 : vector<16xi1>
      %select_n3A_700 = arith.select %or3A_699, %gather3A_691, %select_n3A_684 : vector<16xi1>, vector<16xf32>
      %select_n3A_701 = arith.select %or3A_699, %gather3A_694, %select_n3A_685 : vector<16xi1>, vector<16xi32>
      %xor3A_702 = arith.constant 1 : i32
      %xor3A_703 = vector.broadcast %xor3A_702 : i32 to vector<16xi32>
      %xor3A_704 = arith.xori %iota3A, %xor3A_703 : vector<16xi32>
      %broadcast_in_dim3A_705 = vector.shape_cast %xor3A_704 : vector<16xi32> to vector<16x1xi32>
      %gather3A_706 = vector.shape_cast %broadcast_in_dim3A_705 : vector<16x1xi32> to vector<16xi32>
      %gather3A_707 = tpu.dynamic_gather %select_n3A_700[%gather3A_706] in [0] : vector<16xf32>, vector<16xi32> -> vector<16xf32>
      %broadcast_in_dim3A_708 = vector.shape_cast %xor3A_704 : vector<16xi32> to vector<16x1xi32>
      %gather3A_709 = vector.shape_cast %broadcast_in_dim3A_708 : vector<16x1xi32> to vector<16xi32>
      %gather3A_710 = tpu.dynamic_gather %select_n3A_701[%gather3A_709] in [0] : vector<16xi32>, vector<16xi32> -> vector<16xi32>
      %gt3A_711 = arith.cmpf ogt, %gather3A_707, %select_n3A_700 : vector<16xf32>
      %eq3A_712 = arith.cmpf oeq, %gather3A_707, %select_n3A_700 : vector<16xf32>
      %lt3A_713 = arith.cmpi slt, %gather3A_710, %select_n3A_701 : vector<16xi32>
      %and3A_714 = arith.andi %eq3A_712, %lt3A_713 : vector<16xi1>
      %or3A_715 = arith.ori %gt3A_711, %and3A_714 : vector<16xi1>
      %select_n3A_716 = arith.select %or3A_715, %gather3A_707, %select_n3A_700 : vector<16xi1>, vector<16xf32>
      %select_n3A_717 = arith.select %or3A_715, %gather3A_710, %select_n3A_701 : vector<16xi1>, vector<16xi32>
      %eq3A_718 = arith.constant 1 : i32
      %eq3A_719 = vector.broadcast %eq3A_718 : i32 to vector<16xi32>
      %eq3A_720 = arith.cmpi eq, %iota3A, %eq3A_719 : vector<16xi32>
      %select_n3A_721 = arith.select %eq3A_720, %select_n3A_717, %select_n3A_653 : vector<16xi1>, vector<16xi32>
      %xor3A_722 = arith.constant 8 : i32
      %xor3A_723 = vector.broadcast %xor3A_722 : i32 to vector<16xi32>
      %xor3A_724 = arith.xori %iota3A, %xor3A_723 : vector<16xi32>
      %broadcast_in_dim3A_725 = vector.shape_cast %xor3A_724 : vector<16xi32> to vector<16x1xi32>
      %gather3A_726 = vector.shape_cast %broadcast_in_dim3A_725 : vector<16x1xi32> to vector<16xi32>
      %gather3A_727 = tpu.dynamic_gather %select_n3A_519[%gather3A_726] in [0] : vector<16xf32>, vector<16xi32> -> vector<16xf32>
      %broadcast_in_dim3A_728 = vector.shape_cast %xor3A_724 : vector<16xi32> to vector<16x1xi32>
      %gather3A_729 = vector.shape_cast %broadcast_in_dim3A_728 : vector<16x1xi32> to vector<16xi32>
      %gather3A_730 = tpu.dynamic_gather %select_n3A_520[%gather3A_729] in [0] : vector<16xi32>, vector<16xi32> -> vector<16xi32>
      %gt3A_731 = arith.cmpf ogt, %gather3A_727, %select_n3A_519 : vector<16xf32>
      %eq3A_732 = arith.cmpf oeq, %gather3A_727, %select_n3A_519 : vector<16xf32>
      %lt3A_733 = arith.cmpi slt, %gather3A_730, %select_n3A_520 : vector<16xi32>
      %and3A_734 = arith.andi %eq3A_732, %lt3A_733 : vector<16xi1>
      %or3A_735 = arith.ori %gt3A_731, %and3A_734 : vector<16xi1>
      %select_n3A_736 = arith.select %or3A_735, %gather3A_727, %select_n3A_519 : vector<16xi1>, vector<16xf32>
      %select_n3A_737 = arith.select %or3A_735, %gather3A_730, %select_n3A_520 : vector<16xi1>, vector<16xi32>
      %xor3A_738 = arith.constant 4 : i32
      %xor3A_739 = vector.broadcast %xor3A_738 : i32 to vector<16xi32>
      %xor3A_740 = arith.xori %iota3A, %xor3A_739 : vector<16xi32>
      %broadcast_in_dim3A_741 = vector.shape_cast %xor3A_740 : vector<16xi32> to vector<16x1xi32>
      %gather3A_742 = vector.shape_cast %broadcast_in_dim3A_741 : vector<16x1xi32> to vector<16xi32>
      %gather3A_743 = tpu.dynamic_gather %select_n3A_736[%gather3A_742] in [0] : vector<16xf32>, vector<16xi32> -> vector<16xf32>
      %broadcast_in_dim3A_744 = vector.shape_cast %xor3A_740 : vector<16xi32> to vector<16x1xi32>
      %gather3A_745 = vector.shape_cast %broadcast_in_dim3A_744 : vector<16x1xi32> to vector<16xi32>
      %gather3A_746 = tpu.dynamic_gather %select_n3A_737[%gather3A_745] in [0] : vector<16xi32>, vector<16xi32> -> vector<16xi32>
      %gt3A_747 = arith.cmpf ogt, %gather3A_743, %select_n3A_736 : vector<16xf32>
      %eq3A_748 = arith.cmpf oeq, %gather3A_743, %select_n3A_736 : vector<16xf32>
      %lt3A_749 = arith.cmpi slt, %gather3A_746, %select_n3A_737 : vector<16xi32>
      %and3A_750 = arith.andi %eq3A_748, %lt3A_749 : vector<16xi1>
      %or3A_751 = arith.ori %gt3A_747, %and3A_750 : vector<16xi1>
      %select_n3A_752 = arith.select %or3A_751, %gather3A_743, %select_n3A_736 : vector<16xi1>, vector<16xf32>
      %select_n3A_753 = arith.select %or3A_751, %gather3A_746, %select_n3A_737 : vector<16xi1>, vector<16xi32>
      %xor3A_754 = arith.constant 2 : i32
      %xor3A_755 = vector.broadcast %xor3A_754 : i32 to vector<16xi32>
      %xor3A_756 = arith.xori %iota3A, %xor3A_755 : vector<16xi32>
      %broadcast_in_dim3A_757 = vector.shape_cast %xor3A_756 : vector<16xi32> to vector<16x1xi32>
      %gather3A_758 = vector.shape_cast %broadcast_in_dim3A_757 : vector<16x1xi32> to vector<16xi32>
      %gather3A_759 = tpu.dynamic_gather %select_n3A_752[%gather3A_758] in [0] : vector<16xf32>, vector<16xi32> -> vector<16xf32>
      %broadcast_in_dim3A_760 = vector.shape_cast %xor3A_756 : vector<16xi32> to vector<16x1xi32>
      %gather3A_761 = vector.shape_cast %broadcast_in_dim3A_760 : vector<16x1xi32> to vector<16xi32>
      %gather3A_762 = tpu.dynamic_gather %select_n3A_753[%gather3A_761] in [0] : vector<16xi32>, vector<16xi32> -> vector<16xi32>
      %gt3A_763 = arith.cmpf ogt, %gather3A_759, %select_n3A_752 : vector<16xf32>
      %eq3A_764 = arith.cmpf oeq, %gather3A_759, %select_n3A_752 : vector<16xf32>
      %lt3A_765 = arith.cmpi slt, %gather3A_762, %select_n3A_753 : vector<16xi32>
      %and3A_766 = arith.andi %eq3A_764, %lt3A_765 : vector<16xi1>
      %or3A_767 = arith.ori %gt3A_763, %and3A_766 : vector<16xi1>
      %select_n3A_768 = arith.select %or3A_767, %gather3A_759, %select_n3A_752 : vector<16xi1>, vector<16xf32>
      %select_n3A_769 = arith.select %or3A_767, %gather3A_762, %select_n3A_753 : vector<16xi1>, vector<16xi32>
      %xor3A_770 = arith.constant 1 : i32
      %xor3A_771 = vector.broadcast %xor3A_770 : i32 to vector<16xi32>
      %xor3A_772 = arith.xori %iota3A, %xor3A_771 : vector<16xi32>
      %broadcast_in_dim3A_773 = vector.shape_cast %xor3A_772 : vector<16xi32> to vector<16x1xi32>
      %gather3A_774 = vector.shape_cast %broadcast_in_dim3A_773 : vector<16x1xi32> to vector<16xi32>
      %gather3A_775 = tpu.dynamic_gather %select_n3A_768[%gather3A_774] in [0] : vector<16xf32>, vector<16xi32> -> vector<16xf32>
      %broadcast_in_dim3A_776 = vector.shape_cast %xor3A_772 : vector<16xi32> to vector<16x1xi32>
      %gather3A_777 = vector.shape_cast %broadcast_in_dim3A_776 : vector<16x1xi32> to vector<16xi32>
      %gather3A_778 = tpu.dynamic_gather %select_n3A_769[%gather3A_777] in [0] : vector<16xi32>, vector<16xi32> -> vector<16xi32>
      %gt3A_779 = arith.cmpf ogt, %gather3A_775, %select_n3A_768 : vector<16xf32>
      %eq3A_780 = arith.cmpf oeq, %gather3A_775, %select_n3A_768 : vector<16xf32>
      %lt3A_781 = arith.cmpi slt, %gather3A_778, %select_n3A_769 : vector<16xi32>
      %and3A_782 = arith.andi %eq3A_780, %lt3A_781 : vector<16xi1>
      %or3A_783 = arith.ori %gt3A_779, %and3A_782 : vector<16xi1>
      %select_n3A_784 = arith.select %or3A_783, %gather3A_775, %select_n3A_768 : vector<16xi1>, vector<16xf32>
      %select_n3A_785 = arith.select %or3A_783, %gather3A_778, %select_n3A_769 : vector<16xi1>, vector<16xi32>
      %eq3A_786 = arith.constant 2 : i32
      %eq3A_787 = vector.broadcast %eq3A_786 : i32 to vector<16xi32>
      %eq3A_788 = arith.cmpi eq, %iota3A, %eq3A_787 : vector<16xi32>
      %select_n3A_789 = arith.select %eq3A_788, %select_n3A_785, %select_n3A_721 : vector<16xi1>, vector<16xi32>
      %xor3A_790 = arith.constant 8 : i32
      %xor3A_791 = vector.broadcast %xor3A_790 : i32 to vector<16xi32>
      %xor3A_792 = arith.xori %iota3A, %xor3A_791 : vector<16xi32>
      %broadcast_in_dim3A_793 = vector.shape_cast %xor3A_792 : vector<16xi32> to vector<16x1xi32>
      %gather3A_794 = vector.shape_cast %broadcast_in_dim3A_793 : vector<16x1xi32> to vector<16xi32>
      %gather3A_795 = tpu.dynamic_gather %select_n3A_532[%gather3A_794] in [0] : vector<16xf32>, vector<16xi32> -> vector<16xf32>
      %broadcast_in_dim3A_796 = vector.shape_cast %xor3A_792 : vector<16xi32> to vector<16x1xi32>
      %gather3A_797 = vector.shape_cast %broadcast_in_dim3A_796 : vector<16x1xi32> to vector<16xi32>
      %gather3A_798 = tpu.dynamic_gather %select_n3A_533[%gather3A_797] in [0] : vector<16xi32>, vector<16xi32> -> vector<16xi32>
      %gt3A_799 = arith.cmpf ogt, %gather3A_795, %select_n3A_532 : vector<16xf32>
      %eq3A_800 = arith.cmpf oeq, %gather3A_795, %select_n3A_532 : vector<16xf32>
      %lt3A_801 = arith.cmpi slt, %gather3A_798, %select_n3A_533 : vector<16xi32>
      %and3A_802 = arith.andi %eq3A_800, %lt3A_801 : vector<16xi1>
      %or3A_803 = arith.ori %gt3A_799, %and3A_802 : vector<16xi1>
      %select_n3A_804 = arith.select %or3A_803, %gather3A_795, %select_n3A_532 : vector<16xi1>, vector<16xf32>
      %select_n3A_805 = arith.select %or3A_803, %gather3A_798, %select_n3A_533 : vector<16xi1>, vector<16xi32>
      %xor3A_806 = arith.constant 4 : i32
      %xor3A_807 = vector.broadcast %xor3A_806 : i32 to vector<16xi32>
      %xor3A_808 = arith.xori %iota3A, %xor3A_807 : vector<16xi32>
      %broadcast_in_dim3A_809 = vector.shape_cast %xor3A_808 : vector<16xi32> to vector<16x1xi32>
      %gather3A_810 = vector.shape_cast %broadcast_in_dim3A_809 : vector<16x1xi32> to vector<16xi32>
      %gather3A_811 = tpu.dynamic_gather %select_n3A_804[%gather3A_810] in [0] : vector<16xf32>, vector<16xi32> -> vector<16xf32>
      %broadcast_in_dim3A_812 = vector.shape_cast %xor3A_808 : vector<16xi32> to vector<16x1xi32>
      %gather3A_813 = vector.shape_cast %broadcast_in_dim3A_812 : vector<16x1xi32> to vector<16xi32>
      %gather3A_814 = tpu.dynamic_gather %select_n3A_805[%gather3A_813] in [0] : vector<16xi32>, vector<16xi32> -> vector<16xi32>
      %gt3A_815 = arith.cmpf ogt, %gather3A_811, %select_n3A_804 : vector<16xf32>
      %eq3A_816 = arith.cmpf oeq, %gather3A_811, %select_n3A_804 : vector<16xf32>
      %lt3A_817 = arith.cmpi slt, %gather3A_814, %select_n3A_805 : vector<16xi32>
      %and3A_818 = arith.andi %eq3A_816, %lt3A_817 : vector<16xi1>
      %or3A_819 = arith.ori %gt3A_815, %and3A_818 : vector<16xi1>
      %select_n3A_820 = arith.select %or3A_819, %gather3A_811, %select_n3A_804 : vector<16xi1>, vector<16xf32>
      %select_n3A_821 = arith.select %or3A_819, %gather3A_814, %select_n3A_805 : vector<16xi1>, vector<16xi32>
      %xor3A_822 = arith.constant 2 : i32
      %xor3A_823 = vector.broadcast %xor3A_822 : i32 to vector<16xi32>
      %xor3A_824 = arith.xori %iota3A, %xor3A_823 : vector<16xi32>
      %broadcast_in_dim3A_825 = vector.shape_cast %xor3A_824 : vector<16xi32> to vector<16x1xi32>
      %gather3A_826 = vector.shape_cast %broadcast_in_dim3A_825 : vector<16x1xi32> to vector<16xi32>
      %gather3A_827 = tpu.dynamic_gather %select_n3A_820[%gather3A_826] in [0] : vector<16xf32>, vector<16xi32> -> vector<16xf32>
      %broadcast_in_dim3A_828 = vector.shape_cast %xor3A_824 : vector<16xi32> to vector<16x1xi32>
      %gather3A_829 = vector.shape_cast %broadcast_in_dim3A_828 : vector<16x1xi32> to vector<16xi32>
      %gather3A_830 = tpu.dynamic_gather %select_n3A_821[%gather3A_829] in [0] : vector<16xi32>, vector<16xi32> -> vector<16xi32>
      %gt3A_831 = arith.cmpf ogt, %gather3A_827, %select_n3A_820 : vector<16xf32>
      %eq3A_832 = arith.cmpf oeq, %gather3A_827, %select_n3A_820 : vector<16xf32>
      %lt3A_833 = arith.cmpi slt, %gather3A_830, %select_n3A_821 : vector<16xi32>
      %and3A_834 = arith.andi %eq3A_832, %lt3A_833 : vector<16xi1>
      %or3A_835 = arith.ori %gt3A_831, %and3A_834 : vector<16xi1>
      %select_n3A_836 = arith.select %or3A_835, %gather3A_827, %select_n3A_820 : vector<16xi1>, vector<16xf32>
      %select_n3A_837 = arith.select %or3A_835, %gather3A_830, %select_n3A_821 : vector<16xi1>, vector<16xi32>
      %xor3A_838 = arith.constant 1 : i32
      %xor3A_839 = vector.broadcast %xor3A_838 : i32 to vector<16xi32>
      %xor3A_840 = arith.xori %iota3A, %xor3A_839 : vector<16xi32>
      %broadcast_in_dim3A_841 = vector.shape_cast %xor3A_840 : vector<16xi32> to vector<16x1xi32>
      %gather3A_842 = vector.shape_cast %broadcast_in_dim3A_841 : vector<16x1xi32> to vector<16xi32>
      %gather3A_843 = tpu.dynamic_gather %select_n3A_836[%gather3A_842] in [0] : vector<16xf32>, vector<16xi32> -> vector<16xf32>
      %broadcast_in_dim3A_844 = vector.shape_cast %xor3A_840 : vector<16xi32> to vector<16x1xi32>
      %gather3A_845 = vector.shape_cast %broadcast_in_dim3A_844 : vector<16x1xi32> to vector<16xi32>
      %gather3A_846 = tpu.dynamic_gather %select_n3A_837[%gather3A_845] in [0] : vector<16xi32>, vector<16xi32> -> vector<16xi32>
      %gt3A_847 = arith.cmpf ogt, %gather3A_843, %select_n3A_836 : vector<16xf32>
      %eq3A_848 = arith.cmpf oeq, %gather3A_843, %select_n3A_836 : vector<16xf32>
      %lt3A_849 = arith.cmpi slt, %gather3A_846, %select_n3A_837 : vector<16xi32>
      %and3A_850 = arith.andi %eq3A_848, %lt3A_849 : vector<16xi1>
      %or3A_851 = arith.ori %gt3A_847, %and3A_850 : vector<16xi1>
      %select_n3A_852 = arith.select %or3A_851, %gather3A_843, %select_n3A_836 : vector<16xi1>, vector<16xf32>
      %select_n3A_853 = arith.select %or3A_851, %gather3A_846, %select_n3A_837 : vector<16xi1>, vector<16xi32>
      %eq3A_854 = arith.constant 3 : i32
      %eq3A_855 = vector.broadcast %eq3A_854 : i32 to vector<16xi32>
      %eq3A_856 = arith.cmpi eq, %iota3A, %eq3A_855 : vector<16xi32>
      %select_n3A_857 = arith.select %eq3A_856, %select_n3A_853, %select_n3A_789 : vector<16xi1>, vector<16xi32>
      %xor3A_858 = arith.constant 8 : i32
      %xor3A_859 = vector.broadcast %xor3A_858 : i32 to vector<16xi32>
      %xor3A_860 = arith.xori %iota3A, %xor3A_859 : vector<16xi32>
      %broadcast_in_dim3A_861 = vector.shape_cast %xor3A_860 : vector<16xi32> to vector<16x1xi32>
      %gather3A_862 = vector.shape_cast %broadcast_in_dim3A_861 : vector<16x1xi32> to vector<16xi32>
      %gather3A_863 = tpu.dynamic_gather %select_n3A_545[%gather3A_862] in [0] : vector<16xf32>, vector<16xi32> -> vector<16xf32>
      %broadcast_in_dim3A_864 = vector.shape_cast %xor3A_860 : vector<16xi32> to vector<16x1xi32>
      %gather3A_865 = vector.shape_cast %broadcast_in_dim3A_864 : vector<16x1xi32> to vector<16xi32>
      %gather3A_866 = tpu.dynamic_gather %select_n3A_546[%gather3A_865] in [0] : vector<16xi32>, vector<16xi32> -> vector<16xi32>
      %gt3A_867 = arith.cmpf ogt, %gather3A_863, %select_n3A_545 : vector<16xf32>
      %eq3A_868 = arith.cmpf oeq, %gather3A_863, %select_n3A_545 : vector<16xf32>
      %lt3A_869 = arith.cmpi slt, %gather3A_866, %select_n3A_546 : vector<16xi32>
      %and3A_870 = arith.andi %eq3A_868, %lt3A_869 : vector<16xi1>
      %or3A_871 = arith.ori %gt3A_867, %and3A_870 : vector<16xi1>
      %select_n3A_872 = arith.select %or3A_871, %gather3A_863, %select_n3A_545 : vector<16xi1>, vector<16xf32>
      %select_n3A_873 = arith.select %or3A_871, %gather3A_866, %select_n3A_546 : vector<16xi1>, vector<16xi32>
      %xor3A_874 = arith.constant 4 : i32
      %xor3A_875 = vector.broadcast %xor3A_874 : i32 to vector<16xi32>
      %xor3A_876 = arith.xori %iota3A, %xor3A_875 : vector<16xi32>
      %broadcast_in_dim3A_877 = vector.shape_cast %xor3A_876 : vector<16xi32> to vector<16x1xi32>
      %gather3A_878 = vector.shape_cast %broadcast_in_dim3A_877 : vector<16x1xi32> to vector<16xi32>
      %gather3A_879 = tpu.dynamic_gather %select_n3A_872[%gather3A_878] in [0] : vector<16xf32>, vector<16xi32> -> vector<16xf32>
      %broadcast_in_dim3A_880 = vector.shape_cast %xor3A_876 : vector<16xi32> to vector<16x1xi32>
      %gather3A_881 = vector.shape_cast %broadcast_in_dim3A_880 : vector<16x1xi32> to vector<16xi32>
      %gather3A_882 = tpu.dynamic_gather %select_n3A_873[%gather3A_881] in [0] : vector<16xi32>, vector<16xi32> -> vector<16xi32>
      %gt3A_883 = arith.cmpf ogt, %gather3A_879, %select_n3A_872 : vector<16xf32>
      %eq3A_884 = arith.cmpf oeq, %gather3A_879, %select_n3A_872 : vector<16xf32>
      %lt3A_885 = arith.cmpi slt, %gather3A_882, %select_n3A_873 : vector<16xi32>
      %and3A_886 = arith.andi %eq3A_884, %lt3A_885 : vector<16xi1>
      %or3A_887 = arith.ori %gt3A_883, %and3A_886 : vector<16xi1>
      %select_n3A_888 = arith.select %or3A_887, %gather3A_879, %select_n3A_872 : vector<16xi1>, vector<16xf32>
      %select_n3A_889 = arith.select %or3A_887, %gather3A_882, %select_n3A_873 : vector<16xi1>, vector<16xi32>
      %xor3A_890 = arith.constant 2 : i32
      %xor3A_891 = vector.broadcast %xor3A_890 : i32 to vector<16xi32>
      %xor3A_892 = arith.xori %iota3A, %xor3A_891 : vector<16xi32>
      %broadcast_in_dim3A_893 = vector.shape_cast %xor3A_892 : vector<16xi32> to vector<16x1xi32>
      %gather3A_894 = vector.shape_cast %broadcast_in_dim3A_893 : vector<16x1xi32> to vector<16xi32>
      %gather3A_895 = tpu.dynamic_gather %select_n3A_888[%gather3A_894] in [0] : vector<16xf32>, vector<16xi32> -> vector<16xf32>
      %broadcast_in_dim3A_896 = vector.shape_cast %xor3A_892 : vector<16xi32> to vector<16x1xi32>
      %gather3A_897 = vector.shape_cast %broadcast_in_dim3A_896 : vector<16x1xi32> to vector<16xi32>
      %gather3A_898 = tpu.dynamic_gather %select_n3A_889[%gather3A_897] in [0] : vector<16xi32>, vector<16xi32> -> vector<16xi32>
      %gt3A_899 = arith.cmpf ogt, %gather3A_895, %select_n3A_888 : vector<16xf32>
      %eq3A_900 = arith.cmpf oeq, %gather3A_895, %select_n3A_888 : vector<16xf32>
      %lt3A_901 = arith.cmpi slt, %gather3A_898, %select_n3A_889 : vector<16xi32>
      %and3A_902 = arith.andi %eq3A_900, %lt3A_901 : vector<16xi1>
      %or3A_903 = arith.ori %gt3A_899, %and3A_902 : vector<16xi1>
      %select_n3A_904 = arith.select %or3A_903, %gather3A_895, %select_n3A_888 : vector<16xi1>, vector<16xf32>
      %select_n3A_905 = arith.select %or3A_903, %gather3A_898, %select_n3A_889 : vector<16xi1>, vector<16xi32>
      %xor3A_906 = arith.constant 1 : i32
      %xor3A_907 = vector.broadcast %xor3A_906 : i32 to vector<16xi32>
      %xor3A_908 = arith.xori %iota3A, %xor3A_907 : vector<16xi32>
      %broadcast_in_dim3A_909 = vector.shape_cast %xor3A_908 : vector<16xi32> to vector<16x1xi32>
      %gather3A_910 = vector.shape_cast %broadcast_in_dim3A_909 : vector<16x1xi32> to vector<16xi32>
      %gather3A_911 = tpu.dynamic_gather %select_n3A_904[%gather3A_910] in [0] : vector<16xf32>, vector<16xi32> -> vector<16xf32>
      %broadcast_in_dim3A_912 = vector.shape_cast %xor3A_908 : vector<16xi32> to vector<16x1xi32>
      %gather3A_913 = vector.shape_cast %broadcast_in_dim3A_912 : vector<16x1xi32> to vector<16xi32>
      %gather3A_914 = tpu.dynamic_gather %select_n3A_905[%gather3A_913] in [0] : vector<16xi32>, vector<16xi32> -> vector<16xi32>
      %gt3A_915 = arith.cmpf ogt, %gather3A_911, %select_n3A_904 : vector<16xf32>
      %eq3A_916 = arith.cmpf oeq, %gather3A_911, %select_n3A_904 : vector<16xf32>
      %lt3A_917 = arith.cmpi slt, %gather3A_914, %select_n3A_905 : vector<16xi32>
      %and3A_918 = arith.andi %eq3A_916, %lt3A_917 : vector<16xi1>
      %or3A_919 = arith.ori %gt3A_915, %and3A_918 : vector<16xi1>
      %select_n3A_920 = arith.select %or3A_919, %gather3A_911, %select_n3A_904 : vector<16xi1>, vector<16xf32>
      %select_n3A_921 = arith.select %or3A_919, %gather3A_914, %select_n3A_905 : vector<16xi1>, vector<16xi32>
      %eq3A_922 = arith.constant 4 : i32
      %eq3A_923 = vector.broadcast %eq3A_922 : i32 to vector<16xi32>
      %eq3A_924 = arith.cmpi eq, %iota3A, %eq3A_923 : vector<16xi32>
      %select_n3A_925 = arith.select %eq3A_924, %select_n3A_921, %select_n3A_857 : vector<16xi1>, vector<16xi32>
      %xor3A_926 = arith.constant 8 : i32
      %xor3A_927 = vector.broadcast %xor3A_926 : i32 to vector<16xi32>
      %xor3A_928 = arith.xori %iota3A, %xor3A_927 : vector<16xi32>
      %broadcast_in_dim3A_929 = vector.shape_cast %xor3A_928 : vector<16xi32> to vector<16x1xi32>
      %gather3A_930 = vector.shape_cast %broadcast_in_dim3A_929 : vector<16x1xi32> to vector<16xi32>
      %gather3A_931 = tpu.dynamic_gather %select_n3A_558[%gather3A_930] in [0] : vector<16xf32>, vector<16xi32> -> vector<16xf32>
      %broadcast_in_dim3A_932 = vector.shape_cast %xor3A_928 : vector<16xi32> to vector<16x1xi32>
      %gather3A_933 = vector.shape_cast %broadcast_in_dim3A_932 : vector<16x1xi32> to vector<16xi32>
      %gather3A_934 = tpu.dynamic_gather %select_n3A_559[%gather3A_933] in [0] : vector<16xi32>, vector<16xi32> -> vector<16xi32>
      %gt3A_935 = arith.cmpf ogt, %gather3A_931, %select_n3A_558 : vector<16xf32>
      %eq3A_936 = arith.cmpf oeq, %gather3A_931, %select_n3A_558 : vector<16xf32>
      %lt3A_937 = arith.cmpi slt, %gather3A_934, %select_n3A_559 : vector<16xi32>
      %and3A_938 = arith.andi %eq3A_936, %lt3A_937 : vector<16xi1>
      %or3A_939 = arith.ori %gt3A_935, %and3A_938 : vector<16xi1>
      %select_n3A_940 = arith.select %or3A_939, %gather3A_931, %select_n3A_558 : vector<16xi1>, vector<16xf32>
      %select_n3A_941 = arith.select %or3A_939, %gather3A_934, %select_n3A_559 : vector<16xi1>, vector<16xi32>
      %xor3A_942 = arith.constant 4 : i32
      %xor3A_943 = vector.broadcast %xor3A_942 : i32 to vector<16xi32>
      %xor3A_944 = arith.xori %iota3A, %xor3A_943 : vector<16xi32>
      %broadcast_in_dim3A_945 = vector.shape_cast %xor3A_944 : vector<16xi32> to vector<16x1xi32>
      %gather3A_946 = vector.shape_cast %broadcast_in_dim3A_945 : vector<16x1xi32> to vector<16xi32>
      %gather3A_947 = tpu.dynamic_gather %select_n3A_940[%gather3A_946] in [0] : vector<16xf32>, vector<16xi32> -> vector<16xf32>
      %broadcast_in_dim3A_948 = vector.shape_cast %xor3A_944 : vector<16xi32> to vector<16x1xi32>
      %gather3A_949 = vector.shape_cast %broadcast_in_dim3A_948 : vector<16x1xi32> to vector<16xi32>
      %gather3A_950 = tpu.dynamic_gather %select_n3A_941[%gather3A_949] in [0] : vector<16xi32>, vector<16xi32> -> vector<16xi32>
      %gt3A_951 = arith.cmpf ogt, %gather3A_947, %select_n3A_940 : vector<16xf32>
      %eq3A_952 = arith.cmpf oeq, %gather3A_947, %select_n3A_940 : vector<16xf32>
      %lt3A_953 = arith.cmpi slt, %gather3A_950, %select_n3A_941 : vector<16xi32>
      %and3A_954 = arith.andi %eq3A_952, %lt3A_953 : vector<16xi1>
      %or3A_955 = arith.ori %gt3A_951, %and3A_954 : vector<16xi1>
      %select_n3A_956 = arith.select %or3A_955, %gather3A_947, %select_n3A_940 : vector<16xi1>, vector<16xf32>
      %select_n3A_957 = arith.select %or3A_955, %gather3A_950, %select_n3A_941 : vector<16xi1>, vector<16xi32>
      %xor3A_958 = arith.constant 2 : i32
      %xor3A_959 = vector.broadcast %xor3A_958 : i32 to vector<16xi32>
      %xor3A_960 = arith.xori %iota3A, %xor3A_959 : vector<16xi32>
      %broadcast_in_dim3A_961 = vector.shape_cast %xor3A_960 : vector<16xi32> to vector<16x1xi32>
      %gather3A_962 = vector.shape_cast %broadcast_in_dim3A_961 : vector<16x1xi32> to vector<16xi32>
      %gather3A_963 = tpu.dynamic_gather %select_n3A_956[%gather3A_962] in [0] : vector<16xf32>, vector<16xi32> -> vector<16xf32>
      %broadcast_in_dim3A_964 = vector.shape_cast %xor3A_960 : vector<16xi32> to vector<16x1xi32>
      %gather3A_965 = vector.shape_cast %broadcast_in_dim3A_964 : vector<16x1xi32> to vector<16xi32>
      %gather3A_966 = tpu.dynamic_gather %select_n3A_957[%gather3A_965] in [0] : vector<16xi32>, vector<16xi32> -> vector<16xi32>
      %gt3A_967 = arith.cmpf ogt, %gather3A_963, %select_n3A_956 : vector<16xf32>
      %eq3A_968 = arith.cmpf oeq, %gather3A_963, %select_n3A_956 : vector<16xf32>
      %lt3A_969 = arith.cmpi slt, %gather3A_966, %select_n3A_957 : vector<16xi32>
      %and3A_970 = arith.andi %eq3A_968, %lt3A_969 : vector<16xi1>
      %or3A_971 = arith.ori %gt3A_967, %and3A_970 : vector<16xi1>
      %select_n3A_972 = arith.select %or3A_971, %gather3A_963, %select_n3A_956 : vector<16xi1>, vector<16xf32>
      %select_n3A_973 = arith.select %or3A_971, %gather3A_966, %select_n3A_957 : vector<16xi1>, vector<16xi32>
      %xor3A_974 = arith.constant 1 : i32
      %xor3A_975 = vector.broadcast %xor3A_974 : i32 to vector<16xi32>
      %xor3A_976 = arith.xori %iota3A, %xor3A_975 : vector<16xi32>
      %broadcast_in_dim3A_977 = vector.shape_cast %xor3A_976 : vector<16xi32> to vector<16x1xi32>
      %gather3A_978 = vector.shape_cast %broadcast_in_dim3A_977 : vector<16x1xi32> to vector<16xi32>
      %gather3A_979 = tpu.dynamic_gather %select_n3A_972[%gather3A_978] in [0] : vector<16xf32>, vector<16xi32> -> vector<16xf32>
      %broadcast_in_dim3A_980 = vector.shape_cast %xor3A_976 : vector<16xi32> to vector<16x1xi32>
      %gather3A_981 = vector.shape_cast %broadcast_in_dim3A_980 : vector<16x1xi32> to vector<16xi32>
      %gather3A_982 = tpu.dynamic_gather %select_n3A_973[%gather3A_981] in [0] : vector<16xi32>, vector<16xi32> -> vector<16xi32>
      %gt3A_983 = arith.cmpf ogt, %gather3A_979, %select_n3A_972 : vector<16xf32>
      %eq3A_984 = arith.cmpf oeq, %gather3A_979, %select_n3A_972 : vector<16xf32>
      %lt3A_985 = arith.cmpi slt, %gather3A_982, %select_n3A_973 : vector<16xi32>
      %and3A_986 = arith.andi %eq3A_984, %lt3A_985 : vector<16xi1>
      %or3A_987 = arith.ori %gt3A_983, %and3A_986 : vector<16xi1>
      %select_n3A_988 = arith.select %or3A_987, %gather3A_979, %select_n3A_972 : vector<16xi1>, vector<16xf32>
      %select_n3A_989 = arith.select %or3A_987, %gather3A_982, %select_n3A_973 : vector<16xi1>, vector<16xi32>
      %eq3A_990 = arith.constant 5 : i32
      %eq3A_991 = vector.broadcast %eq3A_990 : i32 to vector<16xi32>
      %eq3A_992 = arith.cmpi eq, %iota3A, %eq3A_991 : vector<16xi32>
      %select_n3A_993 = arith.select %eq3A_992, %select_n3A_989, %select_n3A_925 : vector<16xi1>, vector<16xi32>
      %xor3A_994 = arith.constant 8 : i32
      %xor3A_995 = vector.broadcast %xor3A_994 : i32 to vector<16xi32>
      %xor3A_996 = arith.xori %iota3A, %xor3A_995 : vector<16xi32>
      %broadcast_in_dim3A_997 = vector.shape_cast %xor3A_996 : vector<16xi32> to vector<16x1xi32>
      %gather3A_998 = vector.shape_cast %broadcast_in_dim3A_997 : vector<16x1xi32> to vector<16xi32>
      %gather3A_999 = tpu.dynamic_gather %select_n3A_571[%gather3A_998] in [0] : vector<16xf32>, vector<16xi32> -> vector<16xf32>
      %broadcast_in_dim3A_1000 = vector.shape_cast %xor3A_996 : vector<16xi32> to vector<16x1xi32>
      %gather3A_1001 = vector.shape_cast %broadcast_in_dim3A_1000 : vector<16x1xi32> to vector<16xi32>
      %gather3A_1002 = tpu.dynamic_gather %select_n3A_572[%gather3A_1001] in [0] : vector<16xi32>, vector<16xi32> -> vector<16xi32>
      %gt3A_1003 = arith.cmpf ogt, %gather3A_999, %select_n3A_571 : vector<16xf32>
      %eq3A_1004 = arith.cmpf oeq, %gather3A_999, %select_n3A_571 : vector<16xf32>
      %lt3A_1005 = arith.cmpi slt, %gather3A_1002, %select_n3A_572 : vector<16xi32>
      %and3A_1006 = arith.andi %eq3A_1004, %lt3A_1005 : vector<16xi1>
      %or3A_1007 = arith.ori %gt3A_1003, %and3A_1006 : vector<16xi1>
      %select_n3A_1008 = arith.select %or3A_1007, %gather3A_999, %select_n3A_571 : vector<16xi1>, vector<16xf32>
      %select_n3A_1009 = arith.select %or3A_1007, %gather3A_1002, %select_n3A_572 : vector<16xi1>, vector<16xi32>
      %xor3A_1010 = arith.constant 4 : i32
      %xor3A_1011 = vector.broadcast %xor3A_1010 : i32 to vector<16xi32>
      %xor3A_1012 = arith.xori %iota3A, %xor3A_1011 : vector<16xi32>
      %broadcast_in_dim3A_1013 = vector.shape_cast %xor3A_1012 : vector<16xi32> to vector<16x1xi32>
      %gather3A_1014 = vector.shape_cast %broadcast_in_dim3A_1013 : vector<16x1xi32> to vector<16xi32>
      %gather3A_1015 = tpu.dynamic_gather %select_n3A_1008[%gather3A_1014] in [0] : vector<16xf32>, vector<16xi32> -> vector<16xf32>
      %broadcast_in_dim3A_1016 = vector.shape_cast %xor3A_1012 : vector<16xi32> to vector<16x1xi32>
      %gather3A_1017 = vector.shape_cast %broadcast_in_dim3A_1016 : vector<16x1xi32> to vector<16xi32>
      %gather3A_1018 = tpu.dynamic_gather %select_n3A_1009[%gather3A_1017] in [0] : vector<16xi32>, vector<16xi32> -> vector<16xi32>
      %gt3A_1019 = arith.cmpf ogt, %gather3A_1015, %select_n3A_1008 : vector<16xf32>
      %eq3A_1020 = arith.cmpf oeq, %gather3A_1015, %select_n3A_1008 : vector<16xf32>
      %lt3A_1021 = arith.cmpi slt, %gather3A_1018, %select_n3A_1009 : vector<16xi32>
      %and3A_1022 = arith.andi %eq3A_1020, %lt3A_1021 : vector<16xi1>
      %or3A_1023 = arith.ori %gt3A_1019, %and3A_1022 : vector<16xi1>
      %select_n3A_1024 = arith.select %or3A_1023, %gather3A_1015, %select_n3A_1008 : vector<16xi1>, vector<16xf32>
      %select_n3A_1025 = arith.select %or3A_1023, %gather3A_1018, %select_n3A_1009 : vector<16xi1>, vector<16xi32>
      %xor3A_1026 = arith.constant 2 : i32
      %xor3A_1027 = vector.broadcast %xor3A_1026 : i32 to vector<16xi32>
      %xor3A_1028 = arith.xori %iota3A, %xor3A_1027 : vector<16xi32>
      %broadcast_in_dim3A_1029 = vector.shape_cast %xor3A_1028 : vector<16xi32> to vector<16x1xi32>
      %gather3A_1030 = vector.shape_cast %broadcast_in_dim3A_1029 : vector<16x1xi32> to vector<16xi32>
      %gather3A_1031 = tpu.dynamic_gather %select_n3A_1024[%gather3A_1030] in [0] : vector<16xf32>, vector<16xi32> -> vector<16xf32>
      %broadcast_in_dim3A_1032 = vector.shape_cast %xor3A_1028 : vector<16xi32> to vector<16x1xi32>
      %gather3A_1033 = vector.shape_cast %broadcast_in_dim3A_1032 : vector<16x1xi32> to vector<16xi32>
      %gather3A_1034 = tpu.dynamic_gather %select_n3A_1025[%gather3A_1033] in [0] : vector<16xi32>, vector<16xi32> -> vector<16xi32>
      %gt3A_1035 = arith.cmpf ogt, %gather3A_1031, %select_n3A_1024 : vector<16xf32>
      %eq3A_1036 = arith.cmpf oeq, %gather3A_1031, %select_n3A_1024 : vector<16xf32>
      %lt3A_1037 = arith.cmpi slt, %gather3A_1034, %select_n3A_1025 : vector<16xi32>
      %and3A_1038 = arith.andi %eq3A_1036, %lt3A_1037 : vector<16xi1>
      %or3A_1039 = arith.ori %gt3A_1035, %and3A_1038 : vector<16xi1>
      %select_n3A_1040 = arith.select %or3A_1039, %gather3A_1031, %select_n3A_1024 : vector<16xi1>, vector<16xf32>
      %select_n3A_1041 = arith.select %or3A_1039, %gather3A_1034, %select_n3A_1025 : vector<16xi1>, vector<16xi32>
      %xor3A_1042 = arith.constant 1 : i32
      %xor3A_1043 = vector.broadcast %xor3A_1042 : i32 to vector<16xi32>
      %xor3A_1044 = arith.xori %iota3A, %xor3A_1043 : vector<16xi32>
      %broadcast_in_dim3A_1045 = vector.shape_cast %xor3A_1044 : vector<16xi32> to vector<16x1xi32>
      %gather3A_1046 = vector.shape_cast %broadcast_in_dim3A_1045 : vector<16x1xi32> to vector<16xi32>
      %gather3A_1047 = tpu.dynamic_gather %select_n3A_1040[%gather3A_1046] in [0] : vector<16xf32>, vector<16xi32> -> vector<16xf32>
      %broadcast_in_dim3A_1048 = vector.shape_cast %xor3A_1044 : vector<16xi32> to vector<16x1xi32>
      %gather3A_1049 = vector.shape_cast %broadcast_in_dim3A_1048 : vector<16x1xi32> to vector<16xi32>
      %gather3A_1050 = tpu.dynamic_gather %select_n3A_1041[%gather3A_1049] in [0] : vector<16xi32>, vector<16xi32> -> vector<16xi32>
      %gt3A_1051 = arith.cmpf ogt, %gather3A_1047, %select_n3A_1040 : vector<16xf32>
      %eq3A_1052 = arith.cmpf oeq, %gather3A_1047, %select_n3A_1040 : vector<16xf32>
      %lt3A_1053 = arith.cmpi slt, %gather3A_1050, %select_n3A_1041 : vector<16xi32>
      %and3A_1054 = arith.andi %eq3A_1052, %lt3A_1053 : vector<16xi1>
      %or3A_1055 = arith.ori %gt3A_1051, %and3A_1054 : vector<16xi1>
      %select_n3A_1056 = arith.select %or3A_1055, %gather3A_1047, %select_n3A_1040 : vector<16xi1>, vector<16xf32>
      %select_n3A_1057 = arith.select %or3A_1055, %gather3A_1050, %select_n3A_1041 : vector<16xi1>, vector<16xi32>
      %eq3A_1058 = arith.constant 6 : i32
      %eq3A_1059 = vector.broadcast %eq3A_1058 : i32 to vector<16xi32>
      %eq3A_1060 = arith.cmpi eq, %iota3A, %eq3A_1059 : vector<16xi32>
      %select_n3A_1061 = arith.select %eq3A_1060, %select_n3A_1057, %select_n3A_993 : vector<16xi1>, vector<16xi32>
      %xor3A_1062 = arith.constant 8 : i32
      %xor3A_1063 = vector.broadcast %xor3A_1062 : i32 to vector<16xi32>
      %xor3A_1064 = arith.xori %iota3A, %xor3A_1063 : vector<16xi32>
      %broadcast_in_dim3A_1065 = vector.shape_cast %xor3A_1064 : vector<16xi32> to vector<16x1xi32>
      %gather3A_1066 = vector.shape_cast %broadcast_in_dim3A_1065 : vector<16x1xi32> to vector<16xi32>
      %gather3A_1067 = tpu.dynamic_gather %select_n3A_584[%gather3A_1066] in [0] : vector<16xf32>, vector<16xi32> -> vector<16xf32>
      %broadcast_in_dim3A_1068 = vector.shape_cast %xor3A_1064 : vector<16xi32> to vector<16x1xi32>
      %gather3A_1069 = vector.shape_cast %broadcast_in_dim3A_1068 : vector<16x1xi32> to vector<16xi32>
      %gather3A_1070 = tpu.dynamic_gather %select_n3A_585[%gather3A_1069] in [0] : vector<16xi32>, vector<16xi32> -> vector<16xi32>
      %gt3A_1071 = arith.cmpf ogt, %gather3A_1067, %select_n3A_584 : vector<16xf32>
      %eq3A_1072 = arith.cmpf oeq, %gather3A_1067, %select_n3A_584 : vector<16xf32>
      %lt3A_1073 = arith.cmpi slt, %gather3A_1070, %select_n3A_585 : vector<16xi32>
      %and3A_1074 = arith.andi %eq3A_1072, %lt3A_1073 : vector<16xi1>
      %or3A_1075 = arith.ori %gt3A_1071, %and3A_1074 : vector<16xi1>
      %select_n3A_1076 = arith.select %or3A_1075, %gather3A_1067, %select_n3A_584 : vector<16xi1>, vector<16xf32>
      %select_n3A_1077 = arith.select %or3A_1075, %gather3A_1070, %select_n3A_585 : vector<16xi1>, vector<16xi32>
      %xor3A_1078 = arith.constant 4 : i32
      %xor3A_1079 = vector.broadcast %xor3A_1078 : i32 to vector<16xi32>
      %xor3A_1080 = arith.xori %iota3A, %xor3A_1079 : vector<16xi32>
      %broadcast_in_dim3A_1081 = vector.shape_cast %xor3A_1080 : vector<16xi32> to vector<16x1xi32>
      %gather3A_1082 = vector.shape_cast %broadcast_in_dim3A_1081 : vector<16x1xi32> to vector<16xi32>
      %gather3A_1083 = tpu.dynamic_gather %select_n3A_1076[%gather3A_1082] in [0] : vector<16xf32>, vector<16xi32> -> vector<16xf32>
      %broadcast_in_dim3A_1084 = vector.shape_cast %xor3A_1080 : vector<16xi32> to vector<16x1xi32>
      %gather3A_1085 = vector.shape_cast %broadcast_in_dim3A_1084 : vector<16x1xi32> to vector<16xi32>
      %gather3A_1086 = tpu.dynamic_gather %select_n3A_1077[%gather3A_1085] in [0] : vector<16xi32>, vector<16xi32> -> vector<16xi32>
      %gt3A_1087 = arith.cmpf ogt, %gather3A_1083, %select_n3A_1076 : vector<16xf32>
      %eq3A_1088 = arith.cmpf oeq, %gather3A_1083, %select_n3A_1076 : vector<16xf32>
      %lt3A_1089 = arith.cmpi slt, %gather3A_1086, %select_n3A_1077 : vector<16xi32>
      %and3A_1090 = arith.andi %eq3A_1088, %lt3A_1089 : vector<16xi1>
      %or3A_1091 = arith.ori %gt3A_1087, %and3A_1090 : vector<16xi1>
      %select_n3A_1092 = arith.select %or3A_1091, %gather3A_1083, %select_n3A_1076 : vector<16xi1>, vector<16xf32>
      %select_n3A_1093 = arith.select %or3A_1091, %gather3A_1086, %select_n3A_1077 : vector<16xi1>, vector<16xi32>
      %xor3A_1094 = arith.constant 2 : i32
      %xor3A_1095 = vector.broadcast %xor3A_1094 : i32 to vector<16xi32>
      %xor3A_1096 = arith.xori %iota3A, %xor3A_1095 : vector<16xi32>
      %broadcast_in_dim3A_1097 = vector.shape_cast %xor3A_1096 : vector<16xi32> to vector<16x1xi32>
      %gather3A_1098 = vector.shape_cast %broadcast_in_dim3A_1097 : vector<16x1xi32> to vector<16xi32>
      %gather3A_1099 = tpu.dynamic_gather %select_n3A_1092[%gather3A_1098] in [0] : vector<16xf32>, vector<16xi32> -> vector<16xf32>
      %broadcast_in_dim3A_1100 = vector.shape_cast %xor3A_1096 : vector<16xi32> to vector<16x1xi32>
      %gather3A_1101 = vector.shape_cast %broadcast_in_dim3A_1100 : vector<16x1xi32> to vector<16xi32>
      %gather3A_1102 = tpu.dynamic_gather %select_n3A_1093[%gather3A_1101] in [0] : vector<16xi32>, vector<16xi32> -> vector<16xi32>
      %gt3A_1103 = arith.cmpf ogt, %gather3A_1099, %select_n3A_1092 : vector<16xf32>
      %eq3A_1104 = arith.cmpf oeq, %gather3A_1099, %select_n3A_1092 : vector<16xf32>
      %lt3A_1105 = arith.cmpi slt, %gather3A_1102, %select_n3A_1093 : vector<16xi32>
      %and3A_1106 = arith.andi %eq3A_1104, %lt3A_1105 : vector<16xi1>
      %or3A_1107 = arith.ori %gt3A_1103, %and3A_1106 : vector<16xi1>
      %select_n3A_1108 = arith.select %or3A_1107, %gather3A_1099, %select_n3A_1092 : vector<16xi1>, vector<16xf32>
      %select_n3A_1109 = arith.select %or3A_1107, %gather3A_1102, %select_n3A_1093 : vector<16xi1>, vector<16xi32>
      %xor3A_1110 = arith.constant 1 : i32
      %xor3A_1111 = vector.broadcast %xor3A_1110 : i32 to vector<16xi32>
      %xor3A_1112 = arith.xori %iota3A, %xor3A_1111 : vector<16xi32>
      %broadcast_in_dim3A_1113 = vector.shape_cast %xor3A_1112 : vector<16xi32> to vector<16x1xi32>
      %gather3A_1114 = vector.shape_cast %broadcast_in_dim3A_1113 : vector<16x1xi32> to vector<16xi32>
      %gather3A_1115 = tpu.dynamic_gather %select_n3A_1108[%gather3A_1114] in [0] : vector<16xf32>, vector<16xi32> -> vector<16xf32>
      %broadcast_in_dim3A_1116 = vector.shape_cast %xor3A_1112 : vector<16xi32> to vector<16x1xi32>
      %gather3A_1117 = vector.shape_cast %broadcast_in_dim3A_1116 : vector<16x1xi32> to vector<16xi32>
      %gather3A_1118 = tpu.dynamic_gather %select_n3A_1109[%gather3A_1117] in [0] : vector<16xi32>, vector<16xi32> -> vector<16xi32>
      %gt3A_1119 = arith.cmpf ogt, %gather3A_1115, %select_n3A_1108 : vector<16xf32>
      %eq3A_1120 = arith.cmpf oeq, %gather3A_1115, %select_n3A_1108 : vector<16xf32>
      %lt3A_1121 = arith.cmpi slt, %gather3A_1118, %select_n3A_1109 : vector<16xi32>
      %and3A_1122 = arith.andi %eq3A_1120, %lt3A_1121 : vector<16xi1>
      %or3A_1123 = arith.ori %gt3A_1119, %and3A_1122 : vector<16xi1>
      %select_n3A_1124 = arith.select %or3A_1123, %gather3A_1115, %select_n3A_1108 : vector<16xi1>, vector<16xf32>
      %select_n3A_1125 = arith.select %or3A_1123, %gather3A_1118, %select_n3A_1109 : vector<16xi1>, vector<16xi32>
      %eq3A_1126 = arith.constant 7 : i32
      %eq3A_1127 = vector.broadcast %eq3A_1126 : i32 to vector<16xi32>
      %eq3A_1128 = arith.cmpi eq, %iota3A, %eq3A_1127 : vector<16xi32>
      %select_n3A_1129 = arith.select %eq3A_1128, %select_n3A_1125, %select_n3A_1061 : vector<16xi1>, vector<16xi32>
      %swap3A_1130 = arith.constant 0 : index
      %swap3A_1131 = tpu.vector_load %arg11[%swap3A_1130] {strides = array<i32>} : memref<16xi32, #tpu.memory_space<vmem>>, vector<16xi32>,
      %swap3A_1132 = vector.shape_cast %swap3A_1131 : vector<16xi32> to vector<16xi32>
      %swap3A_1133 = vector.shape_cast %select_n3A_1129 : vector<16xi32> to vector<16xi32>
      tpu.vector_store %arg11[%swap3A_1130], %swap3A_1133 {strides = array<i32>} : memref<16xi32, #tpu.memory_space<vmem>>, vector<16xi32>,
      %eq3A_1134 = arith.constant 0 : i32
      %eq3A_1135 = arith.cmpi eq, %arg0, %eq3A_1134 : i32
      %convert_element_type3A_1136 = arith.extui %eq3A_1135 : i1 to i32
      %cond3A_1137 = arith.constant 0 : i32
      %cond3A_1138 = arith.cmpi ne, %convert_element_type3A_1136, %cond3A_1137 : i32
      scf.if %cond3A_1138 {
        "tpu.region"() ({
          %run_scoped3A = tpu.sem_alloc : memref<!tpu.dma_semaphore, #tpu.memory_space<semaphore_mem>>
          %dma_start3A_1144 = arith.constant 0 : i32
          %dma_start3A_1145 = tpu.memref_slice %arg11[%dma_start3A_1144] : memref<16xi32, #tpu.memory_space<vmem>> -> memref<8xi32, #tpu.memory_space<vmem>>
          %dma_start3A_1146 = tpu.memref_slice %arg3[%mul3A_29] : memref<32xi32, #tpu.memory_space<hbm>> -> memref<8xi32, #tpu.memory_space<hbm>>
          %dma_start3A_1147 = tpu.memref_slice %arg3[%mul3A_29] : memref<32xi32, #tpu.memory_space<hbm>> -> memref<8xi32, #tpu.memory_space<hbm>>
          %dma_start3A_1148 = arith.constant 0 : i32
          %dma_start3A_1149 = tpu.memref_slice %arg11[%dma_start3A_1148] : memref<16xi32, #tpu.memory_space<vmem>> -> memref<8xi32, #tpu.memory_space<vmem>>
          tpu.enqueue_dma source(%dma_start3A_1149 : memref<8xi32, #tpu.memory_space<vmem>>) target(%dma_start3A_1147 : memref<8xi32, #tpu.memory_space<hbm>>) target_semaphore(%run_scoped3A : memref<!tpu.dma_semaphore, #tpu.memory_space<semaphore_mem>>)
          %dma_wait3A_1150 = arith.constant 0 : i32
          %dma_wait3A_1151 = tpu.memref_slice %arg11[%dma_wait3A_1150] : memref<16xi32, #tpu.memory_space<vmem>> -> memref<8xi32, #tpu.memory_space<vmem>>
          %dma_wait3A_1152 = tpu.memref_slice %arg3[%mul3A_29] : memref<32xi32, #tpu.memory_space<hbm>> -> memref<8xi32, #tpu.memory_space<hbm>>
          %dma_wait3A_1153 = tpu.memref_slice %arg3[%mul3A_29] : memref<32xi32, #tpu.memory_space<hbm>> -> memref<8xi32, #tpu.memory_space<hbm>>
          %dma_wait3A_1154 = arith.constant 0 : i32
          %dma_wait3A_1155 = tpu.memref_slice %arg11[%dma_wait3A_1154] : memref<16xi32, #tpu.memory_space<vmem>> -> memref<8xi32, #tpu.memory_space<vmem>>
          tpu.wait_dma2 semaphore(%run_scoped3A : memref<!tpu.dma_semaphore, #tpu.memory_space<semaphore_mem>>) src(%dma_wait3A_1155 : memref<8xi32, #tpu.memory_space<vmem>>) dst(%dma_wait3A_1153 : memref<8xi32, #tpu.memory_space<hbm>>)
          tpu.yield
        }) : () -> ()
      } else {
      }
      %eq3A_1139 = arith.constant 1 : i32
      %eq3A_1140 = arith.cmpi eq, %arg0, %eq3A_1139 : i32
      %convert_element_type3A_1141 = arith.extui %eq3A_1140 : i1 to i32
      %cond3A_1142 = arith.constant 0 : i32
      %cond3A_1143 = arith.cmpi ne, %convert_element_type3A_1141, %cond3A_1142 : i32
      scf.if %cond3A_1143 {
        "tpu.region"() ({
          %run_scoped3A = tpu.sem_alloc : memref<!tpu.dma_semaphore, #tpu.memory_space<semaphore_mem>>
          %dma_start3A_1144 = arith.constant 0 : i32
          %dma_start3A_1145 = tpu.memref_slice %arg11[%dma_start3A_1144] : memref<16xi32, #tpu.memory_space<vmem>> -> memref<8xi32, #tpu.memory_space<vmem>>
          %dma_start3A_1146 = tpu.memref_slice %arg4[%mul3A_29] : memref<32xi32, #tpu.memory_space<hbm>> -> memref<8xi32, #tpu.memory_space<hbm>>
          %dma_start3A_1147 = tpu.memref_slice %arg4[%mul3A_29] : memref<32xi32, #tpu.memory_space<hbm>> -> memref<8xi32, #tpu.memory_space<hbm>>
          %dma_start3A_1148 = arith.constant 0 : i32
          %dma_start3A_1149 = tpu.memref_slice %arg11[%dma_start3A_1148] : memref<16xi32, #tpu.memory_space<vmem>> -> memref<8xi32, #tpu.memory_space<vmem>>
          tpu.enqueue_dma source(%dma_start3A_1149 : memref<8xi32, #tpu.memory_space<vmem>>) target(%dma_start3A_1147 : memref<8xi32, #tpu.memory_space<hbm>>) target_semaphore(%run_scoped3A : memref<!tpu.dma_semaphore, #tpu.memory_space<semaphore_mem>>)
          %dma_wait3A_1150 = arith.constant 0 : i32
          %dma_wait3A_1151 = tpu.memref_slice %arg11[%dma_wait3A_1150] : memref<16xi32, #tpu.memory_space<vmem>> -> memref<8xi32, #tpu.memory_space<vmem>>
          %dma_wait3A_1152 = tpu.memref_slice %arg4[%mul3A_29] : memref<32xi32, #tpu.memory_space<hbm>> -> memref<8xi32, #tpu.memory_space<hbm>>
          %dma_wait3A_1153 = tpu.memref_slice %arg4[%mul3A_29] : memref<32xi32, #tpu.memory_space<hbm>> -> memref<8xi32, #tpu.memory_space<hbm>>
          %dma_wait3A_1154 = arith.constant 0 : i32
          %dma_wait3A_1155 = tpu.memref_slice %arg11[%dma_wait3A_1154] : memref<16xi32, #tpu.memory_space<vmem>> -> memref<8xi32, #tpu.memory_space<vmem>>
          tpu.wait_dma2 semaphore(%run_scoped3A : memref<!tpu.dma_semaphore, #tpu.memory_space<semaphore_mem>>) src(%dma_wait3A_1155 : memref<8xi32, #tpu.memory_space<vmem>>) dst(%dma_wait3A_1153 : memref<8xi32, #tpu.memory_space<hbm>>)
          tpu.yield
        }) : () -> ()
      } else {
      }
    } else {
    }
    return
  }
}

module attributes {stable_mosaic.version = 14 : i64} {
  func.func @_tc_kernel(%arg0: i32, %arg1: i32, %arg2: memref<32x32768xf32, #tpu.memory_space<vmem>>, %arg3: memref<1x1x1x32xi32, #tpu.memory_space<vmem>>) attributes {dimension_semantics = [#tpu.dimension_semantics<arbitrary>, #tpu.dimension_semantics<arbitrary>], iteration_bounds = array<i64: 2, 3>, scalar_prefetch = 0 : i64, scratch_operands = 0 : i64, tpu.core_type = #tpu.core_type<tc>, window_params = [{transform_indices = @transform_0, window_bounds = array<i64: 32, 32768>}, {transform_indices = @transform_1, window_bounds = array<i64: 1, 1, 1, 32>}]} {
    %iota3A = tpu.iota {dimensions = array<i32: 1>} : vector<32x128xi32>
    %broadcast_in_dim3A = arith.constant 0xFF800000 : f32
    %broadcast_in_dim3A_0 = vector.broadcast %broadcast_in_dim3A : f32 to vector<32x128xf32>
    %broadcast_in_dim3A_1 = arith.constant 0 : i32
    %broadcast_in_dim3A_2 = vector.broadcast %broadcast_in_dim3A_1 : i32 to vector<32x128xi32>
    %scan3A = arith.constant 0 : i32
    %scan3A_3 = arith.constant 32 : i32
    %scan3A_4 = arith.addi %scan3A, %scan3A_3 : i32
    %scan3A_5 = arith.constant 1 : i32
    %scan3A_6:8 = scf.for %scan3A_34 = %scan3A to %scan3A_4 step %scan3A_5 iter_args(%scan3A_35 = %broadcast_in_dim3A_0, %scan3A_36 = %broadcast_in_dim3A_0, %scan3A_37 = %broadcast_in_dim3A_0, %scan3A_38 = %broadcast_in_dim3A_0, %scan3A_39 = %broadcast_in_dim3A_2, %scan3A_40 = %broadcast_in_dim3A_2, %scan3A_41 = %broadcast_in_dim3A_2, %scan3A_42 = %broadcast_in_dim3A_2) -> (vector<32x128xf32>, vector<32x128xf32>, vector<32x128xf32>, vector<32x128xf32>, vector<32x128xi32>, vector<32x128xi32>, vector<32x128xi32>, vector<32x128xi32>)  : i32 {
      %mul3A = arith.constant 8 : i32
      %mul3A_43 = arith.muli %scan3A_34, %mul3A : i32
      %add3A = arith.constant 0 : i32
      %add3A_44 = arith.addi %mul3A_43, %add3A : i32
      %mul3A_45 = arith.constant 128 : i32
      %mul3A_46 = arith.muli %add3A_44, %mul3A_45 : i32
      %get3A = arith.constant 0 : index
      %get3A_47 = arith.index_cast %mul3A_46 : i32 to index
      %get3A_48 = vector.load %arg2[%get3A, %get3A_47] : memref<32x32768xf32, #tpu.memory_space<vmem>>, vector<32x128xf32>
      %mul3A_49 = arith.constant 128 : i32
      %mul3A_50 = arith.muli %add3A_44, %mul3A_49 : i32
      %add3A_51 = vector.broadcast %mul3A_50 : i32 to vector<32x128xi32>
      %add3A_52 = arith.addi %iota3A, %add3A_51 : vector<32x128xi32>
      %gt3A_53 = arith.cmpf ogt, %get3A_48, %scan3A_35 : vector<32x128xf32>
      %select_n3A_54 = arith.select %gt3A_53, %get3A_48, %scan3A_35 : vector<32x128xi1>, vector<32x128xf32>
      %select_n3A_55 = arith.select %gt3A_53, %add3A_52, %scan3A_39 : vector<32x128xi1>, vector<32x128xi32>
      %mul3A_56 = arith.constant 8 : i32
      %mul3A_57 = arith.muli %scan3A_34, %mul3A_56 : i32
      %add3A_58 = arith.constant 1 : i32
      %add3A_59 = arith.addi %mul3A_57, %add3A_58 : i32
      %mul3A_60 = arith.constant 128 : i32
      %mul3A_61 = arith.muli %add3A_59, %mul3A_60 : i32
      %get3A_62 = arith.constant 0 : index
      %get3A_63 = arith.index_cast %mul3A_61 : i32 to index
      %get3A_64 = vector.load %arg2[%get3A_62, %get3A_63] : memref<32x32768xf32, #tpu.memory_space<vmem>>, vector<32x128xf32>
      %mul3A_65 = arith.constant 128 : i32
      %mul3A_66 = arith.muli %add3A_59, %mul3A_65 : i32
      %add3A_67 = vector.broadcast %mul3A_66 : i32 to vector<32x128xi32>
      %add3A_68 = arith.addi %iota3A, %add3A_67 : vector<32x128xi32>
      %gt3A_69 = arith.cmpf ogt, %get3A_64, %scan3A_36 : vector<32x128xf32>
      %select_n3A_70 = arith.select %gt3A_69, %get3A_64, %scan3A_36 : vector<32x128xi1>, vector<32x128xf32>
      %select_n3A_71 = arith.select %gt3A_69, %add3A_68, %scan3A_40 : vector<32x128xi1>, vector<32x128xi32>
      %mul3A_72 = arith.constant 8 : i32
      %mul3A_73 = arith.muli %scan3A_34, %mul3A_72 : i32
      %add3A_74 = arith.constant 2 : i32
      %add3A_75 = arith.addi %mul3A_73, %add3A_74 : i32
      %mul3A_76 = arith.constant 128 : i32
      %mul3A_77 = arith.muli %add3A_75, %mul3A_76 : i32
      %get3A_78 = arith.constant 0 : index
      %get3A_79 = arith.index_cast %mul3A_77 : i32 to index
      %get3A_80 = vector.load %arg2[%get3A_78, %get3A_79] : memref<32x32768xf32, #tpu.memory_space<vmem>>, vector<32x128xf32>
      %mul3A_81 = arith.constant 128 : i32
      %mul3A_82 = arith.muli %add3A_75, %mul3A_81 : i32
      %add3A_83 = vector.broadcast %mul3A_82 : i32 to vector<32x128xi32>
      %add3A_84 = arith.addi %iota3A, %add3A_83 : vector<32x128xi32>
      %gt3A_85 = arith.cmpf ogt, %get3A_80, %scan3A_37 : vector<32x128xf32>
      %select_n3A_86 = arith.select %gt3A_85, %get3A_80, %scan3A_37 : vector<32x128xi1>, vector<32x128xf32>
      %select_n3A_87 = arith.select %gt3A_85, %add3A_84, %scan3A_41 : vector<32x128xi1>, vector<32x128xi32>
      %mul3A_88 = arith.constant 8 : i32
      %mul3A_89 = arith.muli %scan3A_34, %mul3A_88 : i32
      %add3A_90 = arith.constant 3 : i32
      %add3A_91 = arith.addi %mul3A_89, %add3A_90 : i32
      %mul3A_92 = arith.constant 128 : i32
      %mul3A_93 = arith.muli %add3A_91, %mul3A_92 : i32
      %get3A_94 = arith.constant 0 : index
      %get3A_95 = arith.index_cast %mul3A_93 : i32 to index
      %get3A_96 = vector.load %arg2[%get3A_94, %get3A_95] : memref<32x32768xf32, #tpu.memory_space<vmem>>, vector<32x128xf32>
      %mul3A_97 = arith.constant 128 : i32
      %mul3A_98 = arith.muli %add3A_91, %mul3A_97 : i32
      %add3A_99 = vector.broadcast %mul3A_98 : i32 to vector<32x128xi32>
      %add3A_100 = arith.addi %iota3A, %add3A_99 : vector<32x128xi32>
      %gt3A_101 = arith.cmpf ogt, %get3A_96, %scan3A_38 : vector<32x128xf32>
      %select_n3A_102 = arith.select %gt3A_101, %get3A_96, %scan3A_38 : vector<32x128xi1>, vector<32x128xf32>
      %select_n3A_103 = arith.select %gt3A_101, %add3A_100, %scan3A_42 : vector<32x128xi1>, vector<32x128xi32>
      %mul3A_104 = arith.constant 8 : i32
      %mul3A_105 = arith.muli %scan3A_34, %mul3A_104 : i32
      %add3A_106 = arith.constant 4 : i32
      %add3A_107 = arith.addi %mul3A_105, %add3A_106 : i32
      %mul3A_108 = arith.constant 128 : i32
      %mul3A_109 = arith.muli %add3A_107, %mul3A_108 : i32
      %get3A_110 = arith.constant 0 : index
      %get3A_111 = arith.index_cast %mul3A_109 : i32 to index
      %get3A_112 = vector.load %arg2[%get3A_110, %get3A_111] : memref<32x32768xf32, #tpu.memory_space<vmem>>, vector<32x128xf32>
      %mul3A_113 = arith.constant 128 : i32
      %mul3A_114 = arith.muli %add3A_107, %mul3A_113 : i32
      %add3A_115 = vector.broadcast %mul3A_114 : i32 to vector<32x128xi32>
      %add3A_116 = arith.addi %iota3A, %add3A_115 : vector<32x128xi32>
      %gt3A_117 = arith.cmpf ogt, %get3A_112, %select_n3A_54 : vector<32x128xf32>
      %select_n3A_118 = arith.select %gt3A_117, %get3A_112, %select_n3A_54 : vector<32x128xi1>, vector<32x128xf32>
      %select_n3A_119 = arith.select %gt3A_117, %add3A_116, %select_n3A_55 : vector<32x128xi1>, vector<32x128xi32>
      %mul3A_120 = arith.constant 8 : i32
      %mul3A_121 = arith.muli %scan3A_34, %mul3A_120 : i32
      %add3A_122 = arith.constant 5 : i32
      %add3A_123 = arith.addi %mul3A_121, %add3A_122 : i32
      %mul3A_124 = arith.constant 128 : i32
      %mul3A_125 = arith.muli %add3A_123, %mul3A_124 : i32
      %get3A_126 = arith.constant 0 : index
      %get3A_127 = arith.index_cast %mul3A_125 : i32 to index
      %get3A_128 = vector.load %arg2[%get3A_126, %get3A_127] : memref<32x32768xf32, #tpu.memory_space<vmem>>, vector<32x128xf32>
      %mul3A_129 = arith.constant 128 : i32
      %mul3A_130 = arith.muli %add3A_123, %mul3A_129 : i32
      %add3A_131 = vector.broadcast %mul3A_130 : i32 to vector<32x128xi32>
      %add3A_132 = arith.addi %iota3A, %add3A_131 : vector<32x128xi32>
      %gt3A_133 = arith.cmpf ogt, %get3A_128, %select_n3A_70 : vector<32x128xf32>
      %select_n3A_134 = arith.select %gt3A_133, %get3A_128, %select_n3A_70 : vector<32x128xi1>, vector<32x128xf32>
      %select_n3A_135 = arith.select %gt3A_133, %add3A_132, %select_n3A_71 : vector<32x128xi1>, vector<32x128xi32>
      %mul3A_136 = arith.constant 8 : i32
      %mul3A_137 = arith.muli %scan3A_34, %mul3A_136 : i32
      %add3A_138 = arith.constant 6 : i32
      %add3A_139 = arith.addi %mul3A_137, %add3A_138 : i32
      %mul3A_140 = arith.constant 128 : i32
      %mul3A_141 = arith.muli %add3A_139, %mul3A_140 : i32
      %get3A_142 = arith.constant 0 : index
      %get3A_143 = arith.index_cast %mul3A_141 : i32 to index
      %get3A_144 = vector.load %arg2[%get3A_142, %get3A_143] : memref<32x32768xf32, #tpu.memory_space<vmem>>, vector<32x128xf32>
      %mul3A_145 = arith.constant 128 : i32
      %mul3A_146 = arith.muli %add3A_139, %mul3A_145 : i32
      %add3A_147 = vector.broadcast %mul3A_146 : i32 to vector<32x128xi32>
      %add3A_148 = arith.addi %iota3A, %add3A_147 : vector<32x128xi32>
      %gt3A_149 = arith.cmpf ogt, %get3A_144, %select_n3A_86 : vector<32x128xf32>
      %select_n3A_150 = arith.select %gt3A_149, %get3A_144, %select_n3A_86 : vector<32x128xi1>, vector<32x128xf32>
      %select_n3A_151 = arith.select %gt3A_149, %add3A_148, %select_n3A_87 : vector<32x128xi1>, vector<32x128xi32>
      %mul3A_152 = arith.constant 8 : i32
      %mul3A_153 = arith.muli %scan3A_34, %mul3A_152 : i32
      %add3A_154 = arith.constant 7 : i32
      %add3A_155 = arith.addi %mul3A_153, %add3A_154 : i32
      %mul3A_156 = arith.constant 128 : i32
      %mul3A_157 = arith.muli %add3A_155, %mul3A_156 : i32
      %get3A_158 = arith.constant 0 : index
      %get3A_159 = arith.index_cast %mul3A_157 : i32 to index
      %get3A_160 = vector.load %arg2[%get3A_158, %get3A_159] : memref<32x32768xf32, #tpu.memory_space<vmem>>, vector<32x128xf32>
      %mul3A_161 = arith.constant 128 : i32
      %mul3A_162 = arith.muli %add3A_155, %mul3A_161 : i32
      %add3A_163 = vector.broadcast %mul3A_162 : i32 to vector<32x128xi32>
      %add3A_164 = arith.addi %iota3A, %add3A_163 : vector<32x128xi32>
      %gt3A_165 = arith.cmpf ogt, %get3A_160, %select_n3A_102 : vector<32x128xf32>
      %select_n3A_166 = arith.select %gt3A_165, %get3A_160, %select_n3A_102 : vector<32x128xi1>, vector<32x128xf32>
      %select_n3A_167 = arith.select %gt3A_165, %add3A_164, %select_n3A_103 : vector<32x128xi1>, vector<32x128xi32>
      scf.yield %select_n3A_118, %select_n3A_134, %select_n3A_150, %select_n3A_166, %select_n3A_119, %select_n3A_135, %select_n3A_151, %select_n3A_167 : vector<32x128xf32>, vector<32x128xf32>, vector<32x128xf32>, vector<32x128xf32>, vector<32x128xi32>, vector<32x128xi32>, vector<32x128xi32>, vector<32x128xi32>
    }
    %scan3A_7 = arith.constant 32 : i32
    %gt3A = arith.cmpf ogt, %scan3A_6#1, %scan3A_6#0 : vector<32x128xf32>
    %eq3A = arith.cmpf oeq, %scan3A_6#1, %scan3A_6#0 : vector<32x128xf32>
    %lt3A = arith.cmpi slt, %scan3A_6#5, %scan3A_6#4 : vector<32x128xi32>
    %and3A = arith.andi %eq3A, %lt3A : vector<32x128xi1>
    %or3A = arith.ori %gt3A, %and3A : vector<32x128xi1>
    %select_n3A = arith.select %or3A, %scan3A_6#1, %scan3A_6#0 : vector<32x128xi1>, vector<32x128xf32>
    %select_n3A_8 = arith.select %or3A, %scan3A_6#5, %scan3A_6#4 : vector<32x128xi1>, vector<32x128xi32>
    %gt3A_9 = arith.cmpf ogt, %scan3A_6#2, %select_n3A : vector<32x128xf32>
    %eq3A_10 = arith.cmpf oeq, %scan3A_6#2, %select_n3A : vector<32x128xf32>
    %lt3A_11 = arith.cmpi slt, %scan3A_6#6, %select_n3A_8 : vector<32x128xi32>
    %and3A_12 = arith.andi %eq3A_10, %lt3A_11 : vector<32x128xi1>
    %or3A_13 = arith.ori %gt3A_9, %and3A_12 : vector<32x128xi1>
    %select_n3A_14 = arith.select %or3A_13, %scan3A_6#2, %select_n3A : vector<32x128xi1>, vector<32x128xf32>
    %select_n3A_15 = arith.select %or3A_13, %scan3A_6#6, %select_n3A_8 : vector<32x128xi1>, vector<32x128xi32>
    %gt3A_16 = arith.cmpf ogt, %scan3A_6#3, %select_n3A_14 : vector<32x128xf32>
    %eq3A_17 = arith.cmpf oeq, %scan3A_6#3, %select_n3A_14 : vector<32x128xf32>
    %lt3A_18 = arith.cmpi slt, %scan3A_6#7, %select_n3A_15 : vector<32x128xi32>
    %and3A_19 = arith.andi %eq3A_17, %lt3A_18 : vector<32x128xi1>
    %or3A_20 = arith.ori %gt3A_16, %and3A_19 : vector<32x128xi1>
    %select_n3A_21 = arith.select %or3A_20, %scan3A_6#3, %select_n3A_14 : vector<32x128xi1>, vector<32x128xf32>
    %select_n3A_22 = arith.select %or3A_20, %scan3A_6#7, %select_n3A_15 : vector<32x128xi1>, vector<32x128xi32>
    %reduce_max3A = arith.constant dense<0xFF800000> : vector<32xf32>
    %reduce_max3A_23 = vector.multi_reduction <maximumf>, %select_n3A_21, %reduce_max3A [1] : vector<32x128xf32> to vector<32xf32>
    %broadcast_in_dim3A_24 = vector.shape_cast %reduce_max3A_23 : vector<32xf32> to vector<32x1xf32>
    %eq3A_25 = vector.broadcast %broadcast_in_dim3A_24 : vector<32x1xf32> to vector<32x128xf32>
    %eq3A_26 = arith.cmpf oeq, %select_n3A_21, %eq3A_25 : vector<32x128xf32>
    %jit3A = arith.constant 2147483647 : i32
    %broadcast_in_dim3A_27 = vector.broadcast %jit3A : i32 to vector<32x128xi32>
    %select_n3A_28 = arith.select %eq3A_26, %select_n3A_22, %broadcast_in_dim3A_27 : vector<32x128xi1>, vector<32x128xi32>
    %reduce_min3A = arith.constant dense<2147483647> : vector<32xi32>
    %reduce_min3A_29 = vector.multi_reduction <minsi>, %select_n3A_28, %reduce_min3A [1] : vector<32x128xi32> to vector<32xi32>
    %reshape3A = vector.shape_cast %reduce_min3A_29 : vector<32xi32> to vector<1x1x1x32xi32>
    %swap3A = arith.constant 0 : index
    %swap3A_30 = arith.constant 0 : index
    %swap3A_31 = arith.constant 0 : index
    %swap3A_32 = arith.constant 0 : index
    %swap3A_33 = vector.load %arg3[%swap3A, %swap3A_30, %swap3A_31, %swap3A_32] : memref<1x1x1x32xi32, #tpu.memory_space<vmem>>, vector<1x1x1x32xi32>
    tpu.vector_store %arg3[%swap3A, %swap3A_30, %swap3A_31, %swap3A_32], %reshape3A {strides = array<i32>} : memref<1x1x1x32xi32, #tpu.memory_space<vmem>>, vector<1x1x1x32xi32>,
    return
  }
  func.func @transform_0(%arg0: i32, %arg1: i32) -> (i32, i32) {
    %add3A = arith.constant 1 : i32
    %add3A_0 = arith.addi %arg1, %add3A : i32
    %c0_i32 = arith.constant 0 : i32
    return %add3A_0, %arg0 : i32, i32
  }
  func.func @transform_1(%arg0: i32, %arg1: i32) -> (i32, i32, i32, i32) {
    %c0_i32 = arith.constant 0 : i32
    %c0_i32_0 = arith.constant 0 : i32
    %c0_i32_1 = arith.constant 0 : i32
    return %arg0, %arg1, %c0_i32, %c0_i32_0 : i32, i32, i32, i32
  }
}

</mosaic_0001>

<sc_bundles>
// kernel: _argmax_halves.4.cloned.1.call-start
scs
__scs_entry_jumppad:
0x0: {  	(pc) =	sbr.rel $0x88, $3  }
0x1: {  	(tag) =	ssettag $0x0;
	lr =	simm.s32 $0x1  }
0x2: {  	[smem:$0x3FA0] =	sst lr;
	_ =	strace $0xD0000000  }
0x3: {  	_ = 	snop  }
0x4: {  	_ = 	snop  }
0x5: {  	_ = 	snop  }
0x6: {  	_ = 	snop  }
0x7: {  	_ = 	snop  }
__scs_overlays_trampoline_lowered:
0x8: {  	[smem:$0x3FAF] =	sst s0  }
0x9: {  	[smem:$0x3FB0] =	sst s1  }
0xa: {  	[smem:$0x3FB1] =	sst s2  }
0xb: {  	[smem:$0x3FB2] =	sst s3  }
0xc: {  	[smem:$0x3FB3] =	sst s4  }
0xd: {  	[smem:$0x3FB4] =	sst s5  }
0xe: {  	[smem:$0x3FB5] =	sst s6  }
0xf: {  	[smem:$0x3FB6] =	sst s7  }
0x10: {  	[smem:$0x3FB7] =	sst s8  }
0x11: {  	[smem:$0x3FB8] =	sst s9;
	s0 =	simm.s32 @!p0 $0x0  }
0x12: {  	s1 =	sld [smem:$0x3F9E];
	s0 =	simm.s32 @p0 $0x1  }
0x13: {  	[smem:$0x3FB9] =	sst s0;
	s0 =	simm.s32 @!p1 $0x0  }
0x14: {  	s2 =	sld [smem:$0x3F9D];
	s0 =	simm.s32 @p1 $0x1  }
0x15: {  	[smem:$0x3FBA] =	sst s0;
	s0 =	simm.s32 @!p2 $0x0  }
0x16: {  	s3 =	sld [smem:$0x3FDB];
	s0 =	simm.s32 @p2 $0x1  }
0x17: {  	s4 =	simm.s32 $0x1BF5;
	[smem:$0x3FBC] =	sst s0  }
0x18: {  	s0 =	sld [smem:$0x3F9F];
	_ =	swait.ge [sflag:s4], $0x0  }
0x19: {  	s7 =	sld [smem:$0x3FA0]  }
0x1a: {  	s8 =	sadd.s32 $0xFFFFE003, lr  }
0x1b: {  	s9 =	sadd.s32 $0xFFFFFEF7, lr;
	s5 =	simm.s32 $0xFFFFFFFF;
	p2 =	slt.u32 s8, $0xFFFFF086  }
0x1c: {  	p1 =	slt.u32 s9, $0xF7A;
	s5 =	simm.s32 @!p2 $0x0  }
0x1d: {  	s5 =	simm.s32 @p1 $0x1;
	p0 =	seq.s32 s7, s2  }
0x1e: {  	s7 =	smul.u32 @!p0 $0xF7A, s2;
	p2 =	seq.s32 @!p0 s5, $0x0  }
0x1f: {  	s9 =	smul.u32 $0xF7A, s1;
	s8 =	simm.s32 @!p0 $0x1BF5;
	p2 =	por !p2, p0  }
0x20: {  	[sflag:s8] =	ssyncset.s32 @!p0 $0xFFFFF086;
	s6 =	sadd.s32 @!p0 s3, s7;
	s7 =	simm.s32 @!p0 $0x108  }
0x21: {  	s3 =	sadd.s32 s3, s9;
	s6 =	sadd.s32 @!p0 $0x88, s6;
	s7 =	simm.s32 @p2 $0x1082  }
0x22: {  	[simem:s7], [sflag:s8] =	dma.local @!p0 [hbm:s6], $0xF7A  }
0x23: {  	s9 =	sor.u32 $0xD0000000, s2;
	s6 =	simm.s32 $0x108;
	_ =	swait.ge @!p0 [sflag:s8], $0x0  }
0x24: {  	s3 =	sadd.s32 $0x88, s3;
	s6 =	simm.s32 @!p1 $0x1082;
	[sflag:s4] =	ssyncset.s32 $0xFFFFF086  }
0x25: {  	[simem:s6], [sflag:s4] =	dma.local [hbm:s3], $0xF7A  }
0x26: {  	[smem:$0x3FA0] =	sst s1;
	(tag) =	ssettag s2;
	_ =	strace s9  }
0x27: {  	s1 =	sld [smem:$0x3FB0]  }
0x28: {  	s2 =	sld [smem:$0x3FB1]  }
0x29: {  	s4 =	sld [smem:$0x3FB3]  }
0x2a: {  	p0 =	seq.s32 s5, $0x0;
	s5 =	sld [smem:$0x3FB4]  }
0x2b: {  	s6 =	sld [smem:$0x3FB5]  }
0x2c: {  	s7 =	sld [smem:$0x3FB6]  }
0x2d: {  	s3 =	simm.s32 $0x108;
	s8 =	sld [smem:$0x3FB7]  }
0x2e: {  	s3 =	simm.s32 @!p0 $0x1082;
	s9 =	sld [smem:$0x3FB8]  }
0x2f: {  	lr =	sadd.s32 s0, s3;
	s0 =	sld [smem:$0x3FAF]  }
0x30: {  	s3 =	sld [smem:$0x3FB2]  }
0x31: {  	[smem:$0x3FBB] =	sst s10  }
0x32: {  	s10 =	sld [smem:$0x3FB9];
	_ =	sdelay $0x3  }
0x33: {  	p0 =	seq.s32 s10, $0x1;
	s10 =	sld [smem:$0x3FBB];
	_ =	sdelay $0x3  }
0x34: {  	[smem:$0x3FBB] =	sst s10  }
0x35: {  	s10 =	sld [smem:$0x3FBA];
	_ =	sdelay $0x3  }
0x36: {  	p1 =	seq.s32 s10, $0x1;
	s10 =	sld [smem:$0x3FBB];
	_ =	sdelay $0x3  }
0x37: {  	[smem:$0x3FBB] =	sst s10  }
0x38: {  	s10 =	sld [smem:$0x3FBC]  }
0x39: {  	_ = 	snop;
	(pc) =	sbr.ind lr, $3  }
0x3a: {  	_ = 	snop  }
0x3b: {  	_ = 	snop  }
0x3c: {  	p2 =	seq.s32 s10, $0x1;
	s10 =	sld [smem:$0x3FBB]  }
0x3d: {  	_ =	shalt  }
0x3e: {  	_ =	shalt  }
0x3f: {  	_ =	shalt  }
0x40: {  	_ =	shalt  }
0x41: {  	_ =	shalt  }
0x42: {  	_ =	shalt  }
0x43: {  	_ =	shalt  }
0x44: {  	_ =	shalt  }
0x45: {  	_ =	shalt  }
0x46: {  	_ =	shalt  }
0x47: {  	_ =	shalt  }
0x48: {  	_ =	shalt  }
0x49: {  	_ =	shalt  }
0x4a: {  	_ =	shalt  }
0x4b: {  	_ =	shalt  }
0x4c: {  	_ =	shalt  }
0x4d: {  	_ =	shalt  }
0x4e: {  	_ =	shalt  }
0x4f: {  	_ =	shalt  }
0x50: {  	_ =	shalt  }
0x51: {  	_ =	shalt  }
0x52: {  	_ =	shalt  }
0x53: {  	_ =	shalt  }
0x54: {  	_ =	shalt  }
0x55: {  	_ =	shalt  }
0x56: {  	_ =	shalt  }
0x57: {  	_ =	shalt  }
0x58: {  	_ =	shalt  }
0x59: {  	_ =	shalt  }
0x5a: {  	_ =	shalt  }
0x5b: {  	_ =	shalt  }
0x5c: {  	_ =	shalt  }
0x5d: {  	_ =	shalt  }
0x5e: {  	_ =	shalt  }
0x5f: {  	_ =	shalt  }
0x60: {  	_ =	shalt  }
0x61: {  	_ =	shalt  }
0x62: {  	_ =	shalt  }
0x63: {  	_ =	shalt  }
0x64: {  	_ =	shalt  }
0x65: {  	_ =	shalt  }
0x66: {  	_ =	shalt  }
0x67: {  	_ =	shalt  }
0x68: {  	_ =	shalt  }
0x69: {  	_ =	shalt  }
0x6a: {  	_ =	shalt  }
0x6b: {  	_ =	shalt  }
0x6c: {  	_ =	shalt  }
0x6d: {  	_ =	shalt  }
0x6e: {  	_ =	shalt  }
0x6f: {  	_ =	shalt  }
0x70: {  	_ =	shalt  }
0x71: {  	_ =	shalt  }
0x72: {  	_ =	shalt  }
0x73: {  	_ =	shalt  }
0x74: {  	_ =	shalt  }
0x75: {  	_ =	shalt  }
0x76: {  	_ =	shalt  }
0x77: {  	_ =	shalt  }
0x78: {  	_ =	shalt  }
0x79: {  	_ =	shalt  }
0x7a: {  	_ =	shalt  }
0x7b: {  	_ =	shalt  }
0x7c: {  	_ =	shalt  }
0x7d: {  	_ =	shalt  }
0x7e: {  	_ =	shalt  }
0x7f: {  	_ =	shalt  }
0x80: {  	_ =	shalt  }
0x81: {  	_ =	shalt  }
0x82: {  	_ =	shalt  }
0x83: {  	_ =	shalt  }
0x84: {  	_ =	shalt  }
0x85: {  	_ =	shalt  }
0x86: {  	_ =	shalt  }
0x87: {  	_ =	shalt  }
.Lfunc_end0:
.L_simem_size_0:
called_computation_lowered:
.L_overlay_start_0:
0x88: {  	s2 =	sld [smem:$0x3FD9]  }
0x89: {  	s3 =	sld [smem:$0x3FFE];
	_ =	sdelay $0x1  }
0x8a: {  	s1 =	srdreg.scid  }
0x8b: {  	s0 =	sand.u32 $0x1, s1  }
0x8c: {  	s17 =	sshll.u32 s0, $0xA;
	s2 =	sadd.s32 s3, s2  }
0x8d: {  	s2 =	sadd.s32 s2, s17  }
0x8e: {  	[smem:$0x3FC7] =	sst s2  }
0x8f: {  	_ = 	snop  }
0x90: {  	s2 =	sld [smem:$0x3FC9];
	(tm) =	ssettm $0x1  }
0x91: {  	s18 =	sld [smem:$0x3FFB];
	_ =	sdelay $0x3  }
0x92: {  	_ =	strace s18  }
0x93: {  	s3 =	sld [smem:$0x3FFC];
	_ =	sdelay $0x3  }
0x94: {  	_ =	strace s3  }
0x95: {  	s3 =	sld [smem:$0x3FFD];
	_ =	sdelay $0x3  }
0x96: {  	_ =	strace s3  }
0x97: {  	_ =	strace $0x8FFFFFFF  }
0x98: {  	s19 =	sld [smem:$0x3FDB];
	_ =	sdelay $0x1  }
0x99: {  	s4 =	simm.s32 $_scs_section_size  }
0x9a: {  	s5 =	simm.s32 $_size__tile_overlayer_lowered;
	s6 =	simm.s32 $_tile_overlayer_lowered  }
0x9b: {  	s22 =	simm.s32 $0x1BFF;
	s21 =	sshll.u32 s6, $0x1;
	s3 =	sadd.s32 s4, s19  }
0x9c: {  	s7 =	simm.s32 $0x0;
	s20 =	sshll.u32 s5, $0x1;
	s5 =	sadd.s32 s21, s3  }
0x9d: {  	[timem:s7], [sflag:s22] =	dma.local [hbm:s5], s20  }
0x9e: {  	_ =	swait.ge [sflag:s22], s20  }
0x9f: {  	s4 =	ssub.s32 $0x0, s20;
	[sflag:s22] =	ssyncset.done $0x0  }
0xa0: {  	[sflag:s22] =	ssyncadd.s32 s4;
	_ =	sdelay $0x1  }
0xa1: {  	s23 =	simm.s32 $0x1B8B  }
0xa2: {  	_ =	swait.ge [sflag:s23], $0x1  }
0xa3: {  	[sflag:s23] =	ssyncset.done $0x0  }
0xa4: {  	s25 =	simm.s32 $0x1B8E;
	s24 =	sld [smem:$0x3FFE];
	[sflag:s23] =	ssyncadd.s32 $0xFFFFFFFF  }
0xa5: {  	s26 =	simm.s32 $execute0_lowered;
	[smem:$0x3FD2] =	sst s25  }
0xa6: {  	s5 =	sshll.u32 s26, $0x1;
	_ =	strace $0x80000046;
	[dreg:$0x1] =	wrdreg $0xFFFFFFFF  }
0xa7: {  	s28 =	simm.s32 $_size_execute0_lowered;
	s3 =	sadd.s32 s3, s5;
	[dreg:$0x0] =	wrdreg $0x0  }
0xa8: {  	s5 =	sshll.u32 s28, $0x1;
	[dreg:$0x2] =	wrdreg s3  }
0xa9: {  	[dreg:$0x3] =	wrdreg s5  }
0xaa: {  	[dreg:$0x4] =	wrdreg $0xC0  }
0xab: {  	_ =	task [dreg:s7], $0x5FFFF  }
0xac: {  	[dreg:$0x1] =	wrdreg $0xFFFFFFFF  }
0xad: {  	[dreg:$0x0] =	wrdreg $0x60  }
0xae: {  	[dreg:$0x2] =	wrdreg s2  }
0xaf: {  	[dreg:$0x3] =	wrdreg s24  }
0xb0: {  	[dreg:$0x4] =	wrdreg $0x81800  }
0xb1: {  	[dreg:$0x5] =	wrdreg $0x82000  }
0xb2: {  	[dreg:$0x6] =	wrdreg $0x9  }
0xb3: {  	_ =	task.clear_ibuf [dreg:s7], $0x7FFFF;
	_ =	strace $0x90000046  }
0xb4: {  	s29 =	simm.s32 $0x9;
	_ =	strace $0x80000048  }
0xb5: {  	_ =	swait.ge [sflag:s29], $0x1  }
0xb6: {  	[sflag:s29] =	ssyncadd.s32 $0xFFFFFFFF  }
0xb7: {  	_ =	strace $0x90000048  }
0xb8: {  	_ =	sfence  }
0xb9: {  	s30 =	sld [smem:$0x0];
	_ =	sdelay $0x2  }
0xba: {  	s31 =	sshll.u32 s1, $0xD;
	s1 =	sshrl.u32 s1, $0x2  }
0xbb: {  	s3 =	sand.u32 $0x4000, s31;
	s1 =	sadd.s32 s1, s30  }
0xbc: {  	s0 =	sor.u32 s3, s0;
	s1 =	sshll.u32 s1, $0x11  }
0xbd: {  	s0 =	sor.u32 s1, s0  }
0xbe: {  	s0 =	sadd.s32 $0x8F2B, s0  }
0xbf: {  	[sflag:s0] =	ssyncadd.remote.s32 $0x1  }
0xc0: {  	_ =	sfence.sel $0xFFFF  }
0xc1: {  	[dreg:$0x0] =	wrdreg $0xFFFFFFFF;
	(pc) =	sbr.abs _section_cstart, $3  }
0xc2: {  	[dreg:$0x1] =	wrdreg $0xFFFFFFFF  }
0xc3: {  	_ =	task.clear_ibuf [dreg:s7], $0x2FFFF;
	_ =	strace $0x9FFFFFFF  }
0xc4: {  	(tm) =	ssettm $0x7FFFFFFF  }
0xc5: {  	_ =	shalt  }
tec
execute0_lowered:
.L_overlay_start_1:
0x0: {  	(tag) =	ssettag $0x1  }
0x1: {  	s4 =	rddreg [dreg:$0x0]  }
0x2: {  	s0 =	rddreg [dreg:$0x1]  }
0x3: {  	s5 =	rddreg [dreg:$0x2]  }
0x4: {  	s6 =	rddreg [dreg:$0x3];
	s2 =	simm.s32 $0x0  }
0x5: {  	s1 =	srdreg.scid;
	s16 =	stileid.u32;
	s30 =	simm.s32 $0x2000  }
0x6: {  	s31 =	simm.s32 $0x4000;
	[smem:$0x7FF] =	sst s2;
	s7 =	sand.u32 $0x1, s1  }
0x7: {  	s1 =	sand.u32 $0x3, s16;
	s8 =	sshrl.u32 s16, $0x2;
	s14 =	sadd.s32 $0x200, s0  }
0x8: {  	s16 =	sshll.u32 s16, $0x7;
	s9 =	sshll.u32 s7, $0xF;
	s3 =	sshll.u32 s1, $0xD  }
0x9: {  	s10 =	ssub.s32 $0x2, s7;
	s25 =	sshll.u32 s8, $0x10;
	_ =	strace $0x80000047  }
0xa: {  	s21 =	sor.u32 $0x80, s16;
	s23 =	sor.u32 $0x100, s16;
	p0 =	seq.s32 s7, $0x1  }
0xb: {  	s11 =	sor.u32 s9, s3;
	s12 =	sshrl.u32 s10, $0x1;
	s22 =	sadd.s32 s21, s5  }
0xc: {  	s24 =	sadd.s32 s23, s5;
	s0 =	smov.u32 @p0 s14;
	p0 =	sne.s32 s1, $0x0  }
0xd: {  	s28 =	sor.u32 $0x1800, s3;
	s29 =	sor.u32 $0x1C00, s3;
	s1 =	simm.s32 $0x1  }
0xe: {  	s14 =	simm.s32 $0x2;
	s13 =	sor.u32 s11, s25;
	[dreg:$0xb] =	wrdreg s22  }
0xf: {  	v0 =	vimm.s32 $0xFEDCBA98;
	s15 =	ssub.s32 s10, s12;
	[dreg:$0xd] =	wrdreg s24;
	s0 =	sadd.s32 s0, s8  }
0x10: {  	v1 =	vimm.s32 $0x76543210;
	v2 =	vimm.s32 $0xBA98FEDC;
	s22 =	sor.u32 $0x400, s3;
	s24 =	sor.u32 $0xC00, s3;
	s26 =	sadd.s32 s13, s4  }
0x11: {  	v3 =	vimm.s32 $0x32107654;
	v4 =	vimm.s32 $0xDCFE98BA;
	s4 =	sadd.s32 s4, s25;
	[dreg:$0x11] =	wrdreg s0;
	s12 =	sadd.s32 $0x400, s26  }
0x12: {  	v5 =	vimm.s32 $0x54761032;
	v6 =	vimm.s32 $0xEFCDAB89;
	s0 =	simm.s32 $0x6000;
	s13 =	sadd.s32 $0x800, s26;
	[dreg:$0x5] =	wrdreg s12  }
0x13: {  	v7 =	vimm.s32 $0x67452301;
	vm0 =	vcmask $0x320;
	vm1 =	vcmask $0x720;
	s17 =	sadd.s32 $0xC00, s26;
	s18 =	sadd.s32 $0x1000, s26;
	[dreg:$0x6] =	wrdreg s13  }
0x14: {  	vm2 =	vcmask $0xB20;
	vm3 =	vcmask $0xF20;
	vm4 =	vcmask $0x1320;
	s19 =	sadd.s32 $0x1400, s26;
	s20 =	sadd.s32 $0x1800, s26;
	[dreg:$0x7] =	wrdreg s17  }
0x15: {  	v0 =	vunpack.c.l.s4.s8 v0;
	v1 =	vunpack.c.l.s4.s8 v1;
	v2 =	vunpack.c.l.s4.s8 v2;
	s10 =	sadd.s32 $0x1C00, s26;
	s11 =	sadd.s32 s11, s4;
	[dreg:$0x8] =	wrdreg s18  }
0x16: {  	v3 =	vunpack.c.l.s4.s8 v3;
	v4 =	vunpack.c.l.s4.s8 v4;
	v5 =	vunpack.c.l.s4.s8 v5;
	s4 =	sadd.s32 s21, s6;
	s21 =	simm.s32 $0x0;
	[dreg:$0x9] =	wrdreg s19  }
0x17: {  	v6 =	vunpack.c.l.s4.s8 v6;
	v7 =	vunpack.c.l.s4.s8 v7;
	v0 =	vunpack.c.0.s8.s32 v0;
	[dreg:$0xa] =	wrdreg s20;
	s12 =	sadd.s32 s16, s5;
	s13 =	sadd.s32 s16, s6  }
0x18: {  	v2 =	vunpack.c.0.s8.s32 v2;
	v3 =	vunpack.c.0.s8.s32 v3;
	v4 =	vunpack.c.0.s8.s32 v4;
	s17 =	sor.u32 $0x180, s16;
	[dreg:$0xc] =	wrdreg s4;
	s4 =	sadd.s32 s23, s6  }
.Ltmp0:
0x19: {  	v5 =	vunpack.c.0.s8.s32 v5;
	v6 =	vunpack.c.0.s8.s32 v6;
	v7 =	vunpack.c.0.s8.s32 v7;
	s20 =	smax.u32 s15, $0x1;
	s23 =	sor.u32 $0x800, s3;
	(pc) =	sbr.rel .LBB2_1-.Ltmp0, $4  }
0x1a: {  	vm5 =	vcmask $0x1720;
	v1 =	vunpack.c.0.s8.s32 v1;
	v2 =	vcombine.low v3, v2;
	s15 =	simm.s32 $0x3;
	s16 =	simm.s32 $0x4;
	s18 =	simm.s32 $0x5  }
0x1b: {  	v3 =	vcombine.low v5, v4;
	v4 =	vand.u32 $0xF, v0;
	v5 =	vcombine.low v7, v6;
	s19 =	simm.s32 $0x8080;
	[dreg:$0xe] =	wrdreg s4;
	s25 =	sadd.s32 s17, s5  }
0x1c: {  	vm6 =	vcmask $0x1B20;
	v0 =	vlaneseq.u32;
	v1 =	vcombine.low v4, v1;
	s26 =	sadd.s32 s17, s6;
	s17 =	simm.s32 $0x8000;
	[dreg:$0xf] =	wrdreg s25  }
0x1d: {  	v2 =	vand.u32 $0xF, v2;
	v3 =	vand.u32 $0xF, v3;
	v4 =	vand.u32 $0xF, v5;
	[dreg:$0x10] =	wrdreg s26;
	s25 =	sor.u32 $0x1000, s3;
	s26 =	sor.u32 $0x1400, s3  }
.LBB2_19:
0x1e: {  	s21 =	sadd.s32 $0x1, s21  }
0x1f: {  	p1 =	sne.s32 s21, s20  }
.Ltmp1:
0x20: {  	_ = 	snop;
	(pc) =	sbr.rel @!p1 .LBB2_20-.Ltmp1, $1  }
0x21: {  	_ =	sdelay $0x3  }
.LBB2_1:
0x22: {  	[tilespmem:s2], [sflag:$0x1] =	stream.linear.gather [hbm4b:s11+s2], $0x2000, $0x38;
	[tilespmem:$0x8280] =	vst v63  }
0x23: {  	s4 =	rddreg [dreg:$0x5]  }
0x24: {  	[tilespmem:s30], [sflag:$0x2] =	stream.linear.gather [hbm4b:s4+s2], $0x2000, $0x38;
	[tilespmem:$0x8280] =	vst v63  }
0x25: {  	s5 =	rddreg [dreg:$0x6]  }
0x26: {  	[tilespmem:s31], [sflag:$0x3] =	stream.linear.gather [hbm4b:s5+s2], $0x2000, $0x38;
	[tilespmem:$0x8280] =	vst v63  }
0x27: {  	s6 =	rddreg [dreg:$0x7]  }
0x28: {  	[tilespmem:s0], [sflag:$0x4] =	stream.linear.gather [hbm4b:s6+s2], $0x2000, $0x38;
	[tilespmem:$0x8280] =	vst v63  }
0x29: {  	_ =	swait.ge [sflag:s1], $0x2000  }
0x2a: {  	s7 =	sand.u32 $0x70, s2;
	s5 =	sand.u32 $0x1C00, s2;
	[sflag:s1] =	ssyncset.done $0x0  }
0x2b: {  	s4 =	sor.u32 s7, s5;
	[sflag:s1] =	ssyncadd.s32 $0xFFFFE000  }
0x2c: {  	v5 =	vld [tilespmem:s4+$0x0]  }
0x2d: {  	v6 =	vld [tilespmem:s4+$0x80]  }
0x2e: {  	v9 =	vld [tilespmem:s4+$0x100]  }
0x2f: {  	v10 =	vld [tilespmem:s4+$0x180]  }
0x30: {  	s8 =	sor.u32 s2, s2;
	v12 =	vld [tilespmem:s4+$0x280]  }
0x31: {  	s6 =	sor.u32 $0x380, s8;
	v16 =	vld [tilespmem:s4+$0x300]  }
0x32: {  	v24 =	vld [tilespmem:s6+$0x0]  }
0x33: {  	v23 =	vimm.f32 $-Inf;
	v17 =	vimm.s32 $0x0;
	s5 =	simm.s32 $0x80;
	v11 =	vld [tilespmem:s4+$0x200];
	s4 =	simm.s32 $0x10  }
0x34: {  	v27 =	vimm.s32 $0x0;
	v26 =	vimm.s32 $0x0;
	v25 =	vimm.s32 $0x0;
	s7 =	sadd.s32 $0x0, s3;
	s8 =	sand.u32 $0x1C00, s5;
	s9 =	sand.u32 $0x70, s4  }
0x35: {  	v20 =	vor.u32 s7, v0;
	s6 =	sor.u32 s9, s8;
	vm7 =	vgt.f32 v5, v23;
	vm11 =	vgt.f32 v6, v23  }
0x36: {  	v18 =	vld [tilespmem:s6+$0x0];
	vm12 =	vgt.f32 v9, v23;
	vm13 =	vgt.f32 v10, v23;
	vm10 =	vgt.f32 v12, v23  }
0x37: {  	v21 =	vld [tilespmem:s6+$0x80];
	vm9 =	vgt.f32 v16, v23;
	vm8 =	vgt.f32 v24, v23;
	v13 =	vsel vm7, v5, v23  }
0x38: {  	v19 =	vld [tilespmem:s6+$0x100];
	v8 =	vsel vm7, v20, v17;
	v7 =	vsel vm11, v6, v23;
	vm7 =	vgt.f32 v11, v23  }
0x39: {  	v22 =	vld [tilespmem:s6+$0x180];
	v14 =	vsel vm12, v9, v23;
	v9 =	vsel vm13, v10, v23;
	v15 =	vsel vm10, v12, v23  }
0x3a: {  	v12 =	vsel vm8, v24, v23;
	v24 =	vld [tilespmem:s6+$0x200];
	v5 =	vsel vm12, v20, v17;
	v6 =	vsel vm13, v20, v17  }
0x3b: {  	s7 =	simm.s32 $0x20;
	s8 =	sor.u32 s5, s4;
	v10 =	vsel vm7, v11, v23;
	v11 =	vsel vm9, v16, v23;
	v16 =	vsel vm11, v20, v17;
	v23 =	vld [tilespmem:s6+$0x280]  }
.LBB2_2:
0x3c: {  	p1 =	sne.s32 s7, $0x3F0;
	v28 =	vld [tilespmem:s6+$0x300];
	s6 =	sor.u32 $0x380, s8;
	s5 =	sadd.s32 $0x80, s5;
	v17 =	vsel vm7, v20, v17;
	v27 =	vsel vm10, v20, v27;
	v26 =	vsel vm9, v20, v26  }
0x3d: {  	s8 =	sand.u32 $0x70, s7;
	s4 =	sadd.s32 s4, s3;
	v25 =	vsel vm8, v20, v25;
	s9 =	sand.u32 $0x1C00, s5;
	v29 =	vld [tilespmem:s6+$0x0]  }
0x3e: {  	vm7 =	vgt.f32 v18, v13;
	vm11 =	vgt.f32 v21, v7;
	v20 =	vor.u32 s4, v0;
	s4 =	smov.u32 s7;
	s6 =	sor.u32 s8, s9  }
0x3f: {  	v13 =	vsel vm7, v18, v13;
	v7 =	vsel vm11, v21, v7;
	v8 =	vsel vm7, v20, v8;
	v18 =	vld [tilespmem:s6+$0x0]  }
.Ltmp2:
0x40: {  	vm12 =	vgt.f32 v19, v14;
	vm13 =	vgt.f32 v22, v9;
	vm7 =	vgt.f32 v24, v10;
	v21 =	vld [tilespmem:s6+$0x80];
	(pc) =	sbr.rel @p1 .LBB2_2-.Ltmp2, $4  }
0x41: {  	v14 =	vsel vm12, v19, v14;
	v9 =	vsel vm13, v22, v9;
	v10 =	vsel vm7, v24, v10;
	v19 =	vld [tilespmem:s6+$0x100]  }
0x42: {  	vm10 =	vgt.f32 v23, v15;
	vm9 =	vgt.f32 v28, v11;
	v22 =	vld [tilespmem:s6+$0x180];
	vm8 =	vgt.f32 v29, v12  }
0x43: {  	v15 =	vsel vm10, v23, v15;
	v11 =	vsel vm9, v28, v11;
	v24 =	vld [tilespmem:s6+$0x200];
	v12 =	vsel vm8, v29, v12  }
0x44: {  	s7 =	sadd.s32 $0x10, s7;
	s8 =	sor.u32 s5, s4;
	v16 =	vsel vm11, v20, v16;
	v5 =	vsel vm12, v20, v5;
	v6 =	vsel vm13, v20, v6;
	v23 =	vld [tilespmem:s6+$0x280]  }
0x45: {  	s5 =	sor.u32 $0x380, s8  }
0x46: {  	s8 =	rddreg [dreg:$0x8];
	v29 =	vld [tilespmem:s5+$0x0];
	s5 =	simm.s32 $0x0  }
0x47: {  	v28 =	vld [tilespmem:s6+$0x300];
	[tilespmem:s5], [sflag:$0x1] =	stream.linear.gather [hbm4b:s8+s5], $0x2000, $0x38  }
0x48: {  	_ =	swait.ge [sflag:s14], $0x2000  }
0x49: {  	v17 =	vsel vm7, v20, v17;
	v27 =	vsel vm10, v20, v27;
	s9 =	sand.u32 $0x70, s5;
	s7 =	sand.u32 $0x1C00, s5;
	[sflag:s14] =	ssyncset.done $0x0  }
0x4a: {  	v26 =	vsel vm9, v20, v26;
	s4 =	sadd.s32 s4, s3;
	v20 =	vsel vm8, v20, v25;
	vm7 =	vgt.f32 v18, v13;
	s6 =	sor.u32 s9, s7;
	[sflag:s14] =	ssyncadd.s32 $0xFFFFE000  }
0x4b: {  	vm8 =	vgt.f32 v21, v7;
	v25 =	vor.u32 s4, v0;
	v13 =	vsel vm7, v18, v13;
	v18 =	vld [tilespmem:s6+$0x2000]  }
0x4c: {  	v21 =	vsel vm8, v21, v7;
	v8 =	vsel vm7, v25, v8;
	vm7 =	vgt.f32 v19, v14;
	v30 =	vld [tilespmem:s6+$0x2080]  }
0x4d: {  	vm9 =	vgt.f32 v22, v9;
	v34 =	vsel vm8, v25, v16;
	vm10 =	vgt.f32 v24, v10;
	v31 =	vld [tilespmem:s6+$0x2100]  }
0x4e: {  	v19 =	vsel vm7, v19, v14;
	v32 =	vsel vm9, v22, v9;
	v24 =	vsel vm10, v24, v10;
	v10 =	vld [tilespmem:s6+$0x2180]  }
0x4f: {  	v35 =	vsel vm7, v25, v5;
	v36 =	vsel vm9, v25, v6;
	vm11 =	vgt.f32 v23, v15;
	v37 =	vld [tilespmem:s6+$0x2300]  }
0x50: {  	s5 =	sor.u32 s5, s5;
	v5 =	vsel vm10, v25, v17;
	vm12 =	vgt.f32 v28, v11;
	vm13 =	vgt.f32 v29, v12;
	v33 =	vld [tilespmem:s6+$0x2200]  }
0x51: {  	s4 =	simm.s32 $0x10;
	v23 =	vsel vm11, v23, v15;
	v14 =	vsel vm11, v25, v27;
	v29 =	vsel vm13, v29, v12;
	v12 =	vld [tilespmem:s6+$0x2280];
	s6 =	sor.u32 $0x380, s5;
	s5 =	simm.s32 $0x80  }
0x52: {  	s7 =	sand.u32 $0x70, s4;
	s9 =	sadd.s32 $0x0, s22;
	v28 =	vsel vm12, v28, v11;
	v7 =	vsel vm12, v25, v26;
	v6 =	vsel vm13, v25, v20;
	s8 =	sand.u32 $0x1C00, s5  }
0x53: {  	v25 =	vor.u32 s9, v0;
	v20 =	vld [tilespmem:s6+$0x2000];
	s6 =	sor.u32 s7, s8;
	vm7 =	vgt.f32 v18, v13;
	vm11 =	vgt.f32 v30, v21  }
0x54: {  	v15 =	vld [tilespmem:s6+$0x2000];
	vm12 =	vgt.f32 v31, v19;
	vm13 =	vgt.f32 v10, v32;
	vm9 =	vgt.f32 v37, v28  }
0x55: {  	v22 =	vld [tilespmem:s6+$0x2080];
	v16 =	vsel vm7, v18, v13;
	v9 =	vsel vm7, v25, v8;
	v8 =	vsel vm11, v30, v21  }
0x56: {  	v17 =	vld [tilespmem:s6+$0x2100];
	vm7 =	vgt.f32 v33, v24;
	v18 =	vsel vm12, v31, v19;
	v10 =	vsel vm13, v10, v32  }
0x57: {  	v27 =	vld [tilespmem:s6+$0x2200];
	vm10 =	vgt.f32 v12, v23;
	v21 =	vsel vm13, v25, v36;
	v11 =	vsel vm7, v33, v24  }
0x58: {  	v26 =	vld [tilespmem:s6+$0x2280];
	vm8 =	vgt.f32 v20, v29;
	v19 =	vsel vm10, v12, v23;
	v12 =	vsel vm9, v37, v28  }
0x59: {  	s8 =	sor.u32 s5, s4;
	s7 =	simm.s32 $0x20;
	v24 =	vld [tilespmem:s6+$0x2180];
	v23 =	vsel vm11, v25, v34;
	v13 =	vsel vm8, v20, v29;
	v20 =	vsel vm12, v25, v35  }
.LBB2_4:
0x5a: {  	p1 =	sne.s32 s7, $0x3F0;
	v28 =	vld [tilespmem:s6+$0x2300];
	s6 =	sor.u32 $0x380, s8;
	s5 =	sadd.s32 $0x80, s5;
	v5 =	vsel vm7, v25, v5;
	v14 =	vsel vm10, v25, v14;
	v7 =	vsel vm9, v25, v7  }
0x5b: {  	s8 =	sand.u32 $0x70, s7;
	s4 =	sadd.s32 s4, s22;
	v6 =	vsel vm8, v25, v6;
	s9 =	sand.u32 $0x1C00, s5;
	v29 =	vld [tilespmem:s6+$0x2000]  }
0x5c: {  	vm7 =	vgt.f32 v15, v16;
	vm11 =	vgt.f32 v22, v8;
	v25 =	vor.u32 s4, v0;
	s4 =	smov.u32 s7;
	s6 =	sor.u32 s8, s9  }
0x5d: {  	v16 =	vsel vm7, v15, v16;
	v8 =	vsel vm11, v22, v8;
	v9 =	vsel vm7, v25, v9;
	v15 =	vld [tilespmem:s6+$0x2000]  }
.Ltmp3:
0x5e: {  	vm12 =	vgt.f32 v17, v18;
	vm13 =	vgt.f32 v24, v10;
	vm7 =	vgt.f32 v27, v11;
	v22 =	vld [tilespmem:s6+$0x2080];
	(pc) =	sbr.rel @p1 .LBB2_4-.Ltmp3, $4  }
0x5f: {  	v18 =	vsel vm12, v17, v18;
	v10 =	vsel vm13, v24, v10;
	v11 =	vsel vm7, v27, v11;
	v17 =	vld [tilespmem:s6+$0x2100]  }
0x60: {  	vm10 =	vgt.f32 v26, v19;
	vm9 =	vgt.f32 v28, v12;
	v24 =	vld [tilespmem:s6+$0x2180];
	vm8 =	vgt.f32 v29, v13  }
0x61: {  	v19 =	vsel vm10, v26, v19;
	v12 =	vsel vm9, v28, v12;
	v27 =	vld [tilespmem:s6+$0x2200];
	v13 =	vsel vm8, v29, v13  }
0x62: {  	s7 =	sadd.s32 $0x10, s7;
	s8 =	sor.u32 s5, s4;
	v23 =	vsel vm11, v25, v23;
	v20 =	vsel vm12, v25, v20;
	v21 =	vsel vm13, v25, v21;
	v26 =	vld [tilespmem:s6+$0x2280]  }
0x63: {  	s5 =	sor.u32 $0x380, s8  }
0x64: {  	s8 =	rddreg [dreg:$0x9];
	v29 =	vld [tilespmem:s5+$0x2000];
	s5 =	simm.s32 $0x0  }
0x65: {  	v28 =	vld [tilespmem:s6+$0x2300];
	[tilespmem:s30], [sflag:$0x2] =	stream.linear.gather [hbm4b:s8+s5], $0x2000, $0x38  }
0x66: {  	_ =	swait.ge [sflag:s15], $0x2000  }
0x67: {  	v5 =	vsel vm7, v25, v5;
	v14 =	vsel vm10, v25, v14;
	s9 =	sand.u32 $0x70, s5;
	s7 =	sand.u32 $0x1C00, s5;
	[sflag:s15] =	ssyncset.done $0x0  }
0x68: {  	v7 =	vsel vm9, v25, v7;
	s4 =	sadd.s32 s4, s22;
	v6 =	vsel vm8, v25, v6;
	vm7 =	vgt.f32 v15, v16;
	s6 =	sor.u32 s9, s7;
	[sflag:s15] =	ssyncadd.s32 $0xFFFFE000  }
0x69: {  	vm8 =	vgt.f32 v22, v8;
	v25 =	vor.u32 s4, v0;
	v16 =	vsel vm7, v15, v16;
	v30 =	vld [tilespmem:s6+$0x4000]  }
0x6a: {  	v8 =	vsel vm8, v22, v8;
	v9 =	vsel vm7, v25, v9;
	vm7 =	vgt.f32 v17, v18;
	v22 =	vld [tilespmem:s6+$0x4080]  }
0x6b: {  	vm9 =	vgt.f32 v24, v10;
	v23 =	vsel vm8, v25, v23;
	vm10 =	vgt.f32 v27, v11;
	v31 =	vld [tilespmem:s6+$0x4100]  }
0x6c: {  	v18 =	vsel vm7, v17, v18;
	v10 =	vsel vm9, v24, v10;
	vm12 =	vgt.f32 v28, v12;
	v24 =	vld [tilespmem:s6+$0x4180]  }
0x6d: {  	v20 =	vsel vm7, v25, v20;
	vm11 =	vgt.f32 v26, v19;
	v12 =	vsel vm12, v28, v12;
	v28 =	vld [tilespmem:s6+$0x4280]  }
0x6e: {  	s5 =	sor.u32 s5, s5;
	v21 =	vsel vm9, v25, v21;
	v19 =	vsel vm11, v26, v19;
	vm13 =	vgt.f32 v29, v13;
	v26 =	vld [tilespmem:s6+$0x4200]  }
0x6f: {  	s4 =	simm.s32 $0x10;
	v11 =	vsel vm10, v27, v11;
	v5 =	vsel vm10, v25, v5;
	v13 =	vsel vm13, v29, v13;
	v29 =	vld [tilespmem:s6+$0x4300];
	s6 =	sor.u32 $0x380, s5;
	s5 =	simm.s32 $0x80  }
0x70: {  	s7 =	sand.u32 $0x70, s4;
	s9 =	sadd.s32 $0x0, s23;
	v14 =	vsel vm11, v25, v14;
	v7 =	vsel vm12, v25, v7;
	v6 =	vsel vm13, v25, v6;
	s8 =	sand.u32 $0x1C00, s5  }
0x71: {  	v25 =	vor.u32 s9, v0;
	v32 =	vld [tilespmem:s6+$0x4000];
	s6 =	sor.u32 s7, s8;
	vm7 =	vgt.f32 v30, v16;
	vm11 =	vgt.f32 v22, v8  }
0x72: {  	v15 =	vld [tilespmem:s6+$0x4000];
	vm12 =	vgt.f32 v31, v18;
	vm13 =	vgt.f32 v24, v10;
	vm10 =	vgt.f32 v28, v19  }
0x73: {  	v17 =	vld [tilespmem:s6+$0x4100];
	v16 =	vsel vm7, v30, v16;
	v9 =	vsel vm7, v25, v9;
	v8 =	vsel vm11, v22, v8  }
0x74: {  	v27 =	vld [tilespmem:s6+$0x4200];
	vm7 =	vgt.f32 v26, v11;
	v18 =	vsel vm12, v31, v18;
	v10 =	vsel vm13, v24, v10  }
0x75: {  	v22 =	vld [tilespmem:s6+$0x4080];
	vm9 =	vgt.f32 v29, v12;
	v19 =	vsel vm10, v28, v19;
	v23 =	vsel vm11, v25, v23  }
0x76: {  	v24 =	vld [tilespmem:s6+$0x4180];
	v20 =	vsel vm12, v25, v20;
	v21 =	vsel vm13, v25, v21;
	vm8 =	vgt.f32 v32, v13  }
0x77: {  	s8 =	sor.u32 s5, s4;
	s7 =	simm.s32 $0x20;
	v11 =	vsel vm7, v26, v11;
	v12 =	vsel vm9, v29, v12;
	v26 =	vld [tilespmem:s6+$0x4280];
	v13 =	vsel vm8, v32, v13  }
.LBB2_6:
0x78: {  	p1 =	sne.s32 s7, $0x3F0;
	v28 =	vld [tilespmem:s6+$0x4300];
	s6 =	sor.u32 $0x380, s8;
	s5 =	sadd.s32 $0x80, s5;
	v5 =	vsel vm7, v25, v5;
	v14 =	vsel vm10, v25, v14;
	v7 =	vsel vm9, v25, v7  }
0x79: {  	s8 =	sand.u32 $0x70, s7;
	s4 =	sadd.s32 s4, s23;
	v6 =	vsel vm8, v25, v6;
	s9 =	sand.u32 $0x1C00, s5;
	v29 =	vld [tilespmem:s6+$0x4000]  }
0x7a: {  	vm7 =	vgt.f32 v15, v16;
	vm11 =	vgt.f32 v22, v8;
	v25 =	vor.u32 s4, v0;
	s4 =	smov.u32 s7;
	s6 =	sor.u32 s8, s9  }
0x7b: {  	v16 =	vsel vm7, v15, v16;
	v8 =	vsel vm11, v22, v8;
	v9 =	vsel vm7, v25, v9;
	v15 =	vld [tilespmem:s6+$0x4000]  }
.Ltmp4:
0x7c: {  	vm12 =	vgt.f32 v17, v18;
	vm13 =	vgt.f32 v24, v10;
	vm7 =	vgt.f32 v27, v11;
	v22 =	vld [tilespmem:s6+$0x4080];
	(pc) =	sbr.rel @p1 .LBB2_6-.Ltmp4, $4  }
0x7d: {  	v18 =	vsel vm12, v17, v18;
	v10 =	vsel vm13, v24, v10;
	v11 =	vsel vm7, v27, v11;
	v17 =	vld [tilespmem:s6+$0x4100]  }
0x7e: {  	vm10 =	vgt.f32 v26, v19;
	vm9 =	vgt.f32 v28, v12;
	v24 =	vld [tilespmem:s6+$0x4180];
	vm8 =	vgt.f32 v29, v13  }
0x7f: {  	v19 =	vsel vm10, v26, v19;
	v12 =	vsel vm9, v28, v12;
	v27 =	vld [tilespmem:s6+$0x4200];
	v13 =	vsel vm8, v29, v13  }
0x80: {  	s7 =	sadd.s32 $0x10, s7;
	s8 =	sor.u32 s5, s4;
	v23 =	vsel vm11, v25, v23;
	v20 =	vsel vm12, v25, v20;
	v21 =	vsel vm13, v25, v21;
	v26 =	vld [tilespmem:s6+$0x4280]  }
0x81: {  	s5 =	sor.u32 $0x380, s8  }
0x82: {  	s8 =	rddreg [dreg:$0xa];
	v29 =	vld [tilespmem:s5+$0x4000];
	s5 =	simm.s32 $0x0  }
0x83: {  	v28 =	vld [tilespmem:s6+$0x4300];
	[tilespmem:s31], [sflag:$0x3] =	stream.linear.gather [hbm4b:s8+s5], $0x2000, $0x38  }
0x84: {  	_ =	swait.ge [sflag:s16], $0x2000  }
0x85: {  	v5 =	vsel vm7, v25, v5;
	v14 =	vsel vm10, v25, v14;
	s9 =	sand.u32 $0x70, s5;
	s7 =	sand.u32 $0x1C00, s5;
	[sflag:s16] =	ssyncset.done $0x0  }
0x86: {  	v7 =	vsel vm9, v25, v7;
	s4 =	sadd.s32 s4, s23;
	v6 =	vsel vm8, v25, v6;
	vm7 =	vgt.f32 v15, v16;
	s6 =	sor.u32 s9, s7;
	[sflag:s16] =	ssyncadd.s32 $0xFFFFE000  }
0x87: {  	vm8 =	vgt.f32 v22, v8;
	v25 =	vor.u32 s4, v0;
	v16 =	vsel vm7, v15, v16;
	v30 =	vld [tilespmem:s6+$0x6000]  }
0x88: {  	v8 =	vsel vm8, v22, v8;
	v9 =	vsel vm7, v25, v9;
	vm7 =	vgt.f32 v17, v18;
	v22 =	vld [tilespmem:s6+$0x6080]  }
0x89: {  	vm9 =	vgt.f32 v24, v10;
	v23 =	vsel vm8, v25, v23;
	vm10 =	vgt.f32 v27, v11;
	v31 =	vld [tilespmem:s6+$0x6100]  }
0x8a: {  	v18 =	vsel vm7, v17, v18;
	v10 =	vsel vm9, v24, v10;
	vm12 =	vgt.f32 v28, v12;
	v24 =	vld [tilespmem:s6+$0x6180]  }
0x8b: {  	v20 =	vsel vm7, v25, v20;
	vm11 =	vgt.f32 v26, v19;
	v12 =	vsel vm12, v28, v12;
	v28 =	vld [tilespmem:s6+$0x6280]  }
0x8c: {  	s5 =	sor.u32 s5, s5;
	v21 =	vsel vm9, v25, v21;
	v19 =	vsel vm11, v26, v19;
	vm13 =	vgt.f32 v29, v13;
	v26 =	vld [tilespmem:s6+$0x6200]  }
0x8d: {  	s4 =	simm.s32 $0x10;
	v11 =	vsel vm10, v27, v11;
	v5 =	vsel vm10, v25, v5;
	v13 =	vsel vm13, v29, v13;
	v29 =	vld [tilespmem:s6+$0x6300];
	s6 =	sor.u32 $0x380, s5;
	s5 =	simm.s32 $0x80  }
0x8e: {  	s7 =	sand.u32 $0x70, s4;
	s9 =	sadd.s32 $0x0, s24;
	v14 =	vsel vm11, v25, v14;
	v7 =	vsel vm12, v25, v7;
	v6 =	vsel vm13, v25, v6;
	s8 =	sand.u32 $0x1C00, s5  }
0x8f: {  	v25 =	vor.u32 s9, v0;
	v32 =	vld [tilespmem:s6+$0x6000];
	s6 =	sor.u32 s7, s8;
	vm7 =	vgt.f32 v30, v16;
	vm11 =	vgt.f32 v22, v8  }
0x90: {  	v15 =	vld [tilespmem:s6+$0x6000];
	vm12 =	vgt.f32 v31, v18;
	vm13 =	vgt.f32 v24, v10;
	vm10 =	vgt.f32 v28, v19  }
0x91: {  	v17 =	vld [tilespmem:s6+$0x6100];
	v16 =	vsel vm7, v30, v16;
	v9 =	vsel vm7, v25, v9;
	v8 =	vsel vm11, v22, v8  }
0x92: {  	v27 =	vld [tilespmem:s6+$0x6200];
	vm7 =	vgt.f32 v26, v11;
	v18 =	vsel vm12, v31, v18;
	v10 =	vsel vm13, v24, v10  }
0x93: {  	v22 =	vld [tilespmem:s6+$0x6080];
	vm9 =	vgt.f32 v29, v12;
	v19 =	vsel vm10, v28, v19;
	v23 =	vsel vm11, v25, v23  }
0x94: {  	v24 =	vld [tilespmem:s6+$0x6180];
	v20 =	vsel vm12, v25, v20;
	v21 =	vsel vm13, v25, v21;
	vm8 =	vgt.f32 v32, v13  }
0x95: {  	s8 =	sor.u32 s5, s4;
	s7 =	simm.s32 $0x20;
	v11 =	vsel vm7, v26, v11;
	v12 =	vsel vm9, v29, v12;
	v26 =	vld [tilespmem:s6+$0x6280];
	v13 =	vsel vm8, v32, v13  }
.LBB2_8:
0x96: {  	p1 =	sne.s32 s7, $0x3F0;
	v28 =	vld [tilespmem:s6+$0x6300];
	s6 =	sor.u32 $0x380, s8;
	s5 =	sadd.s32 $0x80, s5;
	v5 =	vsel vm7, v25, v5;
	v14 =	vsel vm10, v25, v14;
	v7 =	vsel vm9, v25, v7  }
0x97: {  	s8 =	sand.u32 $0x70, s7;
	s4 =	sadd.s32 s4, s24;
	v6 =	vsel vm8, v25, v6;
	s9 =	sand.u32 $0x1C00, s5;
	v29 =	vld [tilespmem:s6+$0x6000]  }
0x98: {  	vm7 =	vgt.f32 v15, v16;
	vm11 =	vgt.f32 v22, v8;
	v25 =	vor.u32 s4, v0;
	s4 =	smov.u32 s7;
	s6 =	sor.u32 s8, s9  }
0x99: {  	v16 =	vsel vm7, v15, v16;
	v8 =	vsel vm11, v22, v8;
	v9 =	vsel vm7, v25, v9;
	v15 =	vld [tilespmem:s6+$0x6000]  }
.Ltmp5:
0x9a: {  	vm12 =	vgt.f32 v17, v18;
	vm13 =	vgt.f32 v24, v10;
	vm7 =	vgt.f32 v27, v11;
	v22 =	vld [tilespmem:s6+$0x6080];
	(pc) =	sbr.rel @p1 .LBB2_8-.Ltmp5, $4  }
0x9b: {  	v18 =	vsel vm12, v17, v18;
	v10 =	vsel vm13, v24, v10;
	v11 =	vsel vm7, v27, v11;
	v17 =	vld [tilespmem:s6+$0x6100]  }
0x9c: {  	vm10 =	vgt.f32 v26, v19;
	vm9 =	vgt.f32 v28, v12;
	v24 =	vld [tilespmem:s6+$0x6180];
	vm8 =	vgt.f32 v29, v13  }
0x9d: {  	v19 =	vsel vm10, v26, v19;
	v12 =	vsel vm9, v28, v12;
	v27 =	vld [tilespmem:s6+$0x6200];
	v13 =	vsel vm8, v29, v13  }
0x9e: {  	s7 =	sadd.s32 $0x10, s7;
	s8 =	sor.u32 s5, s4;
	v23 =	vsel vm11, v25, v23;
	v20 =	vsel vm12, v25, v20;
	v21 =	vsel vm13, v25, v21;
	v26 =	vld [tilespmem:s6+$0x6280]  }
0x9f: {  	v28 =	vld [tilespmem:s6+$0x6300];
	s5 =	sor.u32 $0x380, s8;
	s8 =	simm.s32 $0x0  }
0xa0: {  	v29 =	vld [tilespmem:s5+$0x6000];
	[tilespmem:s0], [sflag:$0x4] =	stream.linear.gather [hbm4b:s10+s8], $0x2000, $0x38  }
0xa1: {  	_ =	swait.ge [sflag:s1], $0x2000  }
0xa2: {  	v5 =	vsel vm7, v25, v5;
	v14 =	vsel vm10, v25, v14;
	s9 =	sand.u32 $0x70, s8;
	s7 =	sand.u32 $0x1C00, s8;
	[sflag:s1] =	ssyncset.done $0x0  }
0xa3: {  	v7 =	vsel vm9, v25, v7;
	s4 =	sadd.s32 s4, s24;
	v6 =	vsel vm8, v25, v6;
	vm7 =	vgt.f32 v15, v16;
	s6 =	sor.u32 s9, s7;
	[sflag:s1] =	ssyncadd.s32 $0xFFFFE000  }
0xa4: {  	vm8 =	vgt.f32 v22, v8;
	v25 =	vor.u32 s4, v0;
	v16 =	vsel vm7, v15, v16;
	v30 =	vld [tilespmem:s6+$0x0]  }
0xa5: {  	v8 =	vsel vm8, v22, v8;
	v9 =	vsel vm7, v25, v9;
	vm7 =	vgt.f32 v17, v18;
	v22 =	vld [tilespmem:s6+$0x80]  }
0xa6: {  	vm9 =	vgt.f32 v24, v10;
	v23 =	vsel vm8, v25, v23;
	vm10 =	vgt.f32 v27, v11;
	v31 =	vld [tilespmem:s6+$0x100]  }
0xa7: {  	v18 =	vsel vm7, v17, v18;
	v10 =	vsel vm9, v24, v10;
	vm11 =	vgt.f32 v26, v19;
	v24 =	vld [tilespmem:s6+$0x180]  }
0xa8: {  	v20 =	vsel vm7, v25, v20;
	vm12 =	vgt.f32 v28, v12;
	v19 =	vsel vm11, v26, v19;
	v26 =	vld [tilespmem:s6+$0x200]  }
0xa9: {  	s5 =	sor.u32 s8, s8;
	v21 =	vsel vm9, v25, v21;
	vm13 =	vgt.f32 v29, v13;
	v12 =	vsel vm12, v28, v12;
	v28 =	vld [tilespmem:s6+$0x280]  }
0xaa: {  	s4 =	simm.s32 $0x10;
	v11 =	vsel vm10, v27, v11;
	v5 =	vsel vm10, v25, v5;
	v13 =	vsel vm13, v29, v13;
	v29 =	vld [tilespmem:s6+$0x300];
	s6 =	sor.u32 $0x380, s5;
	s5 =	simm.s32 $0x80  }
0xab: {  	s7 =	sand.u32 $0x70, s4;
	s9 =	sadd.s32 $0x0, s25;
	v14 =	vsel vm11, v25, v14;
	v7 =	vsel vm12, v25, v7;
	v6 =	vsel vm13, v25, v6;
	s8 =	sand.u32 $0x1C00, s5  }
0xac: {  	v25 =	vor.u32 s9, v0;
	v32 =	vld [tilespmem:s6+$0x0];
	s6 =	sor.u32 s7, s8;
	vm7 =	vgt.f32 v30, v16;
	vm11 =	vgt.f32 v22, v8  }
0xad: {  	v15 =	vld [tilespmem:s6+$0x0];
	vm12 =	vgt.f32 v31, v18;
	vm13 =	vgt.f32 v24, v10;
	v16 =	vsel vm7, v30, v16  }
0xae: {  	v17 =	vld [tilespmem:s6+$0x100];
	v9 =	vsel vm7, v25, v9;
	v8 =	vsel vm11, v22, v8;
	vm7 =	vgt.f32 v26, v11  }
0xaf: {  	v27 =	vld [tilespmem:s6+$0x200];
	v18 =	vsel vm12, v31, v18;
	v10 =	vsel vm13, v24, v10;
	vm10 =	vgt.f32 v28, v19  }
0xb0: {  	v22 =	vld [tilespmem:s6+$0x80];
	v23 =	vsel vm11, v25, v23;
	v20 =	vsel vm12, v25, v20;
	v21 =	vsel vm13, v25, v21  }
0xb1: {  	v24 =	vld [tilespmem:s6+$0x180];
	v11 =	vsel vm7, v26, v11;
	vm9 =	vgt.f32 v29, v12;
	vm8 =	vgt.f32 v32, v13  }
0xb2: {  	s8 =	sor.u32 s5, s4;
	s7 =	simm.s32 $0x20;
	v19 =	vsel vm10, v28, v19;
	v26 =	vld [tilespmem:s6+$0x280];
	v12 =	vsel vm9, v29, v12;
	v13 =	vsel vm8, v32, v13  }
.LBB2_10:
0xb3: {  	p1 =	sne.s32 s7, $0x3F0;
	v28 =	vld [tilespmem:s6+$0x300];
	s6 =	sor.u32 $0x380, s8;
	s5 =	sadd.s32 $0x80, s5;
	v5 =	vsel vm7, v25, v5;
	v14 =	vsel vm10, v25, v14;
	v7 =	vsel vm9, v25, v7  }
0xb4: {  	s8 =	sand.u32 $0x70, s7;
	s4 =	sadd.s32 s4, s25;
	v6 =	vsel vm8, v25, v6;
	s9 =	sand.u32 $0x1C00, s5;
	v29 =	vld [tilespmem:s6+$0x0]  }
0xb5: {  	vm7 =	vgt.f32 v15, v16;
	vm11 =	vgt.f32 v22, v8;
	v25 =	vor.u32 s4, v0;
	s4 =	smov.u32 s7;
	s6 =	sor.u32 s8, s9  }
0xb6: {  	v16 =	vsel vm7, v15, v16;
	v8 =	vsel vm11, v22, v8;
	v9 =	vsel vm7, v25, v9;
	v15 =	vld [tilespmem:s6+$0x0]  }
.Ltmp6:
0xb7: {  	vm12 =	vgt.f32 v17, v18;
	vm13 =	vgt.f32 v24, v10;
	vm7 =	vgt.f32 v27, v11;
	v22 =	vld [tilespmem:s6+$0x80];
	(pc) =	sbr.rel @p1 .LBB2_10-.Ltmp6, $4  }
0xb8: {  	v18 =	vsel vm12, v17, v18;
	v10 =	vsel vm13, v24, v10;
	v11 =	vsel vm7, v27, v11;
	v17 =	vld [tilespmem:s6+$0x100]  }
0xb9: {  	vm10 =	vgt.f32 v26, v19;
	vm9 =	vgt.f32 v28, v12;
	v24 =	vld [tilespmem:s6+$0x180];
	vm8 =	vgt.f32 v29, v13  }
0xba: {  	v19 =	vsel vm10, v26, v19;
	v12 =	vsel vm9, v28, v12;
	v27 =	vld [tilespmem:s6+$0x200];
	v13 =	vsel vm8, v29, v13  }
0xbb: {  	s7 =	sadd.s32 $0x10, s7;
	s8 =	sor.u32 s5, s4;
	v23 =	vsel vm11, v25, v23;
	v20 =	vsel vm12, v25, v20;
	v21 =	vsel vm13, v25, v21;
	v26 =	vld [tilespmem:s6+$0x280]  }
0xbc: {  	v28 =	vld [tilespmem:s6+$0x300];
	s5 =	sor.u32 $0x380, s8  }
0xbd: {  	s8 =	simm.s32 $0x0;
	v29 =	vld [tilespmem:s5+$0x0];
	_ =	swait.ge [sflag:s14], $0x2000  }
0xbe: {  	v5 =	vsel vm7, v25, v5;
	v14 =	vsel vm10, v25, v14;
	s9 =	sand.u32 $0x70, s8;
	s7 =	sand.u32 $0x1C00, s8;
	[sflag:s14] =	ssyncset.done $0x0  }
0xbf: {  	v7 =	vsel vm9, v25, v7;
	s4 =	sadd.s32 s4, s25;
	v6 =	vsel vm8, v25, v6;
	vm7 =	vgt.f32 v15, v16;
	s6 =	sor.u32 s9, s7;
	[sflag:s14] =	ssyncadd.s32 $0xFFFFE000  }
0xc0: {  	vm8 =	vgt.f32 v22, v8;
	v25 =	vor.u32 s4, v0;
	v16 =	vsel vm7, v15, v16;
	v30 =	vld [tilespmem:s6+$0x2000]  }
0xc1: {  	v8 =	vsel vm8, v22, v8;
	v9 =	vsel vm7, v25, v9;
	vm7 =	vgt.f32 v17, v18;
	v22 =	vld [tilespmem:s6+$0x2080]  }
0xc2: {  	vm9 =	vgt.f32 v24, v10;
	v23 =	vsel vm8, v25, v23;
	vm10 =	vgt.f32 v27, v11;
	v31 =	vld [tilespmem:s6+$0x2100]  }
0xc3: {  	v18 =	vsel vm7, v17, v18;
	v10 =	vsel vm9, v24, v10;
	vm11 =	vgt.f32 v26, v19;
	v24 =	vld [tilespmem:s6+$0x2180]  }
0xc4: {  	v20 =	vsel vm7, v25, v20;
	vm12 =	vgt.f32 v28, v12;
	v19 =	vsel vm11, v26, v19;
	v26 =	vld [tilespmem:s6+$0x2200]  }
0xc5: {  	s5 =	sor.u32 s8, s8;
	v21 =	vsel vm9, v25, v21;
	vm13 =	vgt.f32 v29, v13;
	v12 =	vsel vm12, v28, v12;
	v28 =	vld [tilespmem:s6+$0x2280]  }
0xc6: {  	s4 =	simm.s32 $0x10;
	v11 =	vsel vm10, v27, v11;
	v5 =	vsel vm10, v25, v5;
	v13 =	vsel vm13, v29, v13;
	v29 =	vld [tilespmem:s6+$0x2300];
	s6 =	sor.u32 $0x380, s5;
	s5 =	simm.s32 $0x80  }
0xc7: {  	s7 =	sand.u32 $0x70, s4;
	s9 =	sadd.s32 $0x0, s26;
	v14 =	vsel vm11, v25, v14;
	v7 =	vsel vm12, v25, v7;
	v6 =	vsel vm13, v25, v6;
	s8 =	sand.u32 $0x1C00, s5  }
0xc8: {  	v25 =	vor.u32 s9, v0;
	v32 =	vld [tilespmem:s6+$0x2000];
	s6 =	sor.u32 s7, s8;
	vm7 =	vgt.f32 v30, v16;
	vm11 =	vgt.f32 v22, v8  }
0xc9: {  	vm12 =	vgt.f32 v31, v18;
	vm13 =	vgt.f32 v24, v10;
	v15 =	vld [tilespmem:s6+$0x2000];
	v16 =	vsel vm7, v30, v16  }
0xca: {  	v9 =	vsel vm7, v25, v9;
	v8 =	vsel vm11, v22, v8;
	v22 =	vld [tilespmem:s6+$0x2080];
	vm7 =	vgt.f32 v26, v11  }
0xcb: {  	v17 =	vld [tilespmem:s6+$0x2100];
	v18 =	vsel vm12, v31, v18;
	v10 =	vsel vm13, v24, v10;
	v23 =	vsel vm11, v25, v23  }
0xcc: {  	v24 =	vld [tilespmem:s6+$0x2180];
	v20 =	vsel vm12, v25, v20;
	v21 =	vsel vm13, v25, v21;
	v11 =	vsel vm7, v26, v11  }
0xcd: {  	v27 =	vld [tilespmem:s6+$0x2200];
	vm10 =	vgt.f32 v28, v19;
	vm9 =	vgt.f32 v29, v12;
	vm8 =	vgt.f32 v32, v13  }
0xce: {  	s8 =	sor.u32 s5, s4;
	s7 =	simm.s32 $0x20;
	v26 =	vld [tilespmem:s6+$0x2280];
	v19 =	vsel vm10, v28, v19;
	v12 =	vsel vm9, v29, v12;
	v13 =	vsel vm8, v32, v13  }
.LBB2_12:
0xcf: {  	p1 =	sne.s32 s7, $0x3F0;
	v28 =	vld [tilespmem:s6+$0x2300];
	s6 =	sor.u32 $0x380, s8;
	s5 =	sadd.s32 $0x80, s5;
	v5 =	vsel vm7, v25, v5;
	v14 =	vsel vm10, v25, v14;
	v7 =	vsel vm9, v25, v7  }
0xd0: {  	s8 =	sand.u32 $0x70, s7;
	s4 =	sadd.s32 s4, s26;
	v6 =	vsel vm8, v25, v6;
	s9 =	sand.u32 $0x1C00, s5;
	v29 =	vld [tilespmem:s6+$0x2000]  }
0xd1: {  	vm7 =	vgt.f32 v15, v16;
	vm11 =	vgt.f32 v22, v8;
	v25 =	vor.u32 s4, v0;
	s4 =	smov.u32 s7;
	s6 =	sor.u32 s8, s9  }
0xd2: {  	v16 =	vsel vm7, v15, v16;
	v8 =	vsel vm11, v22, v8;
	v9 =	vsel vm7, v25, v9;
	v15 =	vld [tilespmem:s6+$0x2000]  }
.Ltmp7:
0xd3: {  	vm12 =	vgt.f32 v17, v18;
	vm13 =	vgt.f32 v24, v10;
	vm7 =	vgt.f32 v27, v11;
	v22 =	vld [tilespmem:s6+$0x2080];
	(pc) =	sbr.rel @p1 .LBB2_12-.Ltmp7, $4  }
0xd4: {  	v18 =	vsel vm12, v17, v18;
	v10 =	vsel vm13, v24, v10;
	v11 =	vsel vm7, v27, v11;
	v17 =	vld [tilespmem:s6+$0x2100]  }
0xd5: {  	vm10 =	vgt.f32 v26, v19;
	vm9 =	vgt.f32 v28, v12;
	v24 =	vld [tilespmem:s6+$0x2180];
	vm8 =	vgt.f32 v29, v13  }
0xd6: {  	v19 =	vsel vm10, v26, v19;
	v12 =	vsel vm9, v28, v12;
	v27 =	vld [tilespmem:s6+$0x2200];
	v13 =	vsel vm8, v29, v13  }
0xd7: {  	s7 =	sadd.s32 $0x10, s7;
	s8 =	sor.u32 s5, s4;
	v23 =	vsel vm11, v25, v23;
	v20 =	vsel vm12, v25, v20;
	v21 =	vsel vm13, v25, v21;
	v26 =	vld [tilespmem:s6+$0x2280]  }
0xd8: {  	v28 =	vld [tilespmem:s6+$0x2300];
	s5 =	sor.u32 $0x380, s8  }
0xd9: {  	s8 =	simm.s32 $0x0;
	v29 =	vld [tilespmem:s5+$0x2000];
	_ =	swait.ge [sflag:s15], $0x2000  }
0xda: {  	v5 =	vsel vm7, v25, v5;
	v14 =	vsel vm10, v25, v14;
	s9 =	sand.u32 $0x70, s8;
	s7 =	sand.u32 $0x1C00, s8;
	[sflag:s15] =	ssyncset.done $0x0  }
0xdb: {  	v7 =	vsel vm9, v25, v7;
	s4 =	sadd.s32 s4, s26;
	v6 =	vsel vm8, v25, v6;
	vm7 =	vgt.f32 v15, v16;
	s6 =	sor.u32 s9, s7;
	[sflag:s15] =	ssyncadd.s32 $0xFFFFE000  }
0xdc: {  	vm8 =	vgt.f32 v22, v8;
	v25 =	vor.u32 s4, v0;
	v16 =	vsel vm7, v15, v16;
	v30 =	vld [tilespmem:s6+$0x4000]  }
0xdd: {  	v8 =	vsel vm8, v22, v8;
	v9 =	vsel vm7, v25, v9;
	vm7 =	vgt.f32 v17, v18;
	v22 =	vld [tilespmem:s6+$0x4080]  }
0xde: {  	vm9 =	vgt.f32 v24, v10;
	v23 =	vsel vm8, v25, v23;
	vm10 =	vgt.f32 v27, v11;
	v31 =	vld [tilespmem:s6+$0x4100]  }
0xdf: {  	v18 =	vsel vm7, v17, v18;
	v10 =	vsel vm9, v24, v10;
	vm11 =	vgt.f32 v26, v19;
	v24 =	vld [tilespmem:s6+$0x4180]  }
0xe0: {  	v20 =	vsel vm7, v25, v20;
	vm12 =	vgt.f32 v28, v12;
	v19 =	vsel vm11, v26, v19;
	v26 =	vld [tilespmem:s6+$0x4200]  }
0xe1: {  	s5 =	sor.u32 s8, s8;
	v21 =	vsel vm9, v25, v21;
	vm13 =	vgt.f32 v29, v13;
	v12 =	vsel vm12, v28, v12;
	v28 =	vld [tilespmem:s6+$0x4280]  }
0xe2: {  	s4 =	simm.s32 $0x10;
	v11 =	vsel vm10, v27, v11;
	v5 =	vsel vm10, v25, v5;
	v13 =	vsel vm13, v29, v13;
	v29 =	vld [tilespmem:s6+$0x4300];
	s6 =	sor.u32 $0x380, s5;
	s5 =	simm.s32 $0x80  }
0xe3: {  	s7 =	sand.u32 $0x70, s4;
	s9 =	sadd.s32 $0x0, s28;
	v14 =	vsel vm11, v25, v14;
	v7 =	vsel vm12, v25, v7;
	v6 =	vsel vm13, v25, v6;
	s8 =	sand.u32 $0x1C00, s5  }
0xe4: {  	v25 =	vor.u32 s9, v0;
	v32 =	vld [tilespmem:s6+$0x4000];
	s6 =	sor.u32 s7, s8;
	vm7 =	vgt.f32 v30, v16;
	vm11 =	vgt.f32 v22, v8  }
0xe5: {  	vm12 =	vgt.f32 v31, v18;
	vm13 =	vgt.f32 v24, v10;
	v15 =	vld [tilespmem:s6+$0x4000];
	v16 =	vsel vm7, v30, v16  }
0xe6: {  	v9 =	vsel vm7, v25, v9;
	v8 =	vsel vm11, v22, v8;
	v22 =	vld [tilespmem:s6+$0x4080];
	vm7 =	vgt.f32 v26, v11  }
0xe7: {  	v17 =	vld [tilespmem:s6+$0x4100];
	v18 =	vsel vm12, v31, v18;
	v10 =	vsel vm13, v24, v10;
	v23 =	vsel vm11, v25, v23  }
0xe8: {  	v24 =	vld [tilespmem:s6+$0x4180];
	v20 =	vsel vm12, v25, v20;
	v21 =	vsel vm13, v25, v21;
	v11 =	vsel vm7, v26, v11  }
0xe9: {  	v27 =	vld [tilespmem:s6+$0x4200];
	vm10 =	vgt.f32 v28, v19;
	vm9 =	vgt.f32 v29, v12;
	vm8 =	vgt.f32 v32, v13  }
0xea: {  	s8 =	sor.u32 s5, s4;
	s7 =	simm.s32 $0x20;
	v26 =	vld [tilespmem:s6+$0x4280];
	v19 =	vsel vm10, v28, v19;
	v12 =	vsel vm9, v29, v12;
	v13 =	vsel vm8, v32, v13  }
.LBB2_14:
0xeb: {  	p1 =	sne.s32 s7, $0x3F0;
	v28 =	vld [tilespmem:s6+$0x4300];
	s6 =	sor.u32 $0x380, s8;
	s5 =	sadd.s32 $0x80, s5;
	v5 =	vsel vm7, v25, v5;
	v14 =	vsel vm10, v25, v14;
	v7 =	vsel vm9, v25, v7  }
0xec: {  	s8 =	sand.u32 $0x70, s7;
	s4 =	sadd.s32 s4, s28;
	v6 =	vsel vm8, v25, v6;
	s9 =	sand.u32 $0x1C00, s5;
	v29 =	vld [tilespmem:s6+$0x4000]  }
0xed: {  	vm7 =	vgt.f32 v15, v16;
	vm11 =	vgt.f32 v22, v8;
	v25 =	vor.u32 s4, v0;
	s4 =	smov.u32 s7;
	s6 =	sor.u32 s8, s9  }
0xee: {  	v16 =	vsel vm7, v15, v16;
	v8 =	vsel vm11, v22, v8;
	v9 =	vsel vm7, v25, v9;
	v15 =	vld [tilespmem:s6+$0x4000]  }
.Ltmp8:
0xef: {  	vm12 =	vgt.f32 v17, v18;
	vm13 =	vgt.f32 v24, v10;
	vm7 =	vgt.f32 v27, v11;
	v22 =	vld [tilespmem:s6+$0x4080];
	(pc) =	sbr.rel @p1 .LBB2_14-.Ltmp8, $4  }
0xf0: {  	v18 =	vsel vm12, v17, v18;
	v10 =	vsel vm13, v24, v10;
	v11 =	vsel vm7, v27, v11;
	v17 =	vld [tilespmem:s6+$0x4100]  }
0xf1: {  	vm10 =	vgt.f32 v26, v19;
	vm9 =	vgt.f32 v28, v12;
	v24 =	vld [tilespmem:s6+$0x4180];
	vm8 =	vgt.f32 v29, v13  }
0xf2: {  	v19 =	vsel vm10, v26, v19;
	v12 =	vsel vm9, v28, v12;
	v27 =	vld [tilespmem:s6+$0x4200];
	v13 =	vsel vm8, v29, v13  }
0xf3: {  	s7 =	sadd.s32 $0x10, s7;
	s8 =	sor.u32 s5, s4;
	v23 =	vsel vm11, v25, v23;
	v20 =	vsel vm12, v25, v20;
	v21 =	vsel vm13, v25, v21;
	v26 =	vld [tilespmem:s6+$0x4280]  }
0xf4: {  	v28 =	vld [tilespmem:s6+$0x4300];
	s5 =	sor.u32 $0x380, s8  }
0xf5: {  	s9 =	simm.s32 $0x0;
	v29 =	vld [tilespmem:s5+$0x4000];
	_ =	swait.ge [sflag:s16], $0x2000  }
0xf6: {  	v5 =	vsel vm7, v25, v5;
	v14 =	vsel vm10, v25, v14;
	s8 =	sand.u32 $0x70, s9;
	s7 =	sand.u32 $0x1C00, s9;
	[sflag:s16] =	ssyncset.done $0x0  }
0xf7: {  	v7 =	vsel vm9, v25, v7;
	s4 =	sadd.s32 s4, s28;
	v25 =	vsel vm8, v25, v6;
	vm7 =	vgt.f32 v15, v16;
	s6 =	sor.u32 s8, s7;
	[sflag:s16] =	ssyncadd.s32 $0xFFFFE000  }
0xf8: {  	vm8 =	vgt.f32 v22, v8;
	v30 =	vor.u32 s4, v0;
	v15 =	vsel vm7, v15, v16;
	v16 =	vld [tilespmem:s6+$0x6000]  }
0xf9: {  	v22 =	vsel vm8, v22, v8;
	v31 =	vsel vm7, v30, v9;
	vm7 =	vgt.f32 v17, v18;
	v32 =	vld [tilespmem:s6+$0x6080]  }
0xfa: {  	vm9 =	vgt.f32 v24, v10;
	vm10 =	vgt.f32 v27, v11;
	v17 =	vsel vm7, v17, v18;
	v33 =	vld [tilespmem:s6+$0x6100]  }
0xfb: {  	v10 =	vsel vm9, v24, v10;
	v24 =	vsel vm10, v27, v11;
	vm11 =	vgt.f32 v26, v19;
	v11 =	vld [tilespmem:s6+$0x6180]  }
0xfc: {  	v34 =	vsel vm9, v30, v21;
	vm12 =	vgt.f32 v28, v12;
	v26 =	vsel vm11, v26, v19;
	v19 =	vld [tilespmem:s6+$0x6200]  }
0xfd: {  	s9 =	sor.u32 s9, s9;
	v9 =	vsel vm10, v30, v5;
	v8 =	vsel vm11, v30, v14;
	v27 =	vsel vm12, v28, v12;
	v12 =	vld [tilespmem:s6+$0x6280]  }
0xfe: {  	s5 =	simm.s32 $0x10;
	s4 =	simm.s32 $0x80;
	vm13 =	vgt.f32 v29, v13;
	v28 =	vsel vm8, v30, v23;
	v23 =	vld [tilespmem:s6+$0x6300];
	s6 =	sor.u32 $0x380, s9;
	v6 =	vsel vm12, v30, v7  }
0xff: {  	s7 =	sand.u32 $0x70, s5;
	s8 =	sand.u32 $0x1C00, s4;
	s9 =	sadd.s32 $0x0, s29;
	v13 =	vsel vm13, v29, v13;
	v29 =	vsel vm7, v30, v20;
	v5 =	vsel vm13, v30, v25;
	v25 =	vld [tilespmem:s6+$0x6000]  }
0x100: {  	s6 =	sor.u32 s7, s8;
	v7 =	vor.u32 s9, v0;
	vm7 =	vgt.f32 v16, v15;
	vm11 =	vgt.f32 v32, v22  }
0x101: {  	v20 =	vld [tilespmem:s6+$0x6000];
	vm12 =	vgt.f32 v33, v17;
	vm13 =	vgt.f32 v11, v10;
	v21 =	vsel vm7, v16, v15  }
0x102: {  	v18 =	vsel vm7, v7, v31;
	v14 =	vsel vm11, v32, v22;
	v22 =	vld [tilespmem:s6+$0x6080];
	vm8 =	vgt.f32 v19, v24  }
0x103: {  	v15 =	vld [tilespmem:s6+$0x6100];
	v16 =	vsel vm12, v33, v17;
	v11 =	vsel vm13, v11, v10;
	v10 =	vsel vm8, v19, v24  }
0x104: {  	v19 =	vld [tilespmem:s6+$0x6180];
	vm10 =	vgt.f32 v12, v26;
	vm9 =	vgt.f32 v23, v27;
	vm7 =	vgt.f32 v25, v13  }
0x105: {  	v24 =	vld [tilespmem:s6+$0x6200];
	v12 =	vsel vm10, v12, v26;
	v17 =	vsel vm9, v23, v27;
	v27 =	vsel vm11, v7, v28  }
0x106: {  	s8 =	sor.u32 s4, s5;
	s7 =	simm.s32 $0x20;
	v23 =	vld [tilespmem:s6+$0x6280];
	v26 =	vsel vm12, v7, v29;
	v13 =	vsel vm7, v25, v13;
	v25 =	vsel vm13, v7, v34  }
.LBB2_16:
0x107: {  	p1 =	sne.s32 s7, $0x3F0;
	v28 =	vld [tilespmem:s6+$0x6300];
	s6 =	sor.u32 $0x380, s8;
	s4 =	sadd.s32 $0x80, s4;
	v9 =	vsel vm8, v7, v9;
	v8 =	vsel vm10, v7, v8;
	v6 =	vsel vm9, v7, v6  }
0x108: {  	s8 =	sand.u32 $0x70, s7;
	s5 =	sadd.s32 s5, s29;
	v5 =	vsel vm7, v7, v5;
	s9 =	sand.u32 $0x1C00, s4;
	v29 =	vld [tilespmem:s6+$0x6000]  }
0x109: {  	vm7 =	vgt.f32 v20, v21;
	vm11 =	vgt.f32 v22, v14;
	v7 =	vor.u32 s5, v0;
	s5 =	smov.u32 s7;
	s6 =	sor.u32 s8, s9  }
0x10a: {  	v21 =	vsel vm7, v20, v21;
	v14 =	vsel vm11, v22, v14;
	v18 =	vsel vm7, v7, v18;
	v20 =	vld [tilespmem:s6+$0x6000]  }
.Ltmp9:
0x10b: {  	vm12 =	vgt.f32 v15, v16;
	vm13 =	vgt.f32 v19, v11;
	vm8 =	vgt.f32 v24, v10;
	v22 =	vld [tilespmem:s6+$0x6080];
	(pc) =	sbr.rel @p1 .LBB2_16-.Ltmp9, $4  }
0x10c: {  	v16 =	vsel vm12, v15, v16;
	v11 =	vsel vm13, v19, v11;
	v10 =	vsel vm8, v24, v10;
	v15 =	vld [tilespmem:s6+$0x6100]  }
0x10d: {  	vm10 =	vgt.f32 v23, v12;
	vm9 =	vgt.f32 v28, v17;
	v19 =	vld [tilespmem:s6+$0x6180];
	vm7 =	vgt.f32 v29, v13  }
0x10e: {  	v12 =	vsel vm10, v23, v12;
	v17 =	vsel vm9, v28, v17;
	v24 =	vld [tilespmem:s6+$0x6200];
	v13 =	vsel vm7, v29, v13  }
0x10f: {  	s7 =	sadd.s32 $0x10, s7;
	s8 =	sor.u32 s4, s5;
	v27 =	vsel vm11, v7, v27;
	v26 =	vsel vm12, v7, v26;
	v25 =	vsel vm13, v7, v25;
	v23 =	vld [tilespmem:s6+$0x6280]  }
0x110: {  	vm11 =	vgt.f32 v20, v21  }
0x111: {  	v28 =	vld [tilespmem:s6+$0x6300];
	s4 =	sor.u32 $0x380, s8;
	s5 =	sadd.s32 s5, s29;
	vm13 =	vgt.f32 v22, v14;
	v20 =	vsel vm11, v20, v21  }
0x112: {  	v29 =	vld [tilespmem:s4+$0x6000];
	v30 =	vor.u32 s5, v0;
	v22 =	vsel vm13, v22, v14;
	[tilespmem:$0x8000] =	vst v20  }
0x113: {  	v21 =	vsel vm11, v30, v18;
	[tilespmem:$0x8010] =	vst v22  }
0x114: {  	vm14 =	vgt.f32 v15, v16;
	v14 =	vsel vm13, v30, v27;
	[tilespmem:$0x8080] =	vst v21  }
0x115: {  	v16 =	vsel vm14, v15, v16;
	[tilespmem:$0x8090] =	vst v14  }
0x116: {  	v15 =	vsel vm14, v30, v26;
	vm11 =	vgt.f32 v19, v11;
	[tilespmem:$0x8020] =	vst v16  }
0x117: {  	v18 =	vsel vm11, v19, v11;
	[tilespmem:$0x80A0] =	vst v15  }
0x118: {  	vm12 =	vgt.f32 v24, v10;
	v19 =	vsel vm11, v30, v25;
	[tilespmem:$0x8030] =	vst v18  }
0x119: {  	v9 =	vsel vm8, v7, v9;
	v10 =	vsel vm12, v24, v10;
	[tilespmem:$0x80B0] =	vst v19  }
0x11a: {  	vm8 =	vgt.f32 v23, v12;
	v11 =	vsel vm12, v30, v9;
	[tilespmem:$0x8040] =	vst v10  }
0x11b: {  	v8 =	vsel vm10, v7, v8;
	v12 =	vsel vm8, v23, v12;
	[tilespmem:$0x80C0] =	vst v11  }
0x11c: {  	vm15 =	vgt.f32 v28, v17;
	v8 =	vsel vm8, v30, v8;
	[tilespmem:$0x8050] =	vst v12  }
0x11d: {  	v9 =	vsel vm9, v7, v6;
	v6 =	vsel vm15, v28, v17;
	[tilespmem:$0x80D0] =	vst v8  }
0x11e: {  	vm8 =	vgt.f32 v29, v13;
	v9 =	vsel vm15, v30, v9;
	[tilespmem:$0x8060] =	vst v6  }
0x11f: {  	v5 =	vsel vm7, v7, v5;
	v7 =	vsel vm8, v29, v13;
	[tilespmem:$0x80E0] =	vst v9  }
0x120: {  	v5 =	vsel vm8, v30, v5;
	[tilespmem:$0x8070] =	vst v7  }
0x121: {  	[tilespmem:$0x80F0] =	vst v5  }
0x122: {  	[spmem:s12] =	stream.linear.scatter [tilespmem:s17], [sflag:$0x5], $0x80, $0x38;
	[tilespmem:$0x8280] =	vst v63  }
0x123: {  	_ =	swait.ge [sflag:s18], $0x80  }
0x124: {  	[sflag:s18] =	ssyncset.done $0x0  }
0x125: {  	[sflag:s18] =	ssyncadd.s32 $0xFFFFFF80  }
0x126: {  	[spmem:s13] =	stream.linear.scatter [tilespmem:s19], [sflag:$0x5], $0x80, $0x38;
	[tilespmem:$0x8280] =	vst v63  }
.Ltmp10:
0x127: {  	_ =	swait.ge [sflag:s18], $0x80;
	(pc) =	sbr.rel @p0 .LBB2_19-.Ltmp10, $3  }
0x128: {  	[sflag:s18] =	ssyncset.done $0x0  }
0x129: {  	[sflag:s18] =	ssyncadd.s32 $0xFFFFFF80  }
0x12a: {  	[bflag:$0x0] =	sbarrier.arrive $0xFFFF;
	_ =	sdelay $0x1  }
0x12b: {  	s4 =	rddreg [dreg:$0xb]  }
0x12c: {  	[tilespmem:s17], [sflag:$0x5] =	stream.linear.gather [spmem:s4], $0x80, $0x38;
	[tilespmem:$0x8280] =	vst v63  }
0x12d: {  	_ =	swait.ge [sflag:s18], $0x80  }
0x12e: {  	[sflag:s18] =	ssyncset.done $0x0  }
0x12f: {  	s9 =	rddreg [dreg:$0xc];
	[sflag:s18] =	ssyncadd.s32 $0xFFFFFF80  }
0x130: {  	[tilespmem:s19], [sflag:$0x5] =	stream.linear.gather [spmem:s9], $0x80, $0x38;
	[tilespmem:$0x8280] =	vst v63  }
0x131: {  	_ =	swait.ge [sflag:s18], $0x80  }
0x132: {  	[sflag:s18] =	ssyncset.done $0x0  }
0x133: {  	[sflag:s18] =	ssyncadd.s32 $0xFFFFFF80  }
0x134: {  	v13 =	vld [tilespmem:$0x8000]  }
0x135: {  	v17 =	vld [tilespmem:$0x8080]  }
0x136: {  	v23 =	vld [tilespmem:$0x8010]  }
0x137: {  	v24 =	vld [tilespmem:$0x8090]  }
0x138: {  	v25 =	vld [tilespmem:$0x8020]  }
0x139: {  	v26 =	vld [tilespmem:$0x80A0]  }
0x13a: {  	v27 =	vld [tilespmem:$0x8030]  }
0x13b: {  	v28 =	vld [tilespmem:$0x80B0]  }
0x13c: {  	v29 =	vld [tilespmem:$0x8040]  }
0x13d: {  	v30 =	vld [tilespmem:$0x80C0]  }
0x13e: {  	v31 =	vld [tilespmem:$0x8050]  }
0x13f: {  	v32 =	vld [tilespmem:$0x80D0]  }
0x140: {  	v33 =	vld [tilespmem:$0x8060]  }
0x141: {  	v34 =	vld [tilespmem:$0x80E0]  }
0x142: {  	s5 =	rddreg [dreg:$0xd];
	v35 =	vld [tilespmem:$0x8070]  }
0x143: {  	v36 =	vld [tilespmem:$0x80F0];
	[tilespmem:s17], [sflag:$0x5] =	stream.linear.gather [spmem:s5], $0x80, $0x38  }
0x144: {  	_ =	swait.ge [sflag:s18], $0x80  }
0x145: {  	[sflag:s18] =	ssyncset.done $0x0;
	vm7 =	veq.f32 v13, v20  }
0x146: {  	s6 =	rddreg [dreg:$0xe];
	[sflag:s18] =	ssyncadd.s32 $0xFFFFFF80;
	vm8 =	vlt.s32 v17, v21;
	vm9 =	vlt.s32 v24, v14;
	vm10 =	vgt.f32 v13, v20  }
0x147: {  	[tilespmem:s19], [sflag:$0x5] =	stream.linear.gather [spmem:s6], $0x80, $0x38;
	vm15 =	vgt.f32 v23, v22;
	vm12 =	veq.f32 v25, v16;
	vm13 =	vlt.s32 v26, v15;
	[tilespmem:$0x8280] =	vst v63  }
0x148: {  	_ =	swait.ge [sflag:s18], $0x80;
	vm14 =	veq.f32 v27, v18;
	vm7 =	vmand vm7, vm8;
	vm8 =	veq.f32 v23, v22  }
0x149: {  	vm11 =	vlt.s32 v28, v19;
	[sflag:s18] =	ssyncset.done $0x0;
	vm8 =	vmand vm8, vm9;
	vm7 =	vmor vm10, vm7  }
0x14a: {  	vm9 =	vmand vm12, vm13;
	[sflag:s18] =	ssyncadd.s32 $0xFFFFFF80;
	vm10 =	vmand vm14, vm11;
	vm12 =	vlt.s32 v30, v11  }
0x14b: {  	vm13 =	veq.f32 v31, v12;
	vm14 =	vlt.s32 v32, v8;
	vm11 =	veq.f32 v35, v7;
	v58 =	vld [tilespmem:$0x8000]  }
0x14c: {  	vm8 =	vmor vm15, vm8;
	v13 =	vsel vm7, v13, v20;
	v17 =	vsel vm7, v17, v21;
	v61 =	vld [tilespmem:$0x8080]  }
0x14d: {  	vm7 =	vgt.f32 v25, v16;
	vm15 =	vgt.f32 v27, v18;
	v38 =	vld [tilespmem:$0x8010];
	v57 =	vsel vm8, v23, v22  }
0x14e: {  	v39 =	vld [tilespmem:$0x8090];
	vm7 =	vmor vm7, vm9;
	v59 =	vsel vm8, v24, v14;
	vm8 =	vmor vm15, vm10  }
0x14f: {  	v40 =	vld [tilespmem:$0x8020];
	vm9 =	vmand vm13, vm14;
	vm10 =	vlt.s32 v34, v9;
	v60 =	vsel vm7, v25, v16  }
0x150: {  	v41 =	vld [tilespmem:$0x80A0];
	v63 =	vsel vm8, v27, v18;
	v37 =	vsel vm8, v28, v19;
	vm8 =	veq.f32 v29, v10  }
0x151: {  	v44 =	vld [tilespmem:$0x8030];
	v62 =	vsel vm7, v26, v15;
	vm7 =	vgt.f32 v29, v10;
	vm8 =	vmand vm8, vm12  }
0x152: {  	v46 =	vld [tilespmem:$0x80B0];
	vm15 =	vgt.f32 v35, v7;
	vm12 =	vlt.s32 v36, v5;
	vm7 =	vmor vm7, vm8  }
0x153: {  	v47 =	vld [tilespmem:$0x8040];
	vm8 =	vgt.f32 v31, v12;
	vm11 =	vmand vm11, vm12;
	v42 =	vsel vm7, v29, v10  }
0x154: {  	v48 =	vld [tilespmem:$0x80C0];
	v43 =	vsel vm7, v30, v11;
	vm7 =	vmor vm8, vm9;
	vm8 =	vgt.f32 v33, v6  }
0x155: {  	v50 =	vld [tilespmem:$0x8050];
	vm9 =	veq.f32 v33, v6;
	vm13 =	veq.f32 v58, v13;
	vm14 =	vlt.s32 v61, v17  }
0x156: {  	v52 =	vld [tilespmem:$0x80D0];
	vm12 =	vlt.s32 v39, v59;
	v45 =	vsel vm7, v31, v12;
	vm9 =	vmand vm9, vm10  }
0x157: {  	v53 =	vld [tilespmem:$0x8060];
	v49 =	vsel vm7, v32, v8;
	vm7 =	vmor vm8, vm9;
	vm8 =	vmor vm15, vm11  }
0x158: {  	v54 =	vld [tilespmem:$0x80E0];
	vm9 =	vmand vm13, vm14;
	vm15 =	veq.f32 v38, v57;
	vm13 =	vgt.f32 v38, v57  }
0x159: {  	s7 =	rddreg [dreg:$0xf];
	v55 =	vld [tilespmem:$0x8070];
	vm14 =	vlt.s32 v41, v62;
	v6 =	vsel vm7, v33, v6;
	v51 =	vsel vm7, v34, v9  }
0x15a: {  	v56 =	vld [tilespmem:$0x80F0];
	[tilespmem:s17], [sflag:$0x5] =	stream.linear.gather [spmem:s7], $0x80, $0x38;
	v7 =	vsel vm8, v35, v7;
	vm7 =	vgt.f32 v58, v13;
	vm10 =	vmand vm15, vm12  }
0x15b: {  	_ =	swait.ge [sflag:s18], $0x80;
	v5 =	vsel vm8, v36, v5;
	vm15 =	veq.f32 v44, v63;
	vm7 =	vmor vm7, vm9  }
0x15c: {  	[sflag:s18] =	ssyncset.done $0x0;
	vm12 =	vlt.s32 v46, v37;
	vm8 =	vmor vm13, vm10;
	v13 =	vsel vm7, v58, v13  }
0x15d: {  	s8 =	rddreg [dreg:$0x10];
	[sflag:s18] =	ssyncadd.s32 $0xFFFFFF80;
	v20 =	vsel vm8, v38, v57;
	v14 =	vsel vm8, v39, v59;
	vm8 =	veq.f32 v40, v60  }
0x15e: {  	[tilespmem:s19], [sflag:$0x5] =	stream.linear.gather [spmem:s8], $0x80, $0x38;
	v17 =	vsel vm7, v61, v17;
	vm7 =	vgt.f32 v40, v60;
	vm8 =	vmand vm8, vm14;
	[tilespmem:$0x8280] =	vst v63  }
0x15f: {  	_ =	swait.ge [sflag:s18], $0x80;
	vm13 =	vgt.f32 v44, v63;
	vm14 =	vlt.s32 v48, v43;
	vm7 =	vmor vm7, vm8  }
0x160: {  	[sflag:s18] =	ssyncset.done $0x0;
	vm8 =	vmand vm15, vm12;
	vm15 =	veq.f32 v50, v45;
	vm12 =	vlt.s32 v52, v49  }
0x161: {  	[sflag:s18] =	ssyncadd.s32 $0xFFFFFF80;
	v16 =	vsel vm7, v40, v60;
	v15 =	vsel vm7, v41, v62;
	vm7 =	vmor vm13, vm8  }
0x162: {  	v59 =	vld [tilespmem:$0x8080];
	vm8 =	veq.f32 v47, v42;
	vm13 =	vgt.f32 v47, v42;
	vm9 =	vmand vm15, vm12  }
0x163: {  	vm15 =	veq.f32 v53, v6;
	vm12 =	vlt.s32 v54, v51;
	v18 =	vsel vm7, v44, v63  }
0x164: {  	v61 =	vld [tilespmem:$0x8090];
	vm8 =	vmand vm8, vm14;
	vm14 =	vgt.f32 v50, v45;
	v19 =	vsel vm7, v46, v37  }
0x165: {  	vm7 =	vmor vm13, vm8;
	vm8 =	vmor vm14, vm9;
	vm9 =	vmand vm15, vm12  }
0x166: {  	v57 =	vld [tilespmem:$0x8000];
	vm13 =	veq.f32 v55, v7;
	vm14 =	vlt.s32 v56, v5;
	vm15 =	vgt.f32 v55, v7  }
0x167: {  	v60 =	vld [tilespmem:$0x8010];
	vm12 =	vlt.s32 v59, v17;
	v10 =	vsel vm7, v47, v42;
	v11 =	vsel vm7, v48, v43  }
0x168: {  	v32 =	vld [tilespmem:$0x80A0];
	v58 =	vsel vm8, v50, v45;
	vm7 =	vgt.f32 v53, v6;
	vm10 =	vmand vm13, vm14  }
0x169: {  	v35 =	vld [tilespmem:$0x80B0];
	v63 =	vsel vm8, v52, v49;
	vm14 =	vlt.s32 v61, v14;
	vm7 =	vmor vm7, vm9  }
0x16a: {  	v62 =	vld [tilespmem:$0x8020];
	vm8 =	vmor vm15, vm10;
	v6 =	vsel vm7, v53, v6;
	v33 =	vsel vm7, v54, v51  }
0x16b: {  	v7 =	vsel vm8, v55, v7;
	v34 =	vsel vm8, v56, v5;
	vm8 =	veq.f32 v57, v13  }
0x16c: {  	vm7 =	vgt.f32 v57, v13;
	vm13 =	veq.f32 v60, v20;
	vm8 =	vmand vm8, vm12  }
0x16d: {  	vm10 =	vlt.s32 v32, v15;
	v5 =	vld [tilespmem:$0x8030];
	vm9 =	vmand vm13, vm14;
	vm7 =	vmor vm7, vm8  }
0x16e: {  	vm12 =	vlt.s32 v35, v19;
	vm8 =	vgt.f32 v60, v20;
	v13 =	vsel vm7, v57, v13  }
0x16f: {  	v37 =	vld [tilespmem:$0x8040];
	v12 =	vsel vm7, v59, v17;
	vm7 =	vmor vm8, vm9;
	vm9 =	veq.f32 v62, v16  }
0x170: {  	v38 =	vld [tilespmem:$0x80C0];
	vm8 =	vgt.f32 v62, v16;
	v36 =	vsel vm7, v60, v20;
	vm9 =	vmand vm9, vm10  }
0x171: {  	v39 =	vld [tilespmem:$0x80D0];
	v14 =	vsel vm7, v61, v14;
	v40 =	vperm.xlane v13, v1;
	v41 =	vperm.xlane v12, v1  }
0x172: {  	v42 =	vld [tilespmem:$0x8060];
	vm11 =	veq.f32 v5, v18;
	vm15 =	vgt.f32 v5, v18;
	vm7 =	vmor vm8, vm9  }
0x173: {  	v43 =	vld [tilespmem:$0x80E0];
	v50 =	vperm.xlane v36, v1;
	v51 =	vperm.xlane v14, v1;
	vm11 =	vmand vm11, vm12  }
0x174: {  	v16 =	vsel vm7, v62, v16;
	v15 =	vsel vm7, v32, v15;
	vm7 =	vgt.f32 v37, v10  }
0x175: {  	vm12 =	vlt.s32 v38, v11;
	vm13 =	veq.f32 v40, v13;
	vm14 =	vlt.s32 v41, v12  }
0x176: {  	vm8 =	vmor vm15, vm11;
	vm9 =	vmand vm13, vm14;
	vm13 =	vlt.s32 v39, v63  }
0x177: {  	v18 =	vsel vm8, v5, v18;
	v5 =	vld [tilespmem:$0x8050];
	v19 =	vsel vm8, v35, v19;
	vm8 =	veq.f32 v37, v10  }
0x178: {  	vm11 =	vlt.s32 v43, v33;
	vm14 =	vgt.f32 v42, v6;
	vm8 =	vmand vm8, vm12  }
0x179: {  	v57 =	vperm.xlane v16, v1;
	vm7 =	vmor vm7, vm8;
	vm8 =	vgt.f32 v40, v13  }
0x17a: {  	v29 =	vperm.xlane v18, v1;
	v30 =	vperm.xlane v19, v1;
	vm8 =	vmor vm8, vm9  }
0x17b: {  	v46 =	vsel vm7, v37, v10;
	v11 =	vsel vm7, v38, v11;
	v13 =	vsel vm8, v40, v13  }
0x17c: {  	v24 =	vsel vm8, v41, v12;
	vm15 =	vgt.f32 v5, v58;
	vm12 =	veq.f32 v5, v58  }
0x17d: {  	v44 =	vperm.xlane v13, v2;
	v45 =	vperm.xlane v24, v2;
	vm8 =	vmand vm12, vm13  }
0x17e: {  	v38 =	vperm.xlane v46, v1;
	vm7 =	vmor vm15, vm8;
	vm8 =	veq.f32 v42, v6  }
0x17f: {  	vm9 =	veq.f32 v44, v13;
	vm10 =	vlt.s32 v45, v24;
	vm12 =	vgt.f32 v44, v13  }
0x180: {  	vm9 =	vmand vm9, vm10;
	vm8 =	vmand vm8, vm11;
	v8 =	vsel vm7, v5, v58  }
0x181: {  	v47 =	vld [tilespmem:$0x8070];
	v10 =	vsel vm7, v39, v63;
	vm10 =	vlt.s32 v51, v14;
	v58 =	vperm.xlane v15, v1  }
0x182: {  	v39 =	vperm.xlane v11, v1;
	vm9 =	vmor vm12, vm9;
	vm8 =	vmor vm14, vm8  }
0x183: {  	v53 =	vld [tilespmem:$0x80F0];
	vm12 =	vgt.f32 v50, v36;
	v13 =	vsel vm9, v44, v13;
	v5 =	vsel vm8, v42, v6  }
0x184: {  	v49 =	vsel vm9, v45, v24;
	v6 =	vsel vm8, v43, v33;
	vm8 =	veq.f32 v50, v36  }
0x185: {  	v48 =	vperm.xlane v13, v3;
	v52 =	vperm.xlane v49, v3;
	vm8 =	vmand vm8, vm10  }
0x186: {  	vm9 =	vgt.f32 v47, v7;
	v45 =	vperm.xlane v8, v1;
	vm8 =	vmor vm12, vm8  }
0x187: {  	vm7 =	veq.f32 v48, v13;
	vm11 =	vlt.s32 v52, v49;
	vm15 =	vgt.f32 v48, v13  }
0x188: {  	v17 =	vsel vm8, v50, v36;
	v14 =	vsel vm8, v51, v14;
	vm8 =	vlt.s32 v53, v34  }
0x189: {  	v51 =	vperm.xlane v5, v1;
	vm7 =	vmand vm7, vm11;
	v54 =	vperm.xlane v17, v2  }
0x18a: {  	v55 =	vperm.xlane v14, v2;
	vm10 =	vmor vm15, vm7;
	vm7 =	veq.f32 v47, v7  }
0x18b: {  	v13 =	vsel vm10, v48, v13;
	vm11 =	vmand vm7, vm8;
	vm8 =	veq.f32 v54, v17  }
0x18c: {  	vm12 =	vlt.s32 v55, v14;
	v61 =	vsel vm10, v52, v49;
	v52 =	vperm.xlane v6, v1  }
0x18d: {  	v56 =	vperm.xlane v13, v4;
	vm8 =	vmand vm8, vm12;
	vm12 =	vgt.f32 v54, v17  }
0x18e: {  	vm9 =	vmor vm9, vm11;
	vm11 =	veq.f32 v57, v16;
	v28 =	vperm.xlane v61, v4  }
0x18f: {  	vm12 =	vmor vm12, vm8;
	v7 =	vsel vm9, v47, v7;
	v9 =	vsel vm9, v53, v34  }
0x190: {  	vm7 =	vgt.f32 v56, v13;
	vm8 =	veq.f32 v56, v13;
	v59 =	vsel vm12, v54, v17  }
0x191: {  	v14 =	vsel vm12, v55, v14;
	vm12 =	vlt.s32 v58, v15;
	v17 =	vperm.xlane v59, v3  }
0x192: {  	vm11 =	vmand vm11, vm12;
	vm12 =	vgt.f32 v57, v16;
	v60 =	vperm.xlane v14, v3  }
0x193: {  	v55 =	vperm.xlane v7, v1;
	v56 =	vperm.xlane v9, v1;
	vm11 =	vmor vm12, vm11  }
0x194: {  	vm10 =	vgt.f32 v17, v59;
	vm12 =	veq.f32 v17, v59;
	vm13 =	vlt.s32 v60, v14  }
0x195: {  	v16 =	vsel vm11, v57, v16;
	v15 =	vsel vm11, v58, v15;
	vm11 =	vmand vm12, vm13  }
0x196: {  	v62 =	vperm.xlane v16, v2;
	v63 =	vperm.xlane v15, v2;
	vm12 =	vlt.s32 v28, v61  }
0x197: {  	vm13 =	vgt.f32 v29, v18;
	vm9 =	vmor vm10, vm11;
	vm8 =	vmand vm8, vm12  }
0x198: {  	v13 =	vsel vm9, v17, v59;
	vm10 =	veq.f32 v62, v16;
	vm11 =	vlt.s32 v63, v15  }
0x199: {  	vm14 =	vgt.f32 v62, v16;
	v14 =	vsel vm9, v60, v14;
	vm7 =	vmor vm7, vm8  }
0x19a: {  	vm10 =	vmand vm10, vm11;
	v17 =	vperm.xlane v13, v4;
	v31 =	vperm.xlane v14, v4  }
0x19b: {  	vm11 =	vlt.s32 v30, v19;
	v21 =	vsel vm7, v28, v61;
	vm15 =	vmor vm14, vm10  }
0x19c: {  	vm10 =	veq.f32 v29, v18;
	v16 =	vsel vm15, v62, v16;
	v15 =	vsel vm15, v63, v15  }
0x19d: {  	vm9 =	vgt.f32 v17, v13;
	vm12 =	veq.f32 v17, v13;
	vm10 =	vmand vm10, vm11  }
0x19e: {  	vm8 =	vlt.s32 v31, v14;
	v32 =	vperm.xlane v16, v3;
	vm10 =	vmor vm13, vm10  }
0x19f: {  	v33 =	vperm.xlane v15, v3;
	vm8 =	vmand vm12, vm8;
	vm13 =	vgt.f32 v38, v46  }
0x1a0: {  	v18 =	vsel vm10, v29, v18;
	v19 =	vsel vm10, v30, v19;
	vm7 =	vmor vm9, vm8  }
0x1a1: {  	vm10 =	veq.f32 v32, v16;
	vm11 =	vlt.s32 v33, v15;
	vm12 =	vgt.f32 v32, v16  }
0x1a2: {  	v20 =	vperm.xlane v18, v2;
	v22 =	vperm.xlane v19, v2;
	vm10 =	vmand vm10, vm11  }
0x1a3: {  	v35 =	vsel vm7, v31, v14;
	vm11 =	vmmov $0x1;
	vm10 =	vmor vm12, vm10  }
0x1a4: {  	vm8 =	veq.f32 v20, v18;
	vm14 =	vlt.s32 v22, v19;
	vm15 =	vgt.f32 v20, v18  }
0x1a5: {  	vm12 =	vlt.s32 v39, v11;
	v21 =	vnsel vm11, $0x0, v21;
	v16 =	vsel vm10, v32, v16  }
0x1a6: {  	vm8 =	vmand vm8, vm14;
	v36 =	vsel vm10, v33, v15;
	v13 =	vsel vm0, v21, v35  }
0x1a7: {  	v34 =	vperm.xlane v16, v4;
	vm8 =	vmor vm15, vm8;
	v43 =	vperm.xlane v36, v4  }
0x1a8: {  	v37 =	vsel vm8, v20, v18;
	v40 =	vsel vm8, v22, v19;
	vm8 =	veq.f32 v38, v46  }
0x1a9: {  	vm7 =	vgt.f32 v34, v16;
	vm9 =	veq.f32 v34, v16;
	v41 =	vperm.xlane v37, v3  }
0x1aa: {  	v42 =	vperm.xlane v40, v3;
	vm8 =	vmand vm8, vm12;
	vm12 =	vlt.s32 v43, v36  }
0x1ab: {  	vm8 =	vmor vm13, vm8;
	vm9 =	vmand vm9, vm12;
	vm14 =	veq.f32 v41, v37  }
0x1ac: {  	vm15 =	vlt.s32 v42, v40;
	v12 =	vsel vm8, v38, v46;
	v11 =	vsel vm8, v39, v11  }
0x1ad: {  	vm8 =	vgt.f32 v41, v37;
	vm7 =	vmor vm7, vm9;
	vm10 =	vmand vm14, vm15  }
0x1ae: {  	v17 =	vperm.xlane v12, v2;
	v18 =	vperm.xlane v11, v2;
	vm8 =	vmor vm8, vm10  }
0x1af: {  	v46 =	vperm.xlane v10, v1;
	v15 =	vsel vm8, v41, v37;
	v16 =	vsel vm8, v42, v40  }
0x1b0: {  	vm8 =	veq.f32 v17, v12;
	vm12 =	vlt.s32 v18, v11;
	v19 =	vperm.xlane v15, v4  }
0x1b1: {  	vm13 =	vgt.f32 v17, v12;
	v20 =	vperm.xlane v16, v4;
	vm8 =	vmand vm8, vm12  }
0x1b2: {  	v14 =	vsel vm7, v43, v36;
	vm8 =	vmor vm13, vm8;
	vm14 =	veq.f32 v19, v15  }
0x1b3: {  	vm15 =	vlt.s32 v20, v16;
	v12 =	vsel vm8, v17, v12;
	vm12 =	vgt.f32 v19, v15  }
0x1b4: {  	v11 =	vsel vm8, v18, v11;
	vm9 =	vmand vm14, vm15;
	v44 =	vperm.xlane v12, v3  }
0x1b5: {  	vm10 =	vlt.s32 v46, v10;
	v47 =	vperm.xlane v11, v3;
	vm7 =	vmor vm12, vm9  }
0x1b6: {  	vm9 =	veq.f32 v45, v8;
	vm12 =	vgt.f32 v45, v8;
	vm8 =	veq.f32 v44, v12  }
0x1b7: {  	vm11 =	vlt.s32 v47, v11;
	vm9 =	vmand vm9, vm10;
	vm13 =	vgt.f32 v44, v12  }
0x1b8: {  	v16 =	vsel vm7, v20, v16;
	vm8 =	vmand vm8, vm11;
	vm9 =	vmor vm12, vm9  }
0x1b9: {  	vm8 =	vmor vm13, vm8;
	v8 =	vsel vm9, v45, v8;
	v10 =	vsel vm9, v46, v10  }
0x1ba: {  	v12 =	vsel vm8, v44, v12;
	v48 =	vperm.xlane v8, v2;
	v49 =	vperm.xlane v10, v2  }
0x1bb: {  	vm13 =	vlt.s32 v52, v6;
	v11 =	vsel vm8, v47, v11;
	v50 =	vperm.xlane v12, v4  }
0x1bc: {  	v19 =	vperm.xlane v11, v4;
	vm7 =	veq.f32 v48, v8;
	vm8 =	vlt.s32 v49, v10  }
0x1bd: {  	vm15 =	vgt.f32 v48, v8;
	vm14 =	vgt.f32 v50, v12;
	vm7 =	vmand vm7, vm8  }
0x1be: {  	vm8 =	veq.f32 v50, v12;
	vm12 =	vlt.s32 v19, v11;
	vm7 =	vmor vm15, vm7  }
0x1bf: {  	vm8 =	vmand vm8, vm12;
	v8 =	vsel vm7, v48, v8;
	v10 =	vsel vm7, v49, v10  }
0x1c0: {  	vm7 =	veq.f32 v51, v5;
	vm8 =	vmor vm14, vm8;
	v53 =	vperm.xlane v8, v3  }
0x1c1: {  	vm14 =	vgt.f32 v51, v5;
	v54 =	vperm.xlane v10, v3;
	vm7 =	vmand vm7, vm13  }
0x1c2: {  	v11 =	vsel vm8, v19, v11;
	vm7 =	vmor vm14, vm7;
	vm15 =	veq.f32 v53, v8  }
0x1c3: {  	vm12 =	vlt.s32 v54, v10;
	vm13 =	vgt.f32 v53, v8;
	v5 =	vsel vm7, v51, v5  }
0x1c4: {  	v6 =	vsel vm7, v52, v6;
	vm10 =	vmand vm15, vm12;
	v12 =	vperm.xlane v5, v2  }
0x1c5: {  	v15 =	vperm.xlane v6, v2;
	vm15 =	vlt.s32 v56, v9;
	vm9 =	vmor vm13, vm10  }
0x1c6: {  	vm12 =	vgt.f32 v55, v7;
	v8 =	vsel vm9, v53, v8;
	v10 =	vsel vm9, v54, v10  }
0x1c7: {  	vm7 =	veq.f32 v12, v5;
	vm8 =	vlt.s32 v15, v6;
	vm14 =	vgt.f32 v12, v5  }
0x1c8: {  	v17 =	vperm.xlane v8, v4;
	vm7 =	vmand vm7, vm8;
	vm8 =	veq.f32 v55, v7  }
0x1c9: {  	v57 =	vperm.xlane v10, v4;
	vm7 =	vmor vm14, vm7;
	vm8 =	vmand vm8, vm15  }
0x1ca: {  	v5 =	vsel vm7, v12, v5;
	v6 =	vsel vm7, v15, v6;
	vm7 =	vmor vm12, vm8  }
0x1cb: {  	v12 =	vperm.xlane v5, v3;
	v7 =	vsel vm7, v55, v7;
	v9 =	vsel vm7, v56, v9  }
0x1cc: {  	v13 =	vsel vm1, v13, v14;
	v18 =	vperm.xlane v7, v2;
	v19 =	vperm.xlane v9, v2  }
0x1cd: {  	vm8 =	vlt.s32 v57, v10;
	v15 =	vperm.xlane v6, v3;
	vm7 =	veq.f32 v17, v8  }
0x1ce: {  	vm13 =	veq.f32 v12, v5;
	vm10 =	veq.f32 v18, v7;
	vm11 =	vlt.s32 v19, v9  }
0x1cf: {  	vm14 =	vlt.s32 v15, v6;
	vm15 =	vgt.f32 v18, v7;
	vm10 =	vmand vm10, vm11  }
0x1d0: {  	vm7 =	vmand vm7, vm8;
	vm9 =	vmand vm13, vm14;
	vm13 =	vmor vm15, vm10  }
0x1d1: {  	vm12 =	vgt.f32 v12, v5;
	v7 =	vsel vm13, v18, v7;
	v9 =	vsel vm13, v19, v9  }
0x1d2: {  	vm8 =	vmor vm12, vm9;
	v58 =	vperm.xlane v7, v3;
	v59 =	vperm.xlane v9, v3  }
0x1d3: {  	v13 =	vsel vm2, v13, v16;
	vm14 =	vgt.f32 v17, v8;
	v5 =	vsel vm8, v12, v5  }
0x1d4: {  	v6 =	vsel vm8, v15, v6;
	vm8 =	veq.f32 v58, v7;
	vm15 =	vlt.s32 v59, v9  }
0x1d5: {  	v12 =	vperm.xlane v5, v4;
	vm12 =	vgt.f32 v58, v7;
	vm8 =	vmand vm8, vm15  }
0x1d6: {  	vm7 =	vmor vm14, vm7;
	v60 =	vperm.xlane v6, v4;
	vm8 =	vmor vm12, vm8  }
0x1d7: {  	vm13 =	veq.f32 v12, v5;
	v7 =	vsel vm8, v58, v7;
	v61 =	vsel vm8, v59, v9  }
0x1d8: {  	vm8 =	vlt.s32 v60, v6;
	v62 =	vperm.xlane v7, v4;
	v63 =	vperm.xlane v61, v4  }
0x1d9: {  	v10 =	vsel vm7, v57, v10;
	vm7 =	vgt.f32 v12, v5;
	vm8 =	vmand vm13, vm8  }
0x1da: {  	vm7 =	vmor vm7, vm8;
	vm8 =	veq.f32 v62, v7;
	vm14 =	vlt.s32 v63, v61  }
0x1db: {  	v5 =	vsel vm3, v13, v11;
	vm15 =	vgt.f32 v62, v7;
	vm8 =	vmand vm8, vm14  }
0x1dc: {  	v5 =	vsel vm4, v5, v10;
	v6 =	vsel vm7, v60, v6;
	vm7 =	vmor vm15, vm8  }
0x1dd: {  	v5 =	vsel vm5, v5, v6;
	v6 =	vsel vm7, v63, v61  }
0x1de: {  	v5 =	vsel vm6, v5, v6  }
.Ltmp11:
0x1df: {  	s5 =	simm.s32 $0x8100;
	s9 =	rddreg [dreg:$0x11];
	[tilespmem:$0x8100] =	vst v5;
	(pc) =	sbr.rel .LBB2_19-.Ltmp11, $4  }
0x1e0: {  	[hbm4b:s9+s2] =	stream.linear.scatter [tilespmem:s5], [sflag:$0x5], $0x8, $0x38;
	[tilespmem:$0x8280] =	vst v63  }
0x1e1: {  	_ =	swait.ge [sflag:s18], $0x8  }
0x1e2: {  	[sflag:s18] =	ssyncset.done $0x0  }
0x1e3: {  	[sflag:s18] =	ssyncadd.s32 $0xFFFFFFF8  }
.LBB2_20:
0x1e4: {  	_ =	sfence.sel $0x180000  }
0x1e5: {  	[bflag:$0x0] =	sbarrier.arrive $0xFFFF  }
0x1e6: {  	_ =	strace $0x90000047  }
0x1e7: {  	s0 =	stileid.u32;
	[bflag:$0x2] =	sbarrier.arrive $0xFFFF  }
0x1e8: {  	p0 =	sne.s32 s0, $0x0;
	s0 =	rddreg [dreg:$0x4]  }
0x1e9: {  	s0 =	sadd.s32 @!p0 $0x100000, s0  }
0x1ea: {  	[sflag:s0] =	ssyncadd.tile.s32 @!p0 $0x1;
	_ =	shalt  }
.Lfunc_end2:
_tile_overlayer_lowered:
.L_overlay_start_2:
0x1eb: {  	(tag) =	ssettag $0x2  }
0x1ec: {  	s0 =	rddreg [dreg:$0x0];
	s2 =	stileid.u32  }
0x1ed: {  	s1 =	rddreg [dreg:$0x1];
	p0 =	sne.s32 s2, $0x0  }
0x1ee: {  	s3 =	rddreg [dreg:$0x2];
	[bflag:$0x3] =	sbarrier.arrive $0xFFFF;
	s2 =	simm.s32 @!p0 $0x1C05  }
0x1ef: {  	[timem:s3], [sflag:s2] =	dma.local @!p0 [hbm:s0], s1  }
0x1f0: {  	s0 =	simm.s32 @!p0 $0x5  }
0x1f1: {  	_ =	swait.ge @!p0 [sflag:s0], s1  }
0x1f2: {  	s1 =	ssub.s32 @!p0 $0x0, s1;
	[sflag:s0] =	ssyncset.done @!p0 $0x0  }
0x1f3: {  	[sflag:s0] =	ssyncadd.s32 @!p0 s1  }
0x1f4: {  	[bflag:$0x3] =	sbarrier.arrive $0xFFFF  }
0x1f5: {  	_ =	shalt  }

</sc_bundles>
